<compile_context>
chip_gen: v7x
topology: tpu7x:2x2x1
jax: 0.10.2.dev20260603
libtpu: 0.0.44.dev20260713+nightly
codegen_flags: <defaults>
</compile_context>

<pallas_src>
import jax
import jax.numpy as jnp
from jax import lax
from jax.experimental import pallas as pl
from jax.experimental.pallas import tpu as pltpu
from jax.experimental.pallas import tpu_sc as plsc

BATCH = 1024
SEQ = 200
EMBED_DIM = 64
SCALE = 8.0
VOCAB_ROWS = 1000000

NUM_CORES = 2
NUM_SUBCORES = 16
NW = NUM_CORES * NUM_SUBCORES
SEQ_PER_W = BATCH // NW
ROWS_PER_W = SEQ_PER_W * SEQ
SPLIT = 96
NBUF = 4
VREGS_PER_ROW = EMBED_DIM // 16


def _pe_kernel_body(src_hbm, pe_hbm, table_hbm, out_hbm, idx_v, pe_v, *bufs):
    ins = bufs[0:NBUF]
    outs = bufs[NBUF : 2 * NBUF]
    sin = bufs[2 * NBUF : 3 * NBUF]
    sout = bufs[3 * NBUF : 4 * NBUF]

    wid = lax.axis_index("s") * NUM_CORES + lax.axis_index("c")
    bbase = wid * SEQ_PER_W

    pltpu.sync_copy(src_hbm.at[wid], idx_v)
    pltpu.sync_copy(pe_hbm, pe_v)

    def start_gathers(s, b):
        o = s * SEQ
        pltpu.async_copy(
            table_hbm.at[idx_v.at[pl.ds(o, SPLIT)]], ins[b].at[pl.ds(0, SPLIT)], sin[b]
        )
        pltpu.async_copy(
            table_hbm.at[idx_v.at[pl.ds(o + SPLIT, SEQ - SPLIT)]],
            ins[b].at[pl.ds(SPLIT, SEQ - SPLIT)],
            sin[b],
        )

    def wait_gathers(s, b):
        o = s * SEQ
        pltpu.make_async_copy(
            table_hbm.at[idx_v.at[pl.ds(o, SPLIT)]], ins[b].at[pl.ds(0, SPLIT)], sin[b]
        ).wait()
        pltpu.make_async_copy(
            table_hbm.at[idx_v.at[pl.ds(o + SPLIT, SEQ - SPLIT)]],
            ins[b].at[pl.ds(SPLIT, SEQ - SPLIT)],
            sin[b],
        ).wait()

    for b in range(NBUF):
        start_gathers(b, b)

    def block_body(g0, _):
        g = g0 * NBUF
        for b in range(NBUF):
            s = g + b
            wait_gathers(s, b)
            @pl.when(s >= NBUF)
            def _():
                pltpu.make_async_copy(out_hbm.at[0], outs[b], sout[b]).wait()

            def row_body(r, _):
                for d in range(VREGS_PER_ROW):
                    o = d * 16
                    outs[b][r, pl.ds(o, 16)] = (
                        ins[b][r, pl.ds(o, 16)] * SCALE + pe_v[r, pl.ds(o, 16)]
                    )
                return ()

            lax.fori_loop(0, SEQ, row_body, (), unroll=4)

            pltpu.async_copy(outs[b], out_hbm.at[bbase + s], sout[b])

            @pl.when(s + NBUF < SEQ_PER_W)
            def _():
                start_gathers(s + NBUF, b)

        return ()

    lax.fori_loop(0, SEQ_PER_W // NBUF, block_body, ())

    for b in range(NBUF):
        pltpu.make_async_copy(out_hbm.at[0], outs[b], sout[b]).wait()


@jax.jit
def kernel(src, table, pe):
    src_r = src.reshape(NW, ROWS_PER_W)
    pe_seq = pe[:SEQ]
    tableL = lax.optimization_barrier(
        table.reshape(VOCAB_ROWS * EMBED_DIM)
    ).reshape(VOCAB_ROWS, EMBED_DIM)

    mesh = plsc.VectorSubcoreMesh(core_axis_name="c", subcore_axis_name="s")
    out = pl.kernel(
        _pe_kernel_body,
        out_type=jax.ShapeDtypeStruct((BATCH, SEQ, EMBED_DIM), jnp.float32),
        mesh=mesh,
        compiler_params=pltpu.CompilerParams(use_tc_tiling_on_sc=False),
        scratch_types=(
            [
                pltpu.VMEM((ROWS_PER_W,), jnp.int32),
                pltpu.VMEM((SEQ, EMBED_DIM), jnp.float32),
            ]
            + [pltpu.VMEM((SEQ, EMBED_DIM), jnp.float32) for _ in range(2 * NBUF)]
            + [pltpu.SemaphoreType.DMA for _ in range(2 * NBUF)]
        ),
    )(src_r, pe_seq, tableL)
    return out

# --- scband reference (transcript-rebuilt; emitter-appended) ---
"""Pipeline reference for scband-positional-embedding-32933809226065 (READ-ONLY COPY).

The authoritative reference and input builder live on the scoring server;
editing this copy changes nothing except your own understanding.
"""

import math
import jax, jax.numpy as jnp
import numpy as np

VOCAB = 1000000
EMBED_DIM = 64
MAX_SEQ_LEN = 256
BATCH = 1024
SEQ = 200


def build_pe(max_seq_len, embed_dim):
    pos = np.arange(max_seq_len, dtype=np.float64)[:, None]
    i = np.arange(0, embed_dim, 2, dtype=np.float64)[None, :]
    div = np.power(10000.0, i / embed_dim)
    angles = pos / div
    pe = np.zeros((max_seq_len, embed_dim), dtype=np.float32)
    pe[:, 0::2] = np.sin(angles)
    pe[:, 1::2] = np.cos(angles)
    return jnp.asarray(pe)


def setup_inputs(seed: int = 0) -> dict:
    key = jax.random.key(seed)
    k_src, k_tab = jax.random.split(key)
    src = jax.random.randint(k_src, (BATCH, SEQ), 0, VOCAB, dtype=jnp.int32)
    # nn.Embedding default init: N(0, 1)
    table = jax.random.normal(k_tab, (VOCAB, EMBED_DIM), dtype=jnp.float32)
    pe = build_pe(MAX_SEQ_LEN, EMBED_DIM)
    return {"src": src, "table": table, "pe": pe}


def reference(src, table, pe):
    # embed = self.embedding(src)
    embed = jnp.take(table, src, axis=0)  # [B, L, D]
    seq_len = src.shape[1]
    positional_encoding = pe[:seq_len, :]  # [L, D]
    scale = math.sqrt(EMBED_DIM)
    positional_embedding = embed * scale + positional_encoding
    # dropout p=0.0 -> identity
    return positional_embedding

if __name__ == "__main__":
    import jax
    _d = setup_inputs()
    print(jax.jit(kernel)(*tuple(_d.values())))

</pallas_src>

<mosaic_0001>
#map = affine_map<(d0, d1) -> (0, 0)>
#map1 = affine_map<(d0, d1) -> (0, 0, 0)>
module attributes {stable_mosaic.version = 14 : i64} {
  func.func @_pe_kernel_body(%arg0: i32, %arg1: i32, %arg2: memref<32x6400xi32, #tpu.memory_space<hbm>>, %arg3: memref<200x64xf32, #tpu.memory_space<hbm>>, %arg4: memref<1000000x64xf32, #tpu.memory_space<hbm>>, %arg5: memref<1024x200x64xf32, #tpu.memory_space<hbm>>, %arg6: memref<6400xi32, #tpu.memory_space<vmem>>, %arg7: memref<200x64xf32, #tpu.memory_space<vmem>>, %arg8: memref<200x64xf32, #tpu.memory_space<vmem>>, %arg9: memref<200x64xf32, #tpu.memory_space<vmem>>, %arg10: memref<200x64xf32, #tpu.memory_space<vmem>>, %arg11: memref<200x64xf32, #tpu.memory_space<vmem>>, %arg12: memref<200x64xf32, #tpu.memory_space<vmem>>, %arg13: memref<200x64xf32, #tpu.memory_space<vmem>>, %arg14: memref<200x64xf32, #tpu.memory_space<vmem>>, %arg15: memref<200x64xf32, #tpu.memory_space<vmem>>, %arg16: memref<!tpu.dma_semaphore, #tpu.memory_space<semaphore_mem>>, %arg17: memref<!tpu.dma_semaphore, #tpu.memory_space<semaphore_mem>>, %arg18: memref<!tpu.dma_semaphore, #tpu.memory_space<semaphore_mem>>, %arg19: memref<!tpu.dma_semaphore, #tpu.memory_space<semaphore_mem>>, %arg20: memref<!tpu.dma_semaphore, #tpu.memory_space<semaphore_mem>>, %arg21: memref<!tpu.dma_semaphore, #tpu.memory_space<semaphore_mem>>, %arg22: memref<!tpu.dma_semaphore, #tpu.memory_space<semaphore_mem>>, %arg23: memref<!tpu.dma_semaphore, #tpu.memory_space<semaphore_mem>>) attributes {dimension_semantics = [#tpu.dimension_semantics<core_parallel>, #tpu.dimension_semantics<subcore_parallel>], iteration_bounds = array<i64: 2, 16>, scalar_prefetch = 0 : i64, scratch_operands = 18 : i64, tpu.core_type = #tpu.core_type<sc_vector_subcore>, window_params = [{transform_indices = #map}, {transform_indices = #map}, {transform_indices = #map}, {transform_indices = #map1}]} {
    %mul3A = arith.constant 2 : i32
    %mul3A_0 = arith.muli %arg1, %mul3A : i32
    %add3A = arith.addi %mul3A_0, %arg0 : i32
    %mul3A_1 = arith.constant 32 : i32
    %mul3A_2 = arith.muli %add3A, %mul3A_1 : i32
    "tpu.region"() ({
      %run_scoped3A = tpu.sem_alloc : memref<!tpu.dma_semaphore, #tpu.memory_space<semaphore_mem>>
      %dma_start3A_105 = arith.constant 0 : i32
      %dma_start3A_106 = tpu.memref_slice %arg2[%add3A, %dma_start3A_105] : memref<32x6400xi32, #tpu.memory_space<hbm>> -> memref<1x6400xi32, #tpu.memory_space<hbm>>
      %dma_start3A_107 = tpu.memref_squeeze %dma_start3A_106 : memref<1x6400xi32, #tpu.memory_space<hbm>> -> memref<6400xi32, #tpu.memory_space<hbm>>
      %dma_start3A_108 = arith.constant 0 : i32
      %dma_start3A_109 = tpu.memref_slice %arg2[%add3A, %dma_start3A_108] : memref<32x6400xi32, #tpu.memory_space<hbm>> -> memref<1x6400xi32, #tpu.memory_space<hbm>>
      %dma_start3A_110 = tpu.memref_squeeze %dma_start3A_109 : memref<1x6400xi32, #tpu.memory_space<hbm>> -> memref<6400xi32, #tpu.memory_space<hbm>>
      tpu.enqueue_dma source(%dma_start3A_110 : memref<6400xi32, #tpu.memory_space<hbm>>) target(%arg6 : memref<6400xi32, #tpu.memory_space<vmem>>) target_semaphore(%run_scoped3A : memref<!tpu.dma_semaphore, #tpu.memory_space<semaphore_mem>>)
      %dma_wait3A_111 = arith.constant 0 : i32
      %dma_wait3A_112 = tpu.memref_slice %arg2[%add3A, %dma_wait3A_111] : memref<32x6400xi32, #tpu.memory_space<hbm>> -> memref<1x6400xi32, #tpu.memory_space<hbm>>
      %dma_wait3A_113 = tpu.memref_squeeze %dma_wait3A_112 : memref<1x6400xi32, #tpu.memory_space<hbm>> -> memref<6400xi32, #tpu.memory_space<hbm>>
      %dma_wait3A_114 = arith.constant 0 : i32
      %dma_wait3A_115 = tpu.memref_slice %arg2[%add3A, %dma_wait3A_114] : memref<32x6400xi32, #tpu.memory_space<hbm>> -> memref<1x6400xi32, #tpu.memory_space<hbm>>
      %dma_wait3A_116 = tpu.memref_squeeze %dma_wait3A_115 : memref<1x6400xi32, #tpu.memory_space<hbm>> -> memref<6400xi32, #tpu.memory_space<hbm>>
      tpu.wait_dma2 semaphore(%run_scoped3A : memref<!tpu.dma_semaphore, #tpu.memory_space<semaphore_mem>>) src(%dma_wait3A_116 : memref<6400xi32, #tpu.memory_space<hbm>>) dst(%arg6 : memref<6400xi32, #tpu.memory_space<vmem>>)
      tpu.yield
    }) : () -> ()
    "tpu.region"() ({
      %run_scoped3A = tpu.sem_alloc : memref<!tpu.dma_semaphore, #tpu.memory_space<semaphore_mem>>
      tpu.enqueue_dma source(%arg3 : memref<200x64xf32, #tpu.memory_space<hbm>>) target(%arg7 : memref<200x64xf32, #tpu.memory_space<vmem>>) target_semaphore(%run_scoped3A : memref<!tpu.dma_semaphore, #tpu.memory_space<semaphore_mem>>)
      tpu.wait_dma2 semaphore(%run_scoped3A : memref<!tpu.dma_semaphore, #tpu.memory_space<semaphore_mem>>) src(%arg3 : memref<200x64xf32, #tpu.memory_space<hbm>>) dst(%arg7 : memref<200x64xf32, #tpu.memory_space<vmem>>)
      tpu.yield
    }) : () -> ()
    %dma_start3A = arith.constant 0 : i32
    %dma_start3A_3 = arith.constant 0 : i32
    %dma_start3A_4 = tpu.memref_slice %arg8[%dma_start3A, %dma_start3A_3] : memref<200x64xf32, #tpu.memory_space<vmem>> -> memref<96x64xf32, #tpu.memory_space<vmem>>
    %dma_start3A_5 = arith.constant 0 : i32
    %dma_start3A_6 = tpu.memref_slice %arg6[%dma_start3A_5] : memref<6400xi32, #tpu.memory_space<vmem>> -> memref<96xi32, #tpu.memory_space<vmem>>
    %dma_start3A_7 = arith.constant 0 : i32
    %dma_start3A_8 = arith.constant 0 : i32
    %dma_start3A_9 = tpu.memref_slice %arg4[%dma_start3A_7, %dma_start3A_8] : memref<1000000x64xf32, #tpu.memory_space<hbm>> -> memref<1000000x64xf32, #tpu.memory_space<hbm>>
    tpu.enqueue_indirect_dma source(%dma_start3A_9 : memref<1000000x64xf32, #tpu.memory_space<hbm>>) target(%dma_start3A_4 : memref<96x64xf32, #tpu.memory_space<vmem>>) offsets(%dma_start3A_6 : memref<96xi32, #tpu.memory_space<vmem>>) semaphore(%arg16 : memref<!tpu.dma_semaphore, #tpu.memory_space<semaphore_mem>>)
    %dma_start3A_10 = arith.constant 96 : i32
    %dma_start3A_11 = arith.constant 0 : i32
    %dma_start3A_12 = tpu.memref_slice %arg8[%dma_start3A_10, %dma_start3A_11] : memref<200x64xf32, #tpu.memory_space<vmem>> -> memref<104x64xf32, #tpu.memory_space<vmem>>
    %dma_start3A_13 = arith.constant 96 : i32
    %dma_start3A_14 = tpu.memref_slice %arg6[%dma_start3A_13] : memref<6400xi32, #tpu.memory_space<vmem>> -> memref<104xi32, #tpu.memory_space<vmem>>
    %dma_start3A_15 = arith.constant 0 : i32
    %dma_start3A_16 = arith.constant 0 : i32
    %dma_start3A_17 = tpu.memref_slice %arg4[%dma_start3A_15, %dma_start3A_16] : memref<1000000x64xf32, #tpu.memory_space<hbm>> -> memref<1000000x64xf32, #tpu.memory_space<hbm>>
    tpu.enqueue_indirect_dma source(%dma_start3A_17 : memref<1000000x64xf32, #tpu.memory_space<hbm>>) target(%dma_start3A_12 : memref<104x64xf32, #tpu.memory_space<vmem>>) offsets(%dma_start3A_14 : memref<104xi32, #tpu.memory_space<vmem>>) semaphore(%arg16 : memref<!tpu.dma_semaphore, #tpu.memory_space<semaphore_mem>>)
    %dma_start3A_18 = arith.constant 0 : i32
    %dma_start3A_19 = arith.constant 0 : i32
    %dma_start3A_20 = tpu.memref_slice %arg9[%dma_start3A_18, %dma_start3A_19] : memref<200x64xf32, #tpu.memory_space<vmem>> -> memref<96x64xf32, #tpu.memory_space<vmem>>
    %dma_start3A_21 = arith.constant 200 : i32
    %dma_start3A_22 = tpu.memref_slice %arg6[%dma_start3A_21] : memref<6400xi32, #tpu.memory_space<vmem>> -> memref<96xi32, #tpu.memory_space<vmem>>
    %dma_start3A_23 = arith.constant 0 : i32
    %dma_start3A_24 = arith.constant 0 : i32
    %dma_start3A_25 = tpu.memref_slice %arg4[%dma_start3A_23, %dma_start3A_24] : memref<1000000x64xf32, #tpu.memory_space<hbm>> -> memref<1000000x64xf32, #tpu.memory_space<hbm>>
    tpu.enqueue_indirect_dma source(%dma_start3A_25 : memref<1000000x64xf32, #tpu.memory_space<hbm>>) target(%dma_start3A_20 : memref<96x64xf32, #tpu.memory_space<vmem>>) offsets(%dma_start3A_22 : memref<96xi32, #tpu.memory_space<vmem>>) semaphore(%arg17 : memref<!tpu.dma_semaphore, #tpu.memory_space<semaphore_mem>>)
    %dma_start3A_26 = arith.constant 96 : i32
    %dma_start3A_27 = arith.constant 0 : i32
    %dma_start3A_28 = tpu.memref_slice %arg9[%dma_start3A_26, %dma_start3A_27] : memref<200x64xf32, #tpu.memory_space<vmem>> -> memref<104x64xf32, #tpu.memory_space<vmem>>
    %dma_start3A_29 = arith.constant 296 : i32
    %dma_start3A_30 = tpu.memref_slice %arg6[%dma_start3A_29] : memref<6400xi32, #tpu.memory_space<vmem>> -> memref<104xi32, #tpu.memory_space<vmem>>
    %dma_start3A_31 = arith.constant 0 : i32
    %dma_start3A_32 = arith.constant 0 : i32
    %dma_start3A_33 = tpu.memref_slice %arg4[%dma_start3A_31, %dma_start3A_32] : memref<1000000x64xf32, #tpu.memory_space<hbm>> -> memref<1000000x64xf32, #tpu.memory_space<hbm>>
    tpu.enqueue_indirect_dma source(%dma_start3A_33 : memref<1000000x64xf32, #tpu.memory_space<hbm>>) target(%dma_start3A_28 : memref<104x64xf32, #tpu.memory_space<vmem>>) offsets(%dma_start3A_30 : memref<104xi32, #tpu.memory_space<vmem>>) semaphore(%arg17 : memref<!tpu.dma_semaphore, #tpu.memory_space<semaphore_mem>>)
    %dma_start3A_34 = arith.constant 0 : i32
    %dma_start3A_35 = arith.constant 0 : i32
    %dma_start3A_36 = tpu.memref_slice %arg10[%dma_start3A_34, %dma_start3A_35] : memref<200x64xf32, #tpu.memory_space<vmem>> -> memref<96x64xf32, #tpu.memory_space<vmem>>
    %dma_start3A_37 = arith.constant 400 : i32
    %dma_start3A_38 = tpu.memref_slice %arg6[%dma_start3A_37] : memref<6400xi32, #tpu.memory_space<vmem>> -> memref<96xi32, #tpu.memory_space<vmem>>
    %dma_start3A_39 = arith.constant 0 : i32
    %dma_start3A_40 = arith.constant 0 : i32
    %dma_start3A_41 = tpu.memref_slice %arg4[%dma_start3A_39, %dma_start3A_40] : memref<1000000x64xf32, #tpu.memory_space<hbm>> -> memref<1000000x64xf32, #tpu.memory_space<hbm>>
    tpu.enqueue_indirect_dma source(%dma_start3A_41 : memref<1000000x64xf32, #tpu.memory_space<hbm>>) target(%dma_start3A_36 : memref<96x64xf32, #tpu.memory_space<vmem>>) offsets(%dma_start3A_38 : memref<96xi32, #tpu.memory_space<vmem>>) semaphore(%arg18 : memref<!tpu.dma_semaphore, #tpu.memory_space<semaphore_mem>>)
    %dma_start3A_42 = arith.constant 96 : i32
    %dma_start3A_43 = arith.constant 0 : i32
    %dma_start3A_44 = tpu.memref_slice %arg10[%dma_start3A_42, %dma_start3A_43] : memref<200x64xf32, #tpu.memory_space<vmem>> -> memref<104x64xf32, #tpu.memory_space<vmem>>
    %dma_start3A_45 = arith.constant 496 : i32
    %dma_start3A_46 = tpu.memref_slice %arg6[%dma_start3A_45] : memref<6400xi32, #tpu.memory_space<vmem>> -> memref<104xi32, #tpu.memory_space<vmem>>
    %dma_start3A_47 = arith.constant 0 : i32
    %dma_start3A_48 = arith.constant 0 : i32
    %dma_start3A_49 = tpu.memref_slice %arg4[%dma_start3A_47, %dma_start3A_48] : memref<1000000x64xf32, #tpu.memory_space<hbm>> -> memref<1000000x64xf32, #tpu.memory_space<hbm>>
    tpu.enqueue_indirect_dma source(%dma_start3A_49 : memref<1000000x64xf32, #tpu.memory_space<hbm>>) target(%dma_start3A_44 : memref<104x64xf32, #tpu.memory_space<vmem>>) offsets(%dma_start3A_46 : memref<104xi32, #tpu.memory_space<vmem>>) semaphore(%arg18 : memref<!tpu.dma_semaphore, #tpu.memory_space<semaphore_mem>>)
    %dma_start3A_50 = arith.constant 0 : i32
    %dma_start3A_51 = arith.constant 0 : i32
    %dma_start3A_52 = tpu.memref_slice %arg11[%dma_start3A_50, %dma_start3A_51] : memref<200x64xf32, #tpu.memory_space<vmem>> -> memref<96x64xf32, #tpu.memory_space<vmem>>
    %dma_start3A_53 = arith.constant 600 : i32
    %dma_start3A_54 = tpu.memref_slice %arg6[%dma_start3A_53] : memref<6400xi32, #tpu.memory_space<vmem>> -> memref<96xi32, #tpu.memory_space<vmem>>
    %dma_start3A_55 = arith.constant 0 : i32
    %dma_start3A_56 = arith.constant 0 : i32
    %dma_start3A_57 = tpu.memref_slice %arg4[%dma_start3A_55, %dma_start3A_56] : memref<1000000x64xf32, #tpu.memory_space<hbm>> -> memref<1000000x64xf32, #tpu.memory_space<hbm>>
    tpu.enqueue_indirect_dma source(%dma_start3A_57 : memref<1000000x64xf32, #tpu.memory_space<hbm>>) target(%dma_start3A_52 : memref<96x64xf32, #tpu.memory_space<vmem>>) offsets(%dma_start3A_54 : memref<96xi32, #tpu.memory_space<vmem>>) semaphore(%arg19 : memref<!tpu.dma_semaphore, #tpu.memory_space<semaphore_mem>>)
    %dma_start3A_58 = arith.constant 96 : i32
    %dma_start3A_59 = arith.constant 0 : i32
    %dma_start3A_60 = tpu.memref_slice %arg11[%dma_start3A_58, %dma_start3A_59] : memref<200x64xf32, #tpu.memory_space<vmem>> -> memref<104x64xf32, #tpu.memory_space<vmem>>
    %dma_start3A_61 = arith.constant 696 : i32
    %dma_start3A_62 = tpu.memref_slice %arg6[%dma_start3A_61] : memref<6400xi32, #tpu.memory_space<vmem>> -> memref<104xi32, #tpu.memory_space<vmem>>
    %dma_start3A_63 = arith.constant 0 : i32
    %dma_start3A_64 = arith.constant 0 : i32
    %dma_start3A_65 = tpu.memref_slice %arg4[%dma_start3A_63, %dma_start3A_64] : memref<1000000x64xf32, #tpu.memory_space<hbm>> -> memref<1000000x64xf32, #tpu.memory_space<hbm>>
    tpu.enqueue_indirect_dma source(%dma_start3A_65 : memref<1000000x64xf32, #tpu.memory_space<hbm>>) target(%dma_start3A_60 : memref<104x64xf32, #tpu.memory_space<vmem>>) offsets(%dma_start3A_62 : memref<104xi32, #tpu.memory_space<vmem>>) semaphore(%arg19 : memref<!tpu.dma_semaphore, #tpu.memory_space<semaphore_mem>>)
    %scan3A = arith.constant 0 : i32
    %scan3A_66 = arith.constant 8 : i32
    %scan3A_67 = arith.addi %scan3A, %scan3A_66 : i32
    %scan3A_68 = arith.constant 1 : i32
    scf.for %scan3A_105 = %scan3A to %scan3A_67 step %scan3A_68  : i32 {
      %mul3A_106 = arith.constant 4 : i32
      %mul3A_107 = arith.muli %scan3A_105, %mul3A_106 : i32
      %add3A_108 = arith.constant 0 : i32
      %add3A_109 = arith.addi %mul3A_107, %add3A_108 : i32
      %mul3A_110 = arith.constant 200 : i32
      %mul3A_111 = arith.muli %add3A_109, %mul3A_110 : i32
      %dma_wait3A_112 = arith.constant 0 : i32
      %dma_wait3A_113 = arith.constant 0 : i32
      %dma_wait3A_114 = tpu.memref_slice %arg8[%dma_wait3A_112, %dma_wait3A_113] : memref<200x64xf32, #tpu.memory_space<vmem>> -> memref<96x64xf32, #tpu.memory_space<vmem>>
      %dma_wait3A_115 = tpu.memref_slice %arg6[%mul3A_111] : memref<6400xi32, #tpu.memory_space<vmem>> -> memref<96xi32, #tpu.memory_space<vmem>>
      %dma_wait3A_116 = arith.constant 0 : i32
      %dma_wait3A_117 = arith.constant 0 : i32
      %dma_wait3A_118 = tpu.memref_slice %arg4[%dma_wait3A_116, %dma_wait3A_117] : memref<1000000x64xf32, #tpu.memory_space<hbm>> -> memref<1000000x64xf32, #tpu.memory_space<hbm>>
      tpu.wait_indirect_dma semaphore(%arg16 : memref<!tpu.dma_semaphore, #tpu.memory_space<semaphore_mem>>) src(%dma_wait3A_118 : memref<1000000x64xf32, #tpu.memory_space<hbm>>) dst(%dma_wait3A_114 : memref<96x64xf32, #tpu.memory_space<vmem>>)
      %add3A_119 = arith.constant 96 : i32
      %add3A_120 = arith.addi %mul3A_111, %add3A_119 : i32
      %dma_wait3A_121 = arith.constant 96 : i32
      %dma_wait3A_122 = arith.constant 0 : i32
      %dma_wait3A_123 = tpu.memref_slice %arg8[%dma_wait3A_121, %dma_wait3A_122] : memref<200x64xf32, #tpu.memory_space<vmem>> -> memref<104x64xf32, #tpu.memory_space<vmem>>
      %dma_wait3A_124 = tpu.memref_slice %arg6[%add3A_120] : memref<6400xi32, #tpu.memory_space<vmem>> -> memref<104xi32, #tpu.memory_space<vmem>>
      %dma_wait3A_125 = arith.constant 0 : i32
      %dma_wait3A_126 = arith.constant 0 : i32
      %dma_wait3A_127 = tpu.memref_slice %arg4[%dma_wait3A_125, %dma_wait3A_126] : memref<1000000x64xf32, #tpu.memory_space<hbm>> -> memref<1000000x64xf32, #tpu.memory_space<hbm>>
      tpu.wait_indirect_dma semaphore(%arg16 : memref<!tpu.dma_semaphore, #tpu.memory_space<semaphore_mem>>) src(%dma_wait3A_127 : memref<1000000x64xf32, #tpu.memory_space<hbm>>) dst(%dma_wait3A_123 : memref<104x64xf32, #tpu.memory_space<vmem>>)
      %ge3A = arith.constant 4 : i32
      %ge3A_128 = arith.cmpi sge, %add3A_109, %ge3A : i32
      %convert_element_type3A = arith.extui %ge3A_128 : i1 to i32
      %cond3A = arith.constant 0 : i32
      %cond3A_129 = arith.cmpi ne, %convert_element_type3A, %cond3A : i32
      scf.if %cond3A_129 {
        %dma_wait3A_288 = arith.constant 0 : i32
        %dma_wait3A_289 = arith.constant 0 : i32
        %dma_wait3A_290 = arith.constant 0 : i32
        %dma_wait3A_291 = tpu.memref_slice %arg5[%dma_wait3A_288, %dma_wait3A_289, %dma_wait3A_290] : memref<1024x200x64xf32, #tpu.memory_space<hbm>> -> memref<1x200x64xf32, #tpu.memory_space<hbm>>
        %dma_wait3A_292 = tpu.memref_squeeze %dma_wait3A_291 : memref<1x200x64xf32, #tpu.memory_space<hbm>> -> memref<200x64xf32, #tpu.memory_space<hbm>>
        %dma_wait3A_293 = arith.constant 0 : i32
        %dma_wait3A_294 = arith.constant 0 : i32
        %dma_wait3A_295 = tpu.memref_slice %arg5[%dma_wait3A_288, %dma_wait3A_293, %dma_wait3A_294] : memref<1024x200x64xf32, #tpu.memory_space<hbm>> -> memref<1x200x64xf32, #tpu.memory_space<hbm>>
        %dma_wait3A_296 = tpu.memref_squeeze %dma_wait3A_295 : memref<1x200x64xf32, #tpu.memory_space<hbm>> -> memref<200x64xf32, #tpu.memory_space<hbm>>
        tpu.wait_dma2 semaphore(%arg20 : memref<!tpu.dma_semaphore, #tpu.memory_space<semaphore_mem>>) src(%dma_wait3A_296 : memref<200x64xf32, #tpu.memory_space<hbm>>) dst(%arg12 : memref<200x64xf32, #tpu.memory_space<vmem>>)
      } else {
      }
      %scan3A_130 = arith.constant 0 : i32
      %scan3A_131 = arith.constant 200 : i32
      %scan3A_132 = arith.addi %scan3A_130, %scan3A_131 : i32
      %scan3A_133 = arith.constant 4 : i32
      scf.for %scan3A_288 = %scan3A_130 to %scan3A_132 step %scan3A_133  : i32 {
        %get3A = arith.index_cast %scan3A_288 : i32 to index
        %get3A_289 = arith.constant 0 : index
        %get3A_290 = tpu.vector_load %arg8[%get3A, %get3A_289] {strides = array<i32>} : memref<200x64xf32, #tpu.memory_space<vmem>>, vector<1x16xf32>,
        %get3A_291 = vector.shape_cast %get3A_290 : vector<1x16xf32> to vector<16xf32>
        %mul3A_292 = arith.constant 8.000000e+00 : f32
        %mul3A_293 = vector.broadcast %mul3A_292 : f32 to vector<16xf32>
        %mul3A_294 = arith.mulf %get3A_291, %mul3A_293 : vector<16xf32>
        %get3A_295 = arith.index_cast %scan3A_288 : i32 to index
        %get3A_296 = arith.constant 0 : index
        %get3A_297 = tpu.vector_load %arg7[%get3A_295, %get3A_296] {strides = array<i32>} : memref<200x64xf32, #tpu.memory_space<vmem>>, vector<1x16xf32>,
        %get3A_298 = vector.shape_cast %get3A_297 : vector<1x16xf32> to vector<16xf32>
        %add3A_299 = arith.addf %mul3A_294, %get3A_298 : vector<16xf32>
        %swap3A = arith.index_cast %scan3A_288 : i32 to index
        %swap3A_300 = arith.constant 0 : index
        %swap3A_301 = tpu.vector_load %arg12[%swap3A, %swap3A_300] {strides = array<i32>} : memref<200x64xf32, #tpu.memory_space<vmem>>, vector<1x16xf32>,
        %swap3A_302 = vector.shape_cast %swap3A_301 : vector<1x16xf32> to vector<16xf32>
        %swap3A_303 = vector.shape_cast %add3A_299 : vector<16xf32> to vector<1x16xf32>
        tpu.vector_store %arg12[%swap3A, %swap3A_300], %swap3A_303 {strides = array<i32>} : memref<200x64xf32, #tpu.memory_space<vmem>>, vector<1x16xf32>,
        %get3A_304 = arith.index_cast %scan3A_288 : i32 to index
        %get3A_305 = arith.constant 16 : index
        %get3A_306 = tpu.vector_load %arg8[%get3A_304, %get3A_305] {strides = array<i32>} : memref<200x64xf32, #tpu.memory_space<vmem>>, vector<1x16xf32>,
        %get3A_307 = vector.shape_cast %get3A_306 : vector<1x16xf32> to vector<16xf32>
        %mul3A_308 = arith.constant 8.000000e+00 : f32
        %mul3A_309 = vector.broadcast %mul3A_308 : f32 to vector<16xf32>
        %mul3A_310 = arith.mulf %get3A_307, %mul3A_309 : vector<16xf32>
        %get3A_311 = arith.index_cast %scan3A_288 : i32 to index
        %get3A_312 = arith.constant 16 : index
        %get3A_313 = tpu.vector_load %arg7[%get3A_311, %get3A_312] {strides = array<i32>} : memref<200x64xf32, #tpu.memory_space<vmem>>, vector<1x16xf32>,
        %get3A_314 = vector.shape_cast %get3A_313 : vector<1x16xf32> to vector<16xf32>
        %add3A_315 = arith.addf %mul3A_310, %get3A_314 : vector<16xf32>
        %swap3A_316 = arith.index_cast %scan3A_288 : i32 to index
        %swap3A_317 = arith.constant 16 : index
        %swap3A_318 = tpu.vector_load %arg12[%swap3A_316, %swap3A_317] {strides = array<i32>} : memref<200x64xf32, #tpu.memory_space<vmem>>, vector<1x16xf32>,
        %swap3A_319 = vector.shape_cast %swap3A_318 : vector<1x16xf32> to vector<16xf32>
        %swap3A_320 = vector.shape_cast %add3A_315 : vector<16xf32> to vector<1x16xf32>
        tpu.vector_store %arg12[%swap3A_316, %swap3A_317], %swap3A_320 {strides = array<i32>} : memref<200x64xf32, #tpu.memory_space<vmem>>, vector<1x16xf32>,
        %get3A_321 = arith.index_cast %scan3A_288 : i32 to index
        %get3A_322 = arith.constant 32 : index
        %get3A_323 = tpu.vector_load %arg8[%get3A_321, %get3A_322] {strides = array<i32>} : memref<200x64xf32, #tpu.memory_space<vmem>>, vector<1x16xf32>,
        %get3A_324 = vector.shape_cast %get3A_323 : vector<1x16xf32> to vector<16xf32>
        %mul3A_325 = arith.constant 8.000000e+00 : f32
        %mul3A_326 = vector.broadcast %mul3A_325 : f32 to vector<16xf32>
        %mul3A_327 = arith.mulf %get3A_324, %mul3A_326 : vector<16xf32>
        %get3A_328 = arith.index_cast %scan3A_288 : i32 to index
        %get3A_329 = arith.constant 32 : index
        %get3A_330 = tpu.vector_load %arg7[%get3A_328, %get3A_329] {strides = array<i32>} : memref<200x64xf32, #tpu.memory_space<vmem>>, vector<1x16xf32>,
        %get3A_331 = vector.shape_cast %get3A_330 : vector<1x16xf32> to vector<16xf32>
        %add3A_332 = arith.addf %mul3A_327, %get3A_331 : vector<16xf32>
        %swap3A_333 = arith.index_cast %scan3A_288 : i32 to index
        %swap3A_334 = arith.constant 32 : index
        %swap3A_335 = tpu.vector_load %arg12[%swap3A_333, %swap3A_334] {strides = array<i32>} : memref<200x64xf32, #tpu.memory_space<vmem>>, vector<1x16xf32>,
        %swap3A_336 = vector.shape_cast %swap3A_335 : vector<1x16xf32> to vector<16xf32>
        %swap3A_337 = vector.shape_cast %add3A_332 : vector<16xf32> to vector<1x16xf32>
        tpu.vector_store %arg12[%swap3A_333, %swap3A_334], %swap3A_337 {strides = array<i32>} : memref<200x64xf32, #tpu.memory_space<vmem>>, vector<1x16xf32>,
        %get3A_338 = arith.index_cast %scan3A_288 : i32 to index
        %get3A_339 = arith.constant 48 : index
        %get3A_340 = tpu.vector_load %arg8[%get3A_338, %get3A_339] {strides = array<i32>} : memref<200x64xf32, #tpu.memory_space<vmem>>, vector<1x16xf32>,
        %get3A_341 = vector.shape_cast %get3A_340 : vector<1x16xf32> to vector<16xf32>
        %mul3A_342 = arith.constant 8.000000e+00 : f32
        %mul3A_343 = vector.broadcast %mul3A_342 : f32 to vector<16xf32>
        %mul3A_344 = arith.mulf %get3A_341, %mul3A_343 : vector<16xf32>
        %get3A_345 = arith.index_cast %scan3A_288 : i32 to index
        %get3A_346 = arith.constant 48 : index
        %get3A_347 = tpu.vector_load %arg7[%get3A_345, %get3A_346] {strides = array<i32>} : memref<200x64xf32, #tpu.memory_space<vmem>>, vector<1x16xf32>,
        %get3A_348 = vector.shape_cast %get3A_347 : vector<1x16xf32> to vector<16xf32>
        %add3A_349 = arith.addf %mul3A_344, %get3A_348 : vector<16xf32>
        %swap3A_350 = arith.index_cast %scan3A_288 : i32 to index
        %swap3A_351 = arith.constant 48 : index
        %swap3A_352 = tpu.vector_load %arg12[%swap3A_350, %swap3A_351] {strides = array<i32>} : memref<200x64xf32, #tpu.memory_space<vmem>>, vector<1x16xf32>,
        %swap3A_353 = vector.shape_cast %swap3A_352 : vector<1x16xf32> to vector<16xf32>
        %swap3A_354 = vector.shape_cast %add3A_349 : vector<16xf32> to vector<1x16xf32>
        tpu.vector_store %arg12[%swap3A_350, %swap3A_351], %swap3A_354 {strides = array<i32>} : memref<200x64xf32, #tpu.memory_space<vmem>>, vector<1x16xf32>,
        %scan3A_355 = arith.constant 1 : i32
        %scan3A_356 = arith.addi %scan3A_288, %scan3A_355 : i32
        %get3A_357 = arith.index_cast %scan3A_356 : i32 to index
        %get3A_358 = arith.constant 0 : index
        %get3A_359 = tpu.vector_load %arg8[%get3A_357, %get3A_358] {strides = array<i32>} : memref<200x64xf32, #tpu.memory_space<vmem>>, vector<1x16xf32>,
        %get3A_360 = vector.shape_cast %get3A_359 : vector<1x16xf32> to vector<16xf32>
        %mul3A_361 = arith.constant 8.000000e+00 : f32
        %mul3A_362 = vector.broadcast %mul3A_361 : f32 to vector<16xf32>
        %mul3A_363 = arith.mulf %get3A_360, %mul3A_362 : vector<16xf32>
        %get3A_364 = arith.index_cast %scan3A_356 : i32 to index
        %get3A_365 = arith.constant 0 : index
        %get3A_366 = tpu.vector_load %arg7[%get3A_364, %get3A_365] {strides = array<i32>} : memref<200x64xf32, #tpu.memory_space<vmem>>, vector<1x16xf32>,
        %get3A_367 = vector.shape_cast %get3A_366 : vector<1x16xf32> to vector<16xf32>
        %add3A_368 = arith.addf %mul3A_363, %get3A_367 : vector<16xf32>
        %swap3A_369 = arith.index_cast %scan3A_356 : i32 to index
        %swap3A_370 = arith.constant 0 : index
        %swap3A_371 = tpu.vector_load %arg12[%swap3A_369, %swap3A_370] {strides = array<i32>} : memref<200x64xf32, #tpu.memory_space<vmem>>, vector<1x16xf32>,
        %swap3A_372 = vector.shape_cast %swap3A_371 : vector<1x16xf32> to vector<16xf32>
        %swap3A_373 = vector.shape_cast %add3A_368 : vector<16xf32> to vector<1x16xf32>
        tpu.vector_store %arg12[%swap3A_369, %swap3A_370], %swap3A_373 {strides = array<i32>} : memref<200x64xf32, #tpu.memory_space<vmem>>, vector<1x16xf32>,
        %get3A_374 = arith.index_cast %scan3A_356 : i32 to index
        %get3A_375 = arith.constant 16 : index
        %get3A_376 = tpu.vector_load %arg8[%get3A_374, %get3A_375] {strides = array<i32>} : memref<200x64xf32, #tpu.memory_space<vmem>>, vector<1x16xf32>,
        %get3A_377 = vector.shape_cast %get3A_376 : vector<1x16xf32> to vector<16xf32>
        %mul3A_378 = arith.constant 8.000000e+00 : f32
        %mul3A_379 = vector.broadcast %mul3A_378 : f32 to vector<16xf32>
        %mul3A_380 = arith.mulf %get3A_377, %mul3A_379 : vector<16xf32>
        %get3A_381 = arith.index_cast %scan3A_356 : i32 to index
        %get3A_382 = arith.constant 16 : index
        %get3A_383 = tpu.vector_load %arg7[%get3A_381, %get3A_382] {strides = array<i32>} : memref<200x64xf32, #tpu.memory_space<vmem>>, vector<1x16xf32>,
        %get3A_384 = vector.shape_cast %get3A_383 : vector<1x16xf32> to vector<16xf32>
        %add3A_385 = arith.addf %mul3A_380, %get3A_384 : vector<16xf32>
        %swap3A_386 = arith.index_cast %scan3A_356 : i32 to index
        %swap3A_387 = arith.constant 16 : index
        %swap3A_388 = tpu.vector_load %arg12[%swap3A_386, %swap3A_387] {strides = array<i32>} : memref<200x64xf32, #tpu.memory_space<vmem>>, vector<1x16xf32>,
        %swap3A_389 = vector.shape_cast %swap3A_388 : vector<1x16xf32> to vector<16xf32>
        %swap3A_390 = vector.shape_cast %add3A_385 : vector<16xf32> to vector<1x16xf32>
        tpu.vector_store %arg12[%swap3A_386, %swap3A_387], %swap3A_390 {strides = array<i32>} : memref<200x64xf32, #tpu.memory_space<vmem>>, vector<1x16xf32>,
        %get3A_391 = arith.index_cast %scan3A_356 : i32 to index
        %get3A_392 = arith.constant 32 : index
        %get3A_393 = tpu.vector_load %arg8[%get3A_391, %get3A_392] {strides = array<i32>} : memref<200x64xf32, #tpu.memory_space<vmem>>, vector<1x16xf32>,
        %get3A_394 = vector.shape_cast %get3A_393 : vector<1x16xf32> to vector<16xf32>
        %mul3A_395 = arith.constant 8.000000e+00 : f32
        %mul3A_396 = vector.broadcast %mul3A_395 : f32 to vector<16xf32>
        %mul3A_397 = arith.mulf %get3A_394, %mul3A_396 : vector<16xf32>
        %get3A_398 = arith.index_cast %scan3A_356 : i32 to index
        %get3A_399 = arith.constant 32 : index
        %get3A_400 = tpu.vector_load %arg7[%get3A_398, %get3A_399] {strides = array<i32>} : memref<200x64xf32, #tpu.memory_space<vmem>>, vector<1x16xf32>,
        %get3A_401 = vector.shape_cast %get3A_400 : vector<1x16xf32> to vector<16xf32>
        %add3A_402 = arith.addf %mul3A_397, %get3A_401 : vector<16xf32>
        %swap3A_403 = arith.index_cast %scan3A_356 : i32 to index
        %swap3A_404 = arith.constant 32 : index
        %swap3A_405 = tpu.vector_load %arg12[%swap3A_403, %swap3A_404] {strides = array<i32>} : memref<200x64xf32, #tpu.memory_space<vmem>>, vector<1x16xf32>,
        %swap3A_406 = vector.shape_cast %swap3A_405 : vector<1x16xf32> to vector<16xf32>
        %swap3A_407 = vector.shape_cast %add3A_402 : vector<16xf32> to vector<1x16xf32>
        tpu.vector_store %arg12[%swap3A_403, %swap3A_404], %swap3A_407 {strides = array<i32>} : memref<200x64xf32, #tpu.memory_space<vmem>>, vector<1x16xf32>,
        %get3A_408 = arith.index_cast %scan3A_356 : i32 to index
        %get3A_409 = arith.constant 48 : index
        %get3A_410 = tpu.vector_load %arg8[%get3A_408, %get3A_409] {strides = array<i32>} : memref<200x64xf32, #tpu.memory_space<vmem>>, vector<1x16xf32>,
        %get3A_411 = vector.shape_cast %get3A_410 : vector<1x16xf32> to vector<16xf32>
        %mul3A_412 = arith.constant 8.000000e+00 : f32
        %mul3A_413 = vector.broadcast %mul3A_412 : f32 to vector<16xf32>
        %mul3A_414 = arith.mulf %get3A_411, %mul3A_413 : vector<16xf32>
        %get3A_415 = arith.index_cast %scan3A_356 : i32 to index
        %get3A_416 = arith.constant 48 : index
        %get3A_417 = tpu.vector_load %arg7[%get3A_415, %get3A_416] {strides = array<i32>} : memref<200x64xf32, #tpu.memory_space<vmem>>, vector<1x16xf32>,
        %get3A_418 = vector.shape_cast %get3A_417 : vector<1x16xf32> to vector<16xf32>
        %add3A_419 = arith.addf %mul3A_414, %get3A_418 : vector<16xf32>
        %swap3A_420 = arith.index_cast %scan3A_356 : i32 to index
        %swap3A_421 = arith.constant 48 : index
        %swap3A_422 = tpu.vector_load %arg12[%swap3A_420, %swap3A_421] {strides = array<i32>} : memref<200x64xf32, #tpu.memory_space<vmem>>, vector<1x16xf32>,
        %swap3A_423 = vector.shape_cast %swap3A_422 : vector<1x16xf32> to vector<16xf32>
        %swap3A_424 = vector.shape_cast %add3A_419 : vector<16xf32> to vector<1x16xf32>
        tpu.vector_store %arg12[%swap3A_420, %swap3A_421], %swap3A_424 {strides = array<i32>} : memref<200x64xf32, #tpu.memory_space<vmem>>, vector<1x16xf32>,
        %scan3A_425 = arith.constant 2 : i32
        %scan3A_426 = arith.addi %scan3A_288, %scan3A_425 : i32
        %get3A_427 = arith.index_cast %scan3A_426 : i32 to index
        %get3A_428 = arith.constant 0 : index
        %get3A_429 = tpu.vector_load %arg8[%get3A_427, %get3A_428] {strides = array<i32>} : memref<200x64xf32, #tpu.memory_space<vmem>>, vector<1x16xf32>,
        %get3A_430 = vector.shape_cast %get3A_429 : vector<1x16xf32> to vector<16xf32>
        %mul3A_431 = arith.constant 8.000000e+00 : f32
        %mul3A_432 = vector.broadcast %mul3A_431 : f32 to vector<16xf32>
        %mul3A_433 = arith.mulf %get3A_430, %mul3A_432 : vector<16xf32>
        %get3A_434 = arith.index_cast %scan3A_426 : i32 to index
        %get3A_435 = arith.constant 0 : index
        %get3A_436 = tpu.vector_load %arg7[%get3A_434, %get3A_435] {strides = array<i32>} : memref<200x64xf32, #tpu.memory_space<vmem>>, vector<1x16xf32>,
        %get3A_437 = vector.shape_cast %get3A_436 : vector<1x16xf32> to vector<16xf32>
        %add3A_438 = arith.addf %mul3A_433, %get3A_437 : vector<16xf32>
        %swap3A_439 = arith.index_cast %scan3A_426 : i32 to index
        %swap3A_440 = arith.constant 0 : index
        %swap3A_441 = tpu.vector_load %arg12[%swap3A_439, %swap3A_440] {strides = array<i32>} : memref<200x64xf32, #tpu.memory_space<vmem>>, vector<1x16xf32>,
        %swap3A_442 = vector.shape_cast %swap3A_441 : vector<1x16xf32> to vector<16xf32>
        %swap3A_443 = vector.shape_cast %add3A_438 : vector<16xf32> to vector<1x16xf32>
        tpu.vector_store %arg12[%swap3A_439, %swap3A_440], %swap3A_443 {strides = array<i32>} : memref<200x64xf32, #tpu.memory_space<vmem>>, vector<1x16xf32>,
        %get3A_444 = arith.index_cast %scan3A_426 : i32 to index
        %get3A_445 = arith.constant 16 : index
        %get3A_446 = tpu.vector_load %arg8[%get3A_444, %get3A_445] {strides = array<i32>} : memref<200x64xf32, #tpu.memory_space<vmem>>, vector<1x16xf32>,
        %get3A_447 = vector.shape_cast %get3A_446 : vector<1x16xf32> to vector<16xf32>
        %mul3A_448 = arith.constant 8.000000e+00 : f32
        %mul3A_449 = vector.broadcast %mul3A_448 : f32 to vector<16xf32>
        %mul3A_450 = arith.mulf %get3A_447, %mul3A_449 : vector<16xf32>
        %get3A_451 = arith.index_cast %scan3A_426 : i32 to index
        %get3A_452 = arith.constant 16 : index
        %get3A_453 = tpu.vector_load %arg7[%get3A_451, %get3A_452] {strides = array<i32>} : memref<200x64xf32, #tpu.memory_space<vmem>>, vector<1x16xf32>,
        %get3A_454 = vector.shape_cast %get3A_453 : vector<1x16xf32> to vector<16xf32>
        %add3A_455 = arith.addf %mul3A_450, %get3A_454 : vector<16xf32>
        %swap3A_456 = arith.index_cast %scan3A_426 : i32 to index
        %swap3A_457 = arith.constant 16 : index
        %swap3A_458 = tpu.vector_load %arg12[%swap3A_456, %swap3A_457] {strides = array<i32>} : memref<200x64xf32, #tpu.memory_space<vmem>>, vector<1x16xf32>,
        %swap3A_459 = vector.shape_cast %swap3A_458 : vector<1x16xf32> to vector<16xf32>
        %swap3A_460 = vector.shape_cast %add3A_455 : vector<16xf32> to vector<1x16xf32>
        tpu.vector_store %arg12[%swap3A_456, %swap3A_457], %swap3A_460 {strides = array<i32>} : memref<200x64xf32, #tpu.memory_space<vmem>>, vector<1x16xf32>,
        %get3A_461 = arith.index_cast %scan3A_426 : i32 to index
        %get3A_462 = arith.constant 32 : index
        %get3A_463 = tpu.vector_load %arg8[%get3A_461, %get3A_462] {strides = array<i32>} : memref<200x64xf32, #tpu.memory_space<vmem>>, vector<1x16xf32>,
        %get3A_464 = vector.shape_cast %get3A_463 : vector<1x16xf32> to vector<16xf32>
        %mul3A_465 = arith.constant 8.000000e+00 : f32
        %mul3A_466 = vector.broadcast %mul3A_465 : f32 to vector<16xf32>
        %mul3A_467 = arith.mulf %get3A_464, %mul3A_466 : vector<16xf32>
        %get3A_468 = arith.index_cast %scan3A_426 : i32 to index
        %get3A_469 = arith.constant 32 : index
        %get3A_470 = tpu.vector_load %arg7[%get3A_468, %get3A_469] {strides = array<i32>} : memref<200x64xf32, #tpu.memory_space<vmem>>, vector<1x16xf32>,
        %get3A_471 = vector.shape_cast %get3A_470 : vector<1x16xf32> to vector<16xf32>
        %add3A_472 = arith.addf %mul3A_467, %get3A_471 : vector<16xf32>
        %swap3A_473 = arith.index_cast %scan3A_426 : i32 to index
        %swap3A_474 = arith.constant 32 : index
        %swap3A_475 = tpu.vector_load %arg12[%swap3A_473, %swap3A_474] {strides = array<i32>} : memref<200x64xf32, #tpu.memory_space<vmem>>, vector<1x16xf32>,
        %swap3A_476 = vector.shape_cast %swap3A_475 : vector<1x16xf32> to vector<16xf32>
        %swap3A_477 = vector.shape_cast %add3A_472 : vector<16xf32> to vector<1x16xf32>
        tpu.vector_store %arg12[%swap3A_473, %swap3A_474], %swap3A_477 {strides = array<i32>} : memref<200x64xf32, #tpu.memory_space<vmem>>, vector<1x16xf32>,
        %get3A_478 = arith.index_cast %scan3A_426 : i32 to index
        %get3A_479 = arith.constant 48 : index
        %get3A_480 = tpu.vector_load %arg8[%get3A_478, %get3A_479] {strides = array<i32>} : memref<200x64xf32, #tpu.memory_space<vmem>>, vector<1x16xf32>,
        %get3A_481 = vector.shape_cast %get3A_480 : vector<1x16xf32> to vector<16xf32>
        %mul3A_482 = arith.constant 8.000000e+00 : f32
        %mul3A_483 = vector.broadcast %mul3A_482 : f32 to vector<16xf32>
        %mul3A_484 = arith.mulf %get3A_481, %mul3A_483 : vector<16xf32>
        %get3A_485 = arith.index_cast %scan3A_426 : i32 to index
        %get3A_486 = arith.constant 48 : index
        %get3A_487 = tpu.vector_load %arg7[%get3A_485, %get3A_486] {strides = array<i32>} : memref<200x64xf32, #tpu.memory_space<vmem>>, vector<1x16xf32>,
        %get3A_488 = vector.shape_cast %get3A_487 : vector<1x16xf32> to vector<16xf32>
        %add3A_489 = arith.addf %mul3A_484, %get3A_488 : vector<16xf32>
        %swap3A_490 = arith.index_cast %scan3A_426 : i32 to index
        %swap3A_491 = arith.constant 48 : index
        %swap3A_492 = tpu.vector_load %arg12[%swap3A_490, %swap3A_491] {strides = array<i32>} : memref<200x64xf32, #tpu.memory_space<vmem>>, vector<1x16xf32>,
        %swap3A_493 = vector.shape_cast %swap3A_492 : vector<1x16xf32> to vector<16xf32>
        %swap3A_494 = vector.shape_cast %add3A_489 : vector<16xf32> to vector<1x16xf32>
        tpu.vector_store %arg12[%swap3A_490, %swap3A_491], %swap3A_494 {strides = array<i32>} : memref<200x64xf32, #tpu.memory_space<vmem>>, vector<1x16xf32>,
        %scan3A_495 = arith.constant 3 : i32
        %scan3A_496 = arith.addi %scan3A_288, %scan3A_495 : i32
        %get3A_497 = arith.index_cast %scan3A_496 : i32 to index
        %get3A_498 = arith.constant 0 : index
        %get3A_499 = tpu.vector_load %arg8[%get3A_497, %get3A_498] {strides = array<i32>} : memref<200x64xf32, #tpu.memory_space<vmem>>, vector<1x16xf32>,
        %get3A_500 = vector.shape_cast %get3A_499 : vector<1x16xf32> to vector<16xf32>
        %mul3A_501 = arith.constant 8.000000e+00 : f32
        %mul3A_502 = vector.broadcast %mul3A_501 : f32 to vector<16xf32>
        %mul3A_503 = arith.mulf %get3A_500, %mul3A_502 : vector<16xf32>
        %get3A_504 = arith.index_cast %scan3A_496 : i32 to index
        %get3A_505 = arith.constant 0 : index
        %get3A_506 = tpu.vector_load %arg7[%get3A_504, %get3A_505] {strides = array<i32>} : memref<200x64xf32, #tpu.memory_space<vmem>>, vector<1x16xf32>,
        %get3A_507 = vector.shape_cast %get3A_506 : vector<1x16xf32> to vector<16xf32>
        %add3A_508 = arith.addf %mul3A_503, %get3A_507 : vector<16xf32>
        %swap3A_509 = arith.index_cast %scan3A_496 : i32 to index
        %swap3A_510 = arith.constant 0 : index
        %swap3A_511 = tpu.vector_load %arg12[%swap3A_509, %swap3A_510] {strides = array<i32>} : memref<200x64xf32, #tpu.memory_space<vmem>>, vector<1x16xf32>,
        %swap3A_512 = vector.shape_cast %swap3A_511 : vector<1x16xf32> to vector<16xf32>
        %swap3A_513 = vector.shape_cast %add3A_508 : vector<16xf32> to vector<1x16xf32>
        tpu.vector_store %arg12[%swap3A_509, %swap3A_510], %swap3A_513 {strides = array<i32>} : memref<200x64xf32, #tpu.memory_space<vmem>>, vector<1x16xf32>,
        %get3A_514 = arith.index_cast %scan3A_496 : i32 to index
        %get3A_515 = arith.constant 16 : index
        %get3A_516 = tpu.vector_load %arg8[%get3A_514, %get3A_515] {strides = array<i32>} : memref<200x64xf32, #tpu.memory_space<vmem>>, vector<1x16xf32>,
        %get3A_517 = vector.shape_cast %get3A_516 : vector<1x16xf32> to vector<16xf32>
        %mul3A_518 = arith.constant 8.000000e+00 : f32
        %mul3A_519 = vector.broadcast %mul3A_518 : f32 to vector<16xf32>
        %mul3A_520 = arith.mulf %get3A_517, %mul3A_519 : vector<16xf32>
        %get3A_521 = arith.index_cast %scan3A_496 : i32 to index
        %get3A_522 = arith.constant 16 : index
        %get3A_523 = tpu.vector_load %arg7[%get3A_521, %get3A_522] {strides = array<i32>} : memref<200x64xf32, #tpu.memory_space<vmem>>, vector<1x16xf32>,
        %get3A_524 = vector.shape_cast %get3A_523 : vector<1x16xf32> to vector<16xf32>
        %add3A_525 = arith.addf %mul3A_520, %get3A_524 : vector<16xf32>
        %swap3A_526 = arith.index_cast %scan3A_496 : i32 to index
        %swap3A_527 = arith.constant 16 : index
        %swap3A_528 = tpu.vector_load %arg12[%swap3A_526, %swap3A_527] {strides = array<i32>} : memref<200x64xf32, #tpu.memory_space<vmem>>, vector<1x16xf32>,
        %swap3A_529 = vector.shape_cast %swap3A_528 : vector<1x16xf32> to vector<16xf32>
        %swap3A_530 = vector.shape_cast %add3A_525 : vector<16xf32> to vector<1x16xf32>
        tpu.vector_store %arg12[%swap3A_526, %swap3A_527], %swap3A_530 {strides = array<i32>} : memref<200x64xf32, #tpu.memory_space<vmem>>, vector<1x16xf32>,
        %get3A_531 = arith.index_cast %scan3A_496 : i32 to index
        %get3A_532 = arith.constant 32 : index
        %get3A_533 = tpu.vector_load %arg8[%get3A_531, %get3A_532] {strides = array<i32>} : memref<200x64xf32, #tpu.memory_space<vmem>>, vector<1x16xf32>,
        %get3A_534 = vector.shape_cast %get3A_533 : vector<1x16xf32> to vector<16xf32>
        %mul3A_535 = arith.constant 8.000000e+00 : f32
        %mul3A_536 = vector.broadcast %mul3A_535 : f32 to vector<16xf32>
        %mul3A_537 = arith.mulf %get3A_534, %mul3A_536 : vector<16xf32>
        %get3A_538 = arith.index_cast %scan3A_496 : i32 to index
        %get3A_539 = arith.constant 32 : index
        %get3A_540 = tpu.vector_load %arg7[%get3A_538, %get3A_539] {strides = array<i32>} : memref<200x64xf32, #tpu.memory_space<vmem>>, vector<1x16xf32>,
        %get3A_541 = vector.shape_cast %get3A_540 : vector<1x16xf32> to vector<16xf32>
        %add3A_542 = arith.addf %mul3A_537, %get3A_541 : vector<16xf32>
        %swap3A_543 = arith.index_cast %scan3A_496 : i32 to index
        %swap3A_544 = arith.constant 32 : index
        %swap3A_545 = tpu.vector_load %arg12[%swap3A_543, %swap3A_544] {strides = array<i32>} : memref<200x64xf32, #tpu.memory_space<vmem>>, vector<1x16xf32>,
        %swap3A_546 = vector.shape_cast %swap3A_545 : vector<1x16xf32> to vector<16xf32>
        %swap3A_547 = vector.shape_cast %add3A_542 : vector<16xf32> to vector<1x16xf32>
        tpu.vector_store %arg12[%swap3A_543, %swap3A_544], %swap3A_547 {strides = array<i32>} : memref<200x64xf32, #tpu.memory_space<vmem>>, vector<1x16xf32>,
        %get3A_548 = arith.index_cast %scan3A_496 : i32 to index
        %get3A_549 = arith.constant 48 : index
        %get3A_550 = tpu.vector_load %arg8[%get3A_548, %get3A_549] {strides = array<i32>} : memref<200x64xf32, #tpu.memory_space<vmem>>, vector<1x16xf32>,
        %get3A_551 = vector.shape_cast %get3A_550 : vector<1x16xf32> to vector<16xf32>
        %mul3A_552 = arith.constant 8.000000e+00 : f32
        %mul3A_553 = vector.broadcast %mul3A_552 : f32 to vector<16xf32>
        %mul3A_554 = arith.mulf %get3A_551, %mul3A_553 : vector<16xf32>
        %get3A_555 = arith.index_cast %scan3A_496 : i32 to index
        %get3A_556 = arith.constant 48 : index
        %get3A_557 = tpu.vector_load %arg7[%get3A_555, %get3A_556] {strides = array<i32>} : memref<200x64xf32, #tpu.memory_space<vmem>>, vector<1x16xf32>,
        %get3A_558 = vector.shape_cast %get3A_557 : vector<1x16xf32> to vector<16xf32>
        %add3A_559 = arith.addf %mul3A_554, %get3A_558 : vector<16xf32>
        %swap3A_560 = arith.index_cast %scan3A_496 : i32 to index
        %swap3A_561 = arith.constant 48 : index
        %swap3A_562 = tpu.vector_load %arg12[%swap3A_560, %swap3A_561] {strides = array<i32>} : memref<200x64xf32, #tpu.memory_space<vmem>>, vector<1x16xf32>,
        %swap3A_563 = vector.shape_cast %swap3A_562 : vector<1x16xf32> to vector<16xf32>
        %swap3A_564 = vector.shape_cast %add3A_559 : vector<16xf32> to vector<1x16xf32>
        tpu.vector_store %arg12[%swap3A_560, %swap3A_561], %swap3A_564 {strides = array<i32>} : memref<200x64xf32, #tpu.memory_space<vmem>>, vector<1x16xf32>,
      }
      %scan3A_134 = arith.constant 200 : i32
      %add3A_135 = arith.addi %mul3A_2, %add3A_109 : i32
      %dma_start3A_136 = arith.constant 0 : i32
      %dma_start3A_137 = arith.constant 0 : i32
      %dma_start3A_138 = tpu.memref_slice %arg5[%add3A_135, %dma_start3A_136, %dma_start3A_137] : memref<1024x200x64xf32, #tpu.memory_space<hbm>> -> memref<1x200x64xf32, #tpu.memory_space<hbm>>
      %dma_start3A_139 = tpu.memref_squeeze %dma_start3A_138 : memref<1x200x64xf32, #tpu.memory_space<hbm>> -> memref<200x64xf32, #tpu.memory_space<hbm>>
      %dma_start3A_140 = arith.constant 0 : i32
      %dma_start3A_141 = arith.constant 0 : i32
      %dma_start3A_142 = tpu.memref_slice %arg5[%add3A_135, %dma_start3A_140, %dma_start3A_141] : memref<1024x200x64xf32, #tpu.memory_space<hbm>> -> memref<1x200x64xf32, #tpu.memory_space<hbm>>
      %dma_start3A_143 = tpu.memref_squeeze %dma_start3A_142 : memref<1x200x64xf32, #tpu.memory_space<hbm>> -> memref<200x64xf32, #tpu.memory_space<hbm>>
      tpu.enqueue_dma source(%arg12 : memref<200x64xf32, #tpu.memory_space<vmem>>) target(%dma_start3A_143 : memref<200x64xf32, #tpu.memory_space<hbm>>) target_semaphore(%arg20 : memref<!tpu.dma_semaphore, #tpu.memory_space<semaphore_mem>>)
      %add3A_144 = arith.constant 4 : i32
      %add3A_145 = arith.addi %add3A_109, %add3A_144 : i32
      %lt3A = arith.constant 32 : i32
      %lt3A_146 = arith.cmpi slt, %add3A_145, %lt3A : i32
      %convert_element_type3A_147 = arith.extui %lt3A_146 : i1 to i32
      %cond3A_148 = arith.constant 0 : i32
      %cond3A_149 = arith.cmpi ne, %convert_element_type3A_147, %cond3A_148 : i32
      scf.if %cond3A_149 {
        %add3A_288 = arith.constant 4 : i32
        %add3A_289 = arith.addi %add3A_109, %add3A_288 : i32
        %mul3A_290 = arith.constant 200 : i32
        %mul3A_291 = arith.muli %add3A_289, %mul3A_290 : i32
        %dma_start3A_292 = arith.constant 0 : i32
        %dma_start3A_293 = arith.constant 0 : i32
        %dma_start3A_294 = tpu.memref_slice %arg8[%dma_start3A_292, %dma_start3A_293] : memref<200x64xf32, #tpu.memory_space<vmem>> -> memref<96x64xf32, #tpu.memory_space<vmem>>
        %dma_start3A_295 = tpu.memref_slice %arg6[%mul3A_291] : memref<6400xi32, #tpu.memory_space<vmem>> -> memref<96xi32, #tpu.memory_space<vmem>>
        %dma_start3A_296 = arith.constant 0 : i32
        %dma_start3A_297 = arith.constant 0 : i32
        %dma_start3A_298 = tpu.memref_slice %arg4[%dma_start3A_296, %dma_start3A_297] : memref<1000000x64xf32, #tpu.memory_space<hbm>> -> memref<1000000x64xf32, #tpu.memory_space<hbm>>
        tpu.enqueue_indirect_dma source(%dma_start3A_298 : memref<1000000x64xf32, #tpu.memory_space<hbm>>) target(%dma_start3A_294 : memref<96x64xf32, #tpu.memory_space<vmem>>) offsets(%dma_start3A_295 : memref<96xi32, #tpu.memory_space<vmem>>) semaphore(%arg16 : memref<!tpu.dma_semaphore, #tpu.memory_space<semaphore_mem>>)
        %add3A_299 = arith.constant 96 : i32
        %add3A_300 = arith.addi %mul3A_291, %add3A_299 : i32
        %dma_start3A_301 = arith.constant 96 : i32
        %dma_start3A_302 = arith.constant 0 : i32
        %dma_start3A_303 = tpu.memref_slice %arg8[%dma_start3A_301, %dma_start3A_302] : memref<200x64xf32, #tpu.memory_space<vmem>> -> memref<104x64xf32, #tpu.memory_space<vmem>>
        %dma_start3A_304 = tpu.memref_slice %arg6[%add3A_300] : memref<6400xi32, #tpu.memory_space<vmem>> -> memref<104xi32, #tpu.memory_space<vmem>>
        %dma_start3A_305 = arith.constant 0 : i32
        %dma_start3A_306 = arith.constant 0 : i32
        %dma_start3A_307 = tpu.memref_slice %arg4[%dma_start3A_305, %dma_start3A_306] : memref<1000000x64xf32, #tpu.memory_space<hbm>> -> memref<1000000x64xf32, #tpu.memory_space<hbm>>
        tpu.enqueue_indirect_dma source(%dma_start3A_307 : memref<1000000x64xf32, #tpu.memory_space<hbm>>) target(%dma_start3A_303 : memref<104x64xf32, #tpu.memory_space<vmem>>) offsets(%dma_start3A_304 : memref<104xi32, #tpu.memory_space<vmem>>) semaphore(%arg16 : memref<!tpu.dma_semaphore, #tpu.memory_space<semaphore_mem>>)
      } else {
      }
      %add3A_150 = arith.constant 1 : i32
      %add3A_151 = arith.addi %mul3A_107, %add3A_150 : i32
      %mul3A_152 = arith.constant 200 : i32
      %mul3A_153 = arith.muli %add3A_151, %mul3A_152 : i32
      %dma_wait3A_154 = arith.constant 0 : i32
      %dma_wait3A_155 = arith.constant 0 : i32
      %dma_wait3A_156 = tpu.memref_slice %arg9[%dma_wait3A_154, %dma_wait3A_155] : memref<200x64xf32, #tpu.memory_space<vmem>> -> memref<96x64xf32, #tpu.memory_space<vmem>>
      %dma_wait3A_157 = tpu.memref_slice %arg6[%mul3A_153] : memref<6400xi32, #tpu.memory_space<vmem>> -> memref<96xi32, #tpu.memory_space<vmem>>
      %dma_wait3A_158 = arith.constant 0 : i32
      %dma_wait3A_159 = arith.constant 0 : i32
      %dma_wait3A_160 = tpu.memref_slice %arg4[%dma_wait3A_158, %dma_wait3A_159] : memref<1000000x64xf32, #tpu.memory_space<hbm>> -> memref<1000000x64xf32, #tpu.memory_space<hbm>>
      tpu.wait_indirect_dma semaphore(%arg17 : memref<!tpu.dma_semaphore, #tpu.memory_space<semaphore_mem>>) src(%dma_wait3A_160 : memref<1000000x64xf32, #tpu.memory_space<hbm>>) dst(%dma_wait3A_156 : memref<96x64xf32, #tpu.memory_space<vmem>>)
      %add3A_161 = arith.constant 96 : i32
      %add3A_162 = arith.addi %mul3A_153, %add3A_161 : i32
      %dma_wait3A_163 = arith.constant 96 : i32
      %dma_wait3A_164 = arith.constant 0 : i32
      %dma_wait3A_165 = tpu.memref_slice %arg9[%dma_wait3A_163, %dma_wait3A_164] : memref<200x64xf32, #tpu.memory_space<vmem>> -> memref<104x64xf32, #tpu.memory_space<vmem>>
      %dma_wait3A_166 = tpu.memref_slice %arg6[%add3A_162] : memref<6400xi32, #tpu.memory_space<vmem>> -> memref<104xi32, #tpu.memory_space<vmem>>
      %dma_wait3A_167 = arith.constant 0 : i32
      %dma_wait3A_168 = arith.constant 0 : i32
      %dma_wait3A_169 = tpu.memref_slice %arg4[%dma_wait3A_167, %dma_wait3A_168] : memref<1000000x64xf32, #tpu.memory_space<hbm>> -> memref<1000000x64xf32, #tpu.memory_space<hbm>>
      tpu.wait_indirect_dma semaphore(%arg17 : memref<!tpu.dma_semaphore, #tpu.memory_space<semaphore_mem>>) src(%dma_wait3A_169 : memref<1000000x64xf32, #tpu.memory_space<hbm>>) dst(%dma_wait3A_165 : memref<104x64xf32, #tpu.memory_space<vmem>>)
      %ge3A_170 = arith.constant 4 : i32
      %ge3A_171 = arith.cmpi sge, %add3A_151, %ge3A_170 : i32
      %convert_element_type3A_172 = arith.extui %ge3A_171 : i1 to i32
      %cond3A_173 = arith.constant 0 : i32
      %cond3A_174 = arith.cmpi ne, %convert_element_type3A_172, %cond3A_173 : i32
      scf.if %cond3A_174 {
        %dma_wait3A_288 = arith.constant 0 : i32
        %dma_wait3A_289 = arith.constant 0 : i32
        %dma_wait3A_290 = arith.constant 0 : i32
        %dma_wait3A_291 = tpu.memref_slice %arg5[%dma_wait3A_288, %dma_wait3A_289, %dma_wait3A_290] : memref<1024x200x64xf32, #tpu.memory_space<hbm>> -> memref<1x200x64xf32, #tpu.memory_space<hbm>>
        %dma_wait3A_292 = tpu.memref_squeeze %dma_wait3A_291 : memref<1x200x64xf32, #tpu.memory_space<hbm>> -> memref<200x64xf32, #tpu.memory_space<hbm>>
        %dma_wait3A_293 = arith.constant 0 : i32
        %dma_wait3A_294 = arith.constant 0 : i32
        %dma_wait3A_295 = tpu.memref_slice %arg5[%dma_wait3A_288, %dma_wait3A_293, %dma_wait3A_294] : memref<1024x200x64xf32, #tpu.memory_space<hbm>> -> memref<1x200x64xf32, #tpu.memory_space<hbm>>
        %dma_wait3A_296 = tpu.memref_squeeze %dma_wait3A_295 : memref<1x200x64xf32, #tpu.memory_space<hbm>> -> memref<200x64xf32, #tpu.memory_space<hbm>>
        tpu.wait_dma2 semaphore(%arg21 : memref<!tpu.dma_semaphore, #tpu.memory_space<semaphore_mem>>) src(%dma_wait3A_296 : memref<200x64xf32, #tpu.memory_space<hbm>>) dst(%arg13 : memref<200x64xf32, #tpu.memory_space<vmem>>)
      } else {
      }
      %scan3A_175 = arith.constant 0 : i32
      %scan3A_176 = arith.constant 200 : i32
      %scan3A_177 = arith.addi %scan3A_175, %scan3A_176 : i32
      %scan3A_178 = arith.constant 4 : i32
      scf.for %scan3A_288 = %scan3A_175 to %scan3A_177 step %scan3A_178  : i32 {
        %get3A = arith.index_cast %scan3A_288 : i32 to index
        %get3A_289 = arith.constant 0 : index
        %get3A_290 = tpu.vector_load %arg9[%get3A, %get3A_289] {strides = array<i32>} : memref<200x64xf32, #tpu.memory_space<vmem>>, vector<1x16xf32>,
        %get3A_291 = vector.shape_cast %get3A_290 : vector<1x16xf32> to vector<16xf32>
        %mul3A_292 = arith.constant 8.000000e+00 : f32
        %mul3A_293 = vector.broadcast %mul3A_292 : f32 to vector<16xf32>
        %mul3A_294 = arith.mulf %get3A_291, %mul3A_293 : vector<16xf32>
        %get3A_295 = arith.index_cast %scan3A_288 : i32 to index
        %get3A_296 = arith.constant 0 : index
        %get3A_297 = tpu.vector_load %arg7[%get3A_295, %get3A_296] {strides = array<i32>} : memref<200x64xf32, #tpu.memory_space<vmem>>, vector<1x16xf32>,
        %get3A_298 = vector.shape_cast %get3A_297 : vector<1x16xf32> to vector<16xf32>
        %add3A_299 = arith.addf %mul3A_294, %get3A_298 : vector<16xf32>
        %swap3A = arith.index_cast %scan3A_288 : i32 to index
        %swap3A_300 = arith.constant 0 : index
        %swap3A_301 = tpu.vector_load %arg13[%swap3A, %swap3A_300] {strides = array<i32>} : memref<200x64xf32, #tpu.memory_space<vmem>>, vector<1x16xf32>,
        %swap3A_302 = vector.shape_cast %swap3A_301 : vector<1x16xf32> to vector<16xf32>
        %swap3A_303 = vector.shape_cast %add3A_299 : vector<16xf32> to vector<1x16xf32>
        tpu.vector_store %arg13[%swap3A, %swap3A_300], %swap3A_303 {strides = array<i32>} : memref<200x64xf32, #tpu.memory_space<vmem>>, vector<1x16xf32>,
        %get3A_304 = arith.index_cast %scan3A_288 : i32 to index
        %get3A_305 = arith.constant 16 : index
        %get3A_306 = tpu.vector_load %arg9[%get3A_304, %get3A_305] {strides = array<i32>} : memref<200x64xf32, #tpu.memory_space<vmem>>, vector<1x16xf32>,
        %get3A_307 = vector.shape_cast %get3A_306 : vector<1x16xf32> to vector<16xf32>
        %mul3A_308 = arith.constant 8.000000e+00 : f32
        %mul3A_309 = vector.broadcast %mul3A_308 : f32 to vector<16xf32>
        %mul3A_310 = arith.mulf %get3A_307, %mul3A_309 : vector<16xf32>
        %get3A_311 = arith.index_cast %scan3A_288 : i32 to index
        %get3A_312 = arith.constant 16 : index
        %get3A_313 = tpu.vector_load %arg7[%get3A_311, %get3A_312] {strides = array<i32>} : memref<200x64xf32, #tpu.memory_space<vmem>>, vector<1x16xf32>,
        %get3A_314 = vector.shape_cast %get3A_313 : vector<1x16xf32> to vector<16xf32>
        %add3A_315 = arith.addf %mul3A_310, %get3A_314 : vector<16xf32>
        %swap3A_316 = arith.index_cast %scan3A_288 : i32 to index
        %swap3A_317 = arith.constant 16 : index
        %swap3A_318 = tpu.vector_load %arg13[%swap3A_316, %swap3A_317] {strides = array<i32>} : memref<200x64xf32, #tpu.memory_space<vmem>>, vector<1x16xf32>,
        %swap3A_319 = vector.shape_cast %swap3A_318 : vector<1x16xf32> to vector<16xf32>
        %swap3A_320 = vector.shape_cast %add3A_315 : vector<16xf32> to vector<1x16xf32>
        tpu.vector_store %arg13[%swap3A_316, %swap3A_317], %swap3A_320 {strides = array<i32>} : memref<200x64xf32, #tpu.memory_space<vmem>>, vector<1x16xf32>,
        %get3A_321 = arith.index_cast %scan3A_288 : i32 to index
        %get3A_322 = arith.constant 32 : index
        %get3A_323 = tpu.vector_load %arg9[%get3A_321, %get3A_322] {strides = array<i32>} : memref<200x64xf32, #tpu.memory_space<vmem>>, vector<1x16xf32>,
        %get3A_324 = vector.shape_cast %get3A_323 : vector<1x16xf32> to vector<16xf32>
        %mul3A_325 = arith.constant 8.000000e+00 : f32
        %mul3A_326 = vector.broadcast %mul3A_325 : f32 to vector<16xf32>
        %mul3A_327 = arith.mulf %get3A_324, %mul3A_326 : vector<16xf32>
        %get3A_328 = arith.index_cast %scan3A_288 : i32 to index
        %get3A_329 = arith.constant 32 : index
        %get3A_330 = tpu.vector_load %arg7[%get3A_328, %get3A_329] {strides = array<i32>} : memref<200x64xf32, #tpu.memory_space<vmem>>, vector<1x16xf32>,
        %get3A_331 = vector.shape_cast %get3A_330 : vector<1x16xf32> to vector<16xf32>
        %add3A_332 = arith.addf %mul3A_327, %get3A_331 : vector<16xf32>
        %swap3A_333 = arith.index_cast %scan3A_288 : i32 to index
        %swap3A_334 = arith.constant 32 : index
        %swap3A_335 = tpu.vector_load %arg13[%swap3A_333, %swap3A_334] {strides = array<i32>} : memref<200x64xf32, #tpu.memory_space<vmem>>, vector<1x16xf32>,
        %swap3A_336 = vector.shape_cast %swap3A_335 : vector<1x16xf32> to vector<16xf32>
        %swap3A_337 = vector.shape_cast %add3A_332 : vector<16xf32> to vector<1x16xf32>
        tpu.vector_store %arg13[%swap3A_333, %swap3A_334], %swap3A_337 {strides = array<i32>} : memref<200x64xf32, #tpu.memory_space<vmem>>, vector<1x16xf32>,
        %get3A_338 = arith.index_cast %scan3A_288 : i32 to index
        %get3A_339 = arith.constant 48 : index
        %get3A_340 = tpu.vector_load %arg9[%get3A_338, %get3A_339] {strides = array<i32>} : memref<200x64xf32, #tpu.memory_space<vmem>>, vector<1x16xf32>,
        %get3A_341 = vector.shape_cast %get3A_340 : vector<1x16xf32> to vector<16xf32>
        %mul3A_342 = arith.constant 8.000000e+00 : f32
        %mul3A_343 = vector.broadcast %mul3A_342 : f32 to vector<16xf32>
        %mul3A_344 = arith.mulf %get3A_341, %mul3A_343 : vector<16xf32>
        %get3A_345 = arith.index_cast %scan3A_288 : i32 to index
        %get3A_346 = arith.constant 48 : index
        %get3A_347 = tpu.vector_load %arg7[%get3A_345, %get3A_346] {strides = array<i32>} : memref<200x64xf32, #tpu.memory_space<vmem>>, vector<1x16xf32>,
        %get3A_348 = vector.shape_cast %get3A_347 : vector<1x16xf32> to vector<16xf32>
        %add3A_349 = arith.addf %mul3A_344, %get3A_348 : vector<16xf32>
        %swap3A_350 = arith.index_cast %scan3A_288 : i32 to index
        %swap3A_351 = arith.constant 48 : index
        %swap3A_352 = tpu.vector_load %arg13[%swap3A_350, %swap3A_351] {strides = array<i32>} : memref<200x64xf32, #tpu.memory_space<vmem>>, vector<1x16xf32>,
        %swap3A_353 = vector.shape_cast %swap3A_352 : vector<1x16xf32> to vector<16xf32>
        %swap3A_354 = vector.shape_cast %add3A_349 : vector<16xf32> to vector<1x16xf32>
        tpu.vector_store %arg13[%swap3A_350, %swap3A_351], %swap3A_354 {strides = array<i32>} : memref<200x64xf32, #tpu.memory_space<vmem>>, vector<1x16xf32>,
        %scan3A_355 = arith.constant 1 : i32
        %scan3A_356 = arith.addi %scan3A_288, %scan3A_355 : i32
        %get3A_357 = arith.index_cast %scan3A_356 : i32 to index
        %get3A_358 = arith.constant 0 : index
        %get3A_359 = tpu.vector_load %arg9[%get3A_357, %get3A_358] {strides = array<i32>} : memref<200x64xf32, #tpu.memory_space<vmem>>, vector<1x16xf32>,
        %get3A_360 = vector.shape_cast %get3A_359 : vector<1x16xf32> to vector<16xf32>
        %mul3A_361 = arith.constant 8.000000e+00 : f32
        %mul3A_362 = vector.broadcast %mul3A_361 : f32 to vector<16xf32>
        %mul3A_363 = arith.mulf %get3A_360, %mul3A_362 : vector<16xf32>
        %get3A_364 = arith.index_cast %scan3A_356 : i32 to index
        %get3A_365 = arith.constant 0 : index
        %get3A_366 = tpu.vector_load %arg7[%get3A_364, %get3A_365] {strides = array<i32>} : memref<200x64xf32, #tpu.memory_space<vmem>>, vector<1x16xf32>,
        %get3A_367 = vector.shape_cast %get3A_366 : vector<1x16xf32> to vector<16xf32>
        %add3A_368 = arith.addf %mul3A_363, %get3A_367 : vector<16xf32>
        %swap3A_369 = arith.index_cast %scan3A_356 : i32 to index
        %swap3A_370 = arith.constant 0 : index
        %swap3A_371 = tpu.vector_load %arg13[%swap3A_369, %swap3A_370] {strides = array<i32>} : memref<200x64xf32, #tpu.memory_space<vmem>>, vector<1x16xf32>,
        %swap3A_372 = vector.shape_cast %swap3A_371 : vector<1x16xf32> to vector<16xf32>
        %swap3A_373 = vector.shape_cast %add3A_368 : vector<16xf32> to vector<1x16xf32>
        tpu.vector_store %arg13[%swap3A_369, %swap3A_370], %swap3A_373 {strides = array<i32>} : memref<200x64xf32, #tpu.memory_space<vmem>>, vector<1x16xf32>,
        %get3A_374 = arith.index_cast %scan3A_356 : i32 to index
        %get3A_375 = arith.constant 16 : index
        %get3A_376 = tpu.vector_load %arg9[%get3A_374, %get3A_375] {strides = array<i32>} : memref<200x64xf32, #tpu.memory_space<vmem>>, vector<1x16xf32>,
        %get3A_377 = vector.shape_cast %get3A_376 : vector<1x16xf32> to vector<16xf32>
        %mul3A_378 = arith.constant 8.000000e+00 : f32
        %mul3A_379 = vector.broadcast %mul3A_378 : f32 to vector<16xf32>
        %mul3A_380 = arith.mulf %get3A_377, %mul3A_379 : vector<16xf32>
        %get3A_381 = arith.index_cast %scan3A_356 : i32 to index
        %get3A_382 = arith.constant 16 : index
        %get3A_383 = tpu.vector_load %arg7[%get3A_381, %get3A_382] {strides = array<i32>} : memref<200x64xf32, #tpu.memory_space<vmem>>, vector<1x16xf32>,
        %get3A_384 = vector.shape_cast %get3A_383 : vector<1x16xf32> to vector<16xf32>
        %add3A_385 = arith.addf %mul3A_380, %get3A_384 : vector<16xf32>
        %swap3A_386 = arith.index_cast %scan3A_356 : i32 to index
        %swap3A_387 = arith.constant 16 : index
        %swap3A_388 = tpu.vector_load %arg13[%swap3A_386, %swap3A_387] {strides = array<i32>} : memref<200x64xf32, #tpu.memory_space<vmem>>, vector<1x16xf32>,
        %swap3A_389 = vector.shape_cast %swap3A_388 : vector<1x16xf32> to vector<16xf32>
        %swap3A_390 = vector.shape_cast %add3A_385 : vector<16xf32> to vector<1x16xf32>
        tpu.vector_store %arg13[%swap3A_386, %swap3A_387], %swap3A_390 {strides = array<i32>} : memref<200x64xf32, #tpu.memory_space<vmem>>, vector<1x16xf32>,
        %get3A_391 = arith.index_cast %scan3A_356 : i32 to index
        %get3A_392 = arith.constant 32 : index
        %get3A_393 = tpu.vector_load %arg9[%get3A_391, %get3A_392] {strides = array<i32>} : memref<200x64xf32, #tpu.memory_space<vmem>>, vector<1x16xf32>,
        %get3A_394 = vector.shape_cast %get3A_393 : vector<1x16xf32> to vector<16xf32>
        %mul3A_395 = arith.constant 8.000000e+00 : f32
        %mul3A_396 = vector.broadcast %mul3A_395 : f32 to vector<16xf32>
        %mul3A_397 = arith.mulf %get3A_394, %mul3A_396 : vector<16xf32>
        %get3A_398 = arith.index_cast %scan3A_356 : i32 to index
        %get3A_399 = arith.constant 32 : index
        %get3A_400 = tpu.vector_load %arg7[%get3A_398, %get3A_399] {strides = array<i32>} : memref<200x64xf32, #tpu.memory_space<vmem>>, vector<1x16xf32>,
        %get3A_401 = vector.shape_cast %get3A_400 : vector<1x16xf32> to vector<16xf32>
        %add3A_402 = arith.addf %mul3A_397, %get3A_401 : vector<16xf32>
        %swap3A_403 = arith.index_cast %scan3A_356 : i32 to index
        %swap3A_404 = arith.constant 32 : index
        %swap3A_405 = tpu.vector_load %arg13[%swap3A_403, %swap3A_404] {strides = array<i32>} : memref<200x64xf32, #tpu.memory_space<vmem>>, vector<1x16xf32>,
        %swap3A_406 = vector.shape_cast %swap3A_405 : vector<1x16xf32> to vector<16xf32>
        %swap3A_407 = vector.shape_cast %add3A_402 : vector<16xf32> to vector<1x16xf32>
        tpu.vector_store %arg13[%swap3A_403, %swap3A_404], %swap3A_407 {strides = array<i32>} : memref<200x64xf32, #tpu.memory_space<vmem>>, vector<1x16xf32>,
        %get3A_408 = arith.index_cast %scan3A_356 : i32 to index
        %get3A_409 = arith.constant 48 : index
        %get3A_410 = tpu.vector_load %arg9[%get3A_408, %get3A_409] {strides = array<i32>} : memref<200x64xf32, #tpu.memory_space<vmem>>, vector<1x16xf32>,
        %get3A_411 = vector.shape_cast %get3A_410 : vector<1x16xf32> to vector<16xf32>
        %mul3A_412 = arith.constant 8.000000e+00 : f32
        %mul3A_413 = vector.broadcast %mul3A_412 : f32 to vector<16xf32>
        %mul3A_414 = arith.mulf %get3A_411, %mul3A_413 : vector<16xf32>
        %get3A_415 = arith.index_cast %scan3A_356 : i32 to index
        %get3A_416 = arith.constant 48 : index
        %get3A_417 = tpu.vector_load %arg7[%get3A_415, %get3A_416] {strides = array<i32>} : memref<200x64xf32, #tpu.memory_space<vmem>>, vector<1x16xf32>,
        %get3A_418 = vector.shape_cast %get3A_417 : vector<1x16xf32> to vector<16xf32>
        %add3A_419 = arith.addf %mul3A_414, %get3A_418 : vector<16xf32>
        %swap3A_420 = arith.index_cast %scan3A_356 : i32 to index
        %swap3A_421 = arith.constant 48 : index
        %swap3A_422 = tpu.vector_load %arg13[%swap3A_420, %swap3A_421] {strides = array<i32>} : memref<200x64xf32, #tpu.memory_space<vmem>>, vector<1x16xf32>,
        %swap3A_423 = vector.shape_cast %swap3A_422 : vector<1x16xf32> to vector<16xf32>
        %swap3A_424 = vector.shape_cast %add3A_419 : vector<16xf32> to vector<1x16xf32>
        tpu.vector_store %arg13[%swap3A_420, %swap3A_421], %swap3A_424 {strides = array<i32>} : memref<200x64xf32, #tpu.memory_space<vmem>>, vector<1x16xf32>,
        %scan3A_425 = arith.constant 2 : i32
        %scan3A_426 = arith.addi %scan3A_288, %scan3A_425 : i32
        %get3A_427 = arith.index_cast %scan3A_426 : i32 to index
        %get3A_428 = arith.constant 0 : index
        %get3A_429 = tpu.vector_load %arg9[%get3A_427, %get3A_428] {strides = array<i32>} : memref<200x64xf32, #tpu.memory_space<vmem>>, vector<1x16xf32>,
        %get3A_430 = vector.shape_cast %get3A_429 : vector<1x16xf32> to vector<16xf32>
        %mul3A_431 = arith.constant 8.000000e+00 : f32
        %mul3A_432 = vector.broadcast %mul3A_431 : f32 to vector<16xf32>
        %mul3A_433 = arith.mulf %get3A_430, %mul3A_432 : vector<16xf32>
        %get3A_434 = arith.index_cast %scan3A_426 : i32 to index
        %get3A_435 = arith.constant 0 : index
        %get3A_436 = tpu.vector_load %arg7[%get3A_434, %get3A_435] {strides = array<i32>} : memref<200x64xf32, #tpu.memory_space<vmem>>, vector<1x16xf32>,
        %get3A_437 = vector.shape_cast %get3A_436 : vector<1x16xf32> to vector<16xf32>
        %add3A_438 = arith.addf %mul3A_433, %get3A_437 : vector<16xf32>
        %swap3A_439 = arith.index_cast %scan3A_426 : i32 to index
        %swap3A_440 = arith.constant 0 : index
        %swap3A_441 = tpu.vector_load %arg13[%swap3A_439, %swap3A_440] {strides = array<i32>} : memref<200x64xf32, #tpu.memory_space<vmem>>, vector<1x16xf32>,
        %swap3A_442 = vector.shape_cast %swap3A_441 : vector<1x16xf32> to vector<16xf32>
        %swap3A_443 = vector.shape_cast %add3A_438 : vector<16xf32> to vector<1x16xf32>
        tpu.vector_store %arg13[%swap3A_439, %swap3A_440], %swap3A_443 {strides = array<i32>} : memref<200x64xf32, #tpu.memory_space<vmem>>, vector<1x16xf32>,
        %get3A_444 = arith.index_cast %scan3A_426 : i32 to index
        %get3A_445 = arith.constant 16 : index
        %get3A_446 = tpu.vector_load %arg9[%get3A_444, %get3A_445] {strides = array<i32>} : memref<200x64xf32, #tpu.memory_space<vmem>>, vector<1x16xf32>,
        %get3A_447 = vector.shape_cast %get3A_446 : vector<1x16xf32> to vector<16xf32>
        %mul3A_448 = arith.constant 8.000000e+00 : f32
        %mul3A_449 = vector.broadcast %mul3A_448 : f32 to vector<16xf32>
        %mul3A_450 = arith.mulf %get3A_447, %mul3A_449 : vector<16xf32>
        %get3A_451 = arith.index_cast %scan3A_426 : i32 to index
        %get3A_452 = arith.constant 16 : index
        %get3A_453 = tpu.vector_load %arg7[%get3A_451, %get3A_452] {strides = array<i32>} : memref<200x64xf32, #tpu.memory_space<vmem>>, vector<1x16xf32>,
        %get3A_454 = vector.shape_cast %get3A_453 : vector<1x16xf32> to vector<16xf32>
        %add3A_455 = arith.addf %mul3A_450, %get3A_454 : vector<16xf32>
        %swap3A_456 = arith.index_cast %scan3A_426 : i32 to index
        %swap3A_457 = arith.constant 16 : index
        %swap3A_458 = tpu.vector_load %arg13[%swap3A_456, %swap3A_457] {strides = array<i32>} : memref<200x64xf32, #tpu.memory_space<vmem>>, vector<1x16xf32>,
        %swap3A_459 = vector.shape_cast %swap3A_458 : vector<1x16xf32> to vector<16xf32>
        %swap3A_460 = vector.shape_cast %add3A_455 : vector<16xf32> to vector<1x16xf32>
        tpu.vector_store %arg13[%swap3A_456, %swap3A_457], %swap3A_460 {strides = array<i32>} : memref<200x64xf32, #tpu.memory_space<vmem>>, vector<1x16xf32>,
        %get3A_461 = arith.index_cast %scan3A_426 : i32 to index
        %get3A_462 = arith.constant 32 : index
        %get3A_463 = tpu.vector_load %arg9[%get3A_461, %get3A_462] {strides = array<i32>} : memref<200x64xf32, #tpu.memory_space<vmem>>, vector<1x16xf32>,
        %get3A_464 = vector.shape_cast %get3A_463 : vector<1x16xf32> to vector<16xf32>
        %mul3A_465 = arith.constant 8.000000e+00 : f32
        %mul3A_466 = vector.broadcast %mul3A_465 : f32 to vector<16xf32>
        %mul3A_467 = arith.mulf %get3A_464, %mul3A_466 : vector<16xf32>
        %get3A_468 = arith.index_cast %scan3A_426 : i32 to index
        %get3A_469 = arith.constant 32 : index
        %get3A_470 = tpu.vector_load %arg7[%get3A_468, %get3A_469] {strides = array<i32>} : memref<200x64xf32, #tpu.memory_space<vmem>>, vector<1x16xf32>,
        %get3A_471 = vector.shape_cast %get3A_470 : vector<1x16xf32> to vector<16xf32>
        %add3A_472 = arith.addf %mul3A_467, %get3A_471 : vector<16xf32>
        %swap3A_473 = arith.index_cast %scan3A_426 : i32 to index
        %swap3A_474 = arith.constant 32 : index
        %swap3A_475 = tpu.vector_load %arg13[%swap3A_473, %swap3A_474] {strides = array<i32>} : memref<200x64xf32, #tpu.memory_space<vmem>>, vector<1x16xf32>,
        %swap3A_476 = vector.shape_cast %swap3A_475 : vector<1x16xf32> to vector<16xf32>
        %swap3A_477 = vector.shape_cast %add3A_472 : vector<16xf32> to vector<1x16xf32>
        tpu.vector_store %arg13[%swap3A_473, %swap3A_474], %swap3A_477 {strides = array<i32>} : memref<200x64xf32, #tpu.memory_space<vmem>>, vector<1x16xf32>,
        %get3A_478 = arith.index_cast %scan3A_426 : i32 to index
        %get3A_479 = arith.constant 48 : index
        %get3A_480 = tpu.vector_load %arg9[%get3A_478, %get3A_479] {strides = array<i32>} : memref<200x64xf32, #tpu.memory_space<vmem>>, vector<1x16xf32>,
        %get3A_481 = vector.shape_cast %get3A_480 : vector<1x16xf32> to vector<16xf32>
        %mul3A_482 = arith.constant 8.000000e+00 : f32
        %mul3A_483 = vector.broadcast %mul3A_482 : f32 to vector<16xf32>
        %mul3A_484 = arith.mulf %get3A_481, %mul3A_483 : vector<16xf32>
        %get3A_485 = arith.index_cast %scan3A_426 : i32 to index
        %get3A_486 = arith.constant 48 : index
        %get3A_487 = tpu.vector_load %arg7[%get3A_485, %get3A_486] {strides = array<i32>} : memref<200x64xf32, #tpu.memory_space<vmem>>, vector<1x16xf32>,
        %get3A_488 = vector.shape_cast %get3A_487 : vector<1x16xf32> to vector<16xf32>
        %add3A_489 = arith.addf %mul3A_484, %get3A_488 : vector<16xf32>
        %swap3A_490 = arith.index_cast %scan3A_426 : i32 to index
        %swap3A_491 = arith.constant 48 : index
        %swap3A_492 = tpu.vector_load %arg13[%swap3A_490, %swap3A_491] {strides = array<i32>} : memref<200x64xf32, #tpu.memory_space<vmem>>, vector<1x16xf32>,
        %swap3A_493 = vector.shape_cast %swap3A_492 : vector<1x16xf32> to vector<16xf32>
        %swap3A_494 = vector.shape_cast %add3A_489 : vector<16xf32> to vector<1x16xf32>
        tpu.vector_store %arg13[%swap3A_490, %swap3A_491], %swap3A_494 {strides = array<i32>} : memref<200x64xf32, #tpu.memory_space<vmem>>, vector<1x16xf32>,
        %scan3A_495 = arith.constant 3 : i32
        %scan3A_496 = arith.addi %scan3A_288, %scan3A_495 : i32
        %get3A_497 = arith.index_cast %scan3A_496 : i32 to index
        %get3A_498 = arith.constant 0 : index
        %get3A_499 = tpu.vector_load %arg9[%get3A_497, %get3A_498] {strides = array<i32>} : memref<200x64xf32, #tpu.memory_space<vmem>>, vector<1x16xf32>,
        %get3A_500 = vector.shape_cast %get3A_499 : vector<1x16xf32> to vector<16xf32>
        %mul3A_501 = arith.constant 8.000000e+00 : f32
        %mul3A_502 = vector.broadcast %mul3A_501 : f32 to vector<16xf32>
        %mul3A_503 = arith.mulf %get3A_500, %mul3A_502 : vector<16xf32>
        %get3A_504 = arith.index_cast %scan3A_496 : i32 to index
        %get3A_505 = arith.constant 0 : index
        %get3A_506 = tpu.vector_load %arg7[%get3A_504, %get3A_505] {strides = array<i32>} : memref<200x64xf32, #tpu.memory_space<vmem>>, vector<1x16xf32>,
        %get3A_507 = vector.shape_cast %get3A_506 : vector<1x16xf32> to vector<16xf32>
        %add3A_508 = arith.addf %mul3A_503, %get3A_507 : vector<16xf32>
        %swap3A_509 = arith.index_cast %scan3A_496 : i32 to index
        %swap3A_510 = arith.constant 0 : index
        %swap3A_511 = tpu.vector_load %arg13[%swap3A_509, %swap3A_510] {strides = array<i32>} : memref<200x64xf32, #tpu.memory_space<vmem>>, vector<1x16xf32>,
        %swap3A_512 = vector.shape_cast %swap3A_511 : vector<1x16xf32> to vector<16xf32>
        %swap3A_513 = vector.shape_cast %add3A_508 : vector<16xf32> to vector<1x16xf32>
        tpu.vector_store %arg13[%swap3A_509, %swap3A_510], %swap3A_513 {strides = array<i32>} : memref<200x64xf32, #tpu.memory_space<vmem>>, vector<1x16xf32>,
        %get3A_514 = arith.index_cast %scan3A_496 : i32 to index
        %get3A_515 = arith.constant 16 : index
        %get3A_516 = tpu.vector_load %arg9[%get3A_514, %get3A_515] {strides = array<i32>} : memref<200x64xf32, #tpu.memory_space<vmem>>, vector<1x16xf32>,
        %get3A_517 = vector.shape_cast %get3A_516 : vector<1x16xf32> to vector<16xf32>
        %mul3A_518 = arith.constant 8.000000e+00 : f32
        %mul3A_519 = vector.broadcast %mul3A_518 : f32 to vector<16xf32>
        %mul3A_520 = arith.mulf %get3A_517, %mul3A_519 : vector<16xf32>
        %get3A_521 = arith.index_cast %scan3A_496 : i32 to index
        %get3A_522 = arith.constant 16 : index
        %get3A_523 = tpu.vector_load %arg7[%get3A_521, %get3A_522] {strides = array<i32>} : memref<200x64xf32, #tpu.memory_space<vmem>>, vector<1x16xf32>,
        %get3A_524 = vector.shape_cast %get3A_523 : vector<1x16xf32> to vector<16xf32>
        %add3A_525 = arith.addf %mul3A_520, %get3A_524 : vector<16xf32>
        %swap3A_526 = arith.index_cast %scan3A_496 : i32 to index
        %swap3A_527 = arith.constant 16 : index
        %swap3A_528 = tpu.vector_load %arg13[%swap3A_526, %swap3A_527] {strides = array<i32>} : memref<200x64xf32, #tpu.memory_space<vmem>>, vector<1x16xf32>,
        %swap3A_529 = vector.shape_cast %swap3A_528 : vector<1x16xf32> to vector<16xf32>
        %swap3A_530 = vector.shape_cast %add3A_525 : vector<16xf32> to vector<1x16xf32>
        tpu.vector_store %arg13[%swap3A_526, %swap3A_527], %swap3A_530 {strides = array<i32>} : memref<200x64xf32, #tpu.memory_space<vmem>>, vector<1x16xf32>,
        %get3A_531 = arith.index_cast %scan3A_496 : i32 to index
        %get3A_532 = arith.constant 32 : index
        %get3A_533 = tpu.vector_load %arg9[%get3A_531, %get3A_532] {strides = array<i32>} : memref<200x64xf32, #tpu.memory_space<vmem>>, vector<1x16xf32>,
        %get3A_534 = vector.shape_cast %get3A_533 : vector<1x16xf32> to vector<16xf32>
        %mul3A_535 = arith.constant 8.000000e+00 : f32
        %mul3A_536 = vector.broadcast %mul3A_535 : f32 to vector<16xf32>
        %mul3A_537 = arith.mulf %get3A_534, %mul3A_536 : vector<16xf32>
        %get3A_538 = arith.index_cast %scan3A_496 : i32 to index
        %get3A_539 = arith.constant 32 : index
        %get3A_540 = tpu.vector_load %arg7[%get3A_538, %get3A_539] {strides = array<i32>} : memref<200x64xf32, #tpu.memory_space<vmem>>, vector<1x16xf32>,
        %get3A_541 = vector.shape_cast %get3A_540 : vector<1x16xf32> to vector<16xf32>
        %add3A_542 = arith.addf %mul3A_537, %get3A_541 : vector<16xf32>
        %swap3A_543 = arith.index_cast %scan3A_496 : i32 to index
        %swap3A_544 = arith.constant 32 : index
        %swap3A_545 = tpu.vector_load %arg13[%swap3A_543, %swap3A_544] {strides = array<i32>} : memref<200x64xf32, #tpu.memory_space<vmem>>, vector<1x16xf32>,
        %swap3A_546 = vector.shape_cast %swap3A_545 : vector<1x16xf32> to vector<16xf32>
        %swap3A_547 = vector.shape_cast %add3A_542 : vector<16xf32> to vector<1x16xf32>
        tpu.vector_store %arg13[%swap3A_543, %swap3A_544], %swap3A_547 {strides = array<i32>} : memref<200x64xf32, #tpu.memory_space<vmem>>, vector<1x16xf32>,
        %get3A_548 = arith.index_cast %scan3A_496 : i32 to index
        %get3A_549 = arith.constant 48 : index
        %get3A_550 = tpu.vector_load %arg9[%get3A_548, %get3A_549] {strides = array<i32>} : memref<200x64xf32, #tpu.memory_space<vmem>>, vector<1x16xf32>,
        %get3A_551 = vector.shape_cast %get3A_550 : vector<1x16xf32> to vector<16xf32>
        %mul3A_552 = arith.constant 8.000000e+00 : f32
        %mul3A_553 = vector.broadcast %mul3A_552 : f32 to vector<16xf32>
        %mul3A_554 = arith.mulf %get3A_551, %mul3A_553 : vector<16xf32>
        %get3A_555 = arith.index_cast %scan3A_496 : i32 to index
        %get3A_556 = arith.constant 48 : index
        %get3A_557 = tpu.vector_load %arg7[%get3A_555, %get3A_556] {strides = array<i32>} : memref<200x64xf32, #tpu.memory_space<vmem>>, vector<1x16xf32>,
        %get3A_558 = vector.shape_cast %get3A_557 : vector<1x16xf32> to vector<16xf32>
        %add3A_559 = arith.addf %mul3A_554, %get3A_558 : vector<16xf32>
        %swap3A_560 = arith.index_cast %scan3A_496 : i32 to index
        %swap3A_561 = arith.constant 48 : index
        %swap3A_562 = tpu.vector_load %arg13[%swap3A_560, %swap3A_561] {strides = array<i32>} : memref<200x64xf32, #tpu.memory_space<vmem>>, vector<1x16xf32>,
        %swap3A_563 = vector.shape_cast %swap3A_562 : vector<1x16xf32> to vector<16xf32>
        %swap3A_564 = vector.shape_cast %add3A_559 : vector<16xf32> to vector<1x16xf32>
        tpu.vector_store %arg13[%swap3A_560, %swap3A_561], %swap3A_564 {strides = array<i32>} : memref<200x64xf32, #tpu.memory_space<vmem>>, vector<1x16xf32>,
      }
      %scan3A_179 = arith.constant 200 : i32
      %add3A_180 = arith.addi %mul3A_2, %add3A_151 : i32
      %dma_start3A_181 = arith.constant 0 : i32
      %dma_start3A_182 = arith.constant 0 : i32
      %dma_start3A_183 = tpu.memref_slice %arg5[%add3A_180, %dma_start3A_181, %dma_start3A_182] : memref<1024x200x64xf32, #tpu.memory_space<hbm>> -> memref<1x200x64xf32, #tpu.memory_space<hbm>>
      %dma_start3A_184 = tpu.memref_squeeze %dma_start3A_183 : memref<1x200x64xf32, #tpu.memory_space<hbm>> -> memref<200x64xf32, #tpu.memory_space<hbm>>
      %dma_start3A_185 = arith.constant 0 : i32
      %dma_start3A_186 = arith.constant 0 : i32
      %dma_start3A_187 = tpu.memref_slice %arg5[%add3A_180, %dma_start3A_185, %dma_start3A_186] : memref<1024x200x64xf32, #tpu.memory_space<hbm>> -> memref<1x200x64xf32, #tpu.memory_space<hbm>>
      %dma_start3A_188 = tpu.memref_squeeze %dma_start3A_187 : memref<1x200x64xf32, #tpu.memory_space<hbm>> -> memref<200x64xf32, #tpu.memory_space<hbm>>
      tpu.enqueue_dma source(%arg13 : memref<200x64xf32, #tpu.memory_space<vmem>>) target(%dma_start3A_188 : memref<200x64xf32, #tpu.memory_space<hbm>>) target_semaphore(%arg21 : memref<!tpu.dma_semaphore, #tpu.memory_space<semaphore_mem>>)
      %add3A_189 = arith.constant 4 : i32
      %add3A_190 = arith.addi %add3A_151, %add3A_189 : i32
      %lt3A_191 = arith.constant 32 : i32
      %lt3A_192 = arith.cmpi slt, %add3A_190, %lt3A_191 : i32
      %convert_element_type3A_193 = arith.extui %lt3A_192 : i1 to i32
      %cond3A_194 = arith.constant 0 : i32
      %cond3A_195 = arith.cmpi ne, %convert_element_type3A_193, %cond3A_194 : i32
      scf.if %cond3A_195 {
        %add3A_288 = arith.constant 4 : i32
        %add3A_289 = arith.addi %add3A_151, %add3A_288 : i32
        %mul3A_290 = arith.constant 200 : i32
        %mul3A_291 = arith.muli %add3A_289, %mul3A_290 : i32
        %dma_start3A_292 = arith.constant 0 : i32
        %dma_start3A_293 = arith.constant 0 : i32
        %dma_start3A_294 = tpu.memref_slice %arg9[%dma_start3A_292, %dma_start3A_293] : memref<200x64xf32, #tpu.memory_space<vmem>> -> memref<96x64xf32, #tpu.memory_space<vmem>>
        %dma_start3A_295 = tpu.memref_slice %arg6[%mul3A_291] : memref<6400xi32, #tpu.memory_space<vmem>> -> memref<96xi32, #tpu.memory_space<vmem>>
        %dma_start3A_296 = arith.constant 0 : i32
        %dma_start3A_297 = arith.constant 0 : i32
        %dma_start3A_298 = tpu.memref_slice %arg4[%dma_start3A_296, %dma_start3A_297] : memref<1000000x64xf32, #tpu.memory_space<hbm>> -> memref<1000000x64xf32, #tpu.memory_space<hbm>>
        tpu.enqueue_indirect_dma source(%dma_start3A_298 : memref<1000000x64xf32, #tpu.memory_space<hbm>>) target(%dma_start3A_294 : memref<96x64xf32, #tpu.memory_space<vmem>>) offsets(%dma_start3A_295 : memref<96xi32, #tpu.memory_space<vmem>>) semaphore(%arg17 : memref<!tpu.dma_semaphore, #tpu.memory_space<semaphore_mem>>)
        %add3A_299 = arith.constant 96 : i32
        %add3A_300 = arith.addi %mul3A_291, %add3A_299 : i32
        %dma_start3A_301 = arith.constant 96 : i32
        %dma_start3A_302 = arith.constant 0 : i32
        %dma_start3A_303 = tpu.memref_slice %arg9[%dma_start3A_301, %dma_start3A_302] : memref<200x64xf32, #tpu.memory_space<vmem>> -> memref<104x64xf32, #tpu.memory_space<vmem>>
        %dma_start3A_304 = tpu.memref_slice %arg6[%add3A_300] : memref<6400xi32, #tpu.memory_space<vmem>> -> memref<104xi32, #tpu.memory_space<vmem>>
        %dma_start3A_305 = arith.constant 0 : i32
        %dma_start3A_306 = arith.constant 0 : i32
        %dma_start3A_307 = tpu.memref_slice %arg4[%dma_start3A_305, %dma_start3A_306] : memref<1000000x64xf32, #tpu.memory_space<hbm>> -> memref<1000000x64xf32, #tpu.memory_space<hbm>>
        tpu.enqueue_indirect_dma source(%dma_start3A_307 : memref<1000000x64xf32, #tpu.memory_space<hbm>>) target(%dma_start3A_303 : memref<104x64xf32, #tpu.memory_space<vmem>>) offsets(%dma_start3A_304 : memref<104xi32, #tpu.memory_space<vmem>>) semaphore(%arg17 : memref<!tpu.dma_semaphore, #tpu.memory_space<semaphore_mem>>)
      } else {
      }
      %add3A_196 = arith.constant 2 : i32
      %add3A_197 = arith.addi %mul3A_107, %add3A_196 : i32
      %mul3A_198 = arith.constant 200 : i32
      %mul3A_199 = arith.muli %add3A_197, %mul3A_198 : i32
      %dma_wait3A_200 = arith.constant 0 : i32
      %dma_wait3A_201 = arith.constant 0 : i32
      %dma_wait3A_202 = tpu.memref_slice %arg10[%dma_wait3A_200, %dma_wait3A_201] : memref<200x64xf32, #tpu.memory_space<vmem>> -> memref<96x64xf32, #tpu.memory_space<vmem>>
      %dma_wait3A_203 = tpu.memref_slice %arg6[%mul3A_199] : memref<6400xi32, #tpu.memory_space<vmem>> -> memref<96xi32, #tpu.memory_space<vmem>>
      %dma_wait3A_204 = arith.constant 0 : i32
      %dma_wait3A_205 = arith.constant 0 : i32
      %dma_wait3A_206 = tpu.memref_slice %arg4[%dma_wait3A_204, %dma_wait3A_205] : memref<1000000x64xf32, #tpu.memory_space<hbm>> -> memref<1000000x64xf32, #tpu.memory_space<hbm>>
      tpu.wait_indirect_dma semaphore(%arg18 : memref<!tpu.dma_semaphore, #tpu.memory_space<semaphore_mem>>) src(%dma_wait3A_206 : memref<1000000x64xf32, #tpu.memory_space<hbm>>) dst(%dma_wait3A_202 : memref<96x64xf32, #tpu.memory_space<vmem>>)
      %add3A_207 = arith.constant 96 : i32
      %add3A_208 = arith.addi %mul3A_199, %add3A_207 : i32
      %dma_wait3A_209 = arith.constant 96 : i32
      %dma_wait3A_210 = arith.constant 0 : i32
      %dma_wait3A_211 = tpu.memref_slice %arg10[%dma_wait3A_209, %dma_wait3A_210] : memref<200x64xf32, #tpu.memory_space<vmem>> -> memref<104x64xf32, #tpu.memory_space<vmem>>
      %dma_wait3A_212 = tpu.memref_slice %arg6[%add3A_208] : memref<6400xi32, #tpu.memory_space<vmem>> -> memref<104xi32, #tpu.memory_space<vmem>>
      %dma_wait3A_213 = arith.constant 0 : i32
      %dma_wait3A_214 = arith.constant 0 : i32
      %dma_wait3A_215 = tpu.memref_slice %arg4[%dma_wait3A_213, %dma_wait3A_214] : memref<1000000x64xf32, #tpu.memory_space<hbm>> -> memref<1000000x64xf32, #tpu.memory_space<hbm>>
      tpu.wait_indirect_dma semaphore(%arg18 : memref<!tpu.dma_semaphore, #tpu.memory_space<semaphore_mem>>) src(%dma_wait3A_215 : memref<1000000x64xf32, #tpu.memory_space<hbm>>) dst(%dma_wait3A_211 : memref<104x64xf32, #tpu.memory_space<vmem>>)
      %ge3A_216 = arith.constant 4 : i32
      %ge3A_217 = arith.cmpi sge, %add3A_197, %ge3A_216 : i32
      %convert_element_type3A_218 = arith.extui %ge3A_217 : i1 to i32
      %cond3A_219 = arith.constant 0 : i32
      %cond3A_220 = arith.cmpi ne, %convert_element_type3A_218, %cond3A_219 : i32
      scf.if %cond3A_220 {
        %dma_wait3A_288 = arith.constant 0 : i32
        %dma_wait3A_289 = arith.constant 0 : i32
        %dma_wait3A_290 = arith.constant 0 : i32
        %dma_wait3A_291 = tpu.memref_slice %arg5[%dma_wait3A_288, %dma_wait3A_289, %dma_wait3A_290] : memref<1024x200x64xf32, #tpu.memory_space<hbm>> -> memref<1x200x64xf32, #tpu.memory_space<hbm>>
        %dma_wait3A_292 = tpu.memref_squeeze %dma_wait3A_291 : memref<1x200x64xf32, #tpu.memory_space<hbm>> -> memref<200x64xf32, #tpu.memory_space<hbm>>
        %dma_wait3A_293 = arith.constant 0 : i32
        %dma_wait3A_294 = arith.constant 0 : i32
        %dma_wait3A_295 = tpu.memref_slice %arg5[%dma_wait3A_288, %dma_wait3A_293, %dma_wait3A_294] : memref<1024x200x64xf32, #tpu.memory_space<hbm>> -> memref<1x200x64xf32, #tpu.memory_space<hbm>>
        %dma_wait3A_296 = tpu.memref_squeeze %dma_wait3A_295 : memref<1x200x64xf32, #tpu.memory_space<hbm>> -> memref<200x64xf32, #tpu.memory_space<hbm>>
        tpu.wait_dma2 semaphore(%arg22 : memref<!tpu.dma_semaphore, #tpu.memory_space<semaphore_mem>>) src(%dma_wait3A_296 : memref<200x64xf32, #tpu.memory_space<hbm>>) dst(%arg14 : memref<200x64xf32, #tpu.memory_space<vmem>>)
      } else {
      }
      %scan3A_221 = arith.constant 0 : i32
      %scan3A_222 = arith.constant 200 : i32
      %scan3A_223 = arith.addi %scan3A_221, %scan3A_222 : i32
      %scan3A_224 = arith.constant 4 : i32
      scf.for %scan3A_288 = %scan3A_221 to %scan3A_223 step %scan3A_224  : i32 {
        %get3A = arith.index_cast %scan3A_288 : i32 to index
        %get3A_289 = arith.constant 0 : index
        %get3A_290 = tpu.vector_load %arg10[%get3A, %get3A_289] {strides = array<i32>} : memref<200x64xf32, #tpu.memory_space<vmem>>, vector<1x16xf32>,
        %get3A_291 = vector.shape_cast %get3A_290 : vector<1x16xf32> to vector<16xf32>
        %mul3A_292 = arith.constant 8.000000e+00 : f32
        %mul3A_293 = vector.broadcast %mul3A_292 : f32 to vector<16xf32>
        %mul3A_294 = arith.mulf %get3A_291, %mul3A_293 : vector<16xf32>
        %get3A_295 = arith.index_cast %scan3A_288 : i32 to index
        %get3A_296 = arith.constant 0 : index
        %get3A_297 = tpu.vector_load %arg7[%get3A_295, %get3A_296] {strides = array<i32>} : memref<200x64xf32, #tpu.memory_space<vmem>>, vector<1x16xf32>,
        %get3A_298 = vector.shape_cast %get3A_297 : vector<1x16xf32> to vector<16xf32>
        %add3A_299 = arith.addf %mul3A_294, %get3A_298 : vector<16xf32>
        %swap3A = arith.index_cast %scan3A_288 : i32 to index
        %swap3A_300 = arith.constant 0 : index
        %swap3A_301 = tpu.vector_load %arg14[%swap3A, %swap3A_300] {strides = array<i32>} : memref<200x64xf32, #tpu.memory_space<vmem>>, vector<1x16xf32>,
        %swap3A_302 = vector.shape_cast %swap3A_301 : vector<1x16xf32> to vector<16xf32>
        %swap3A_303 = vector.shape_cast %add3A_299 : vector<16xf32> to vector<1x16xf32>
        tpu.vector_store %arg14[%swap3A, %swap3A_300], %swap3A_303 {strides = array<i32>} : memref<200x64xf32, #tpu.memory_space<vmem>>, vector<1x16xf32>,
        %get3A_304 = arith.index_cast %scan3A_288 : i32 to index
        %get3A_305 = arith.constant 16 : index
        %get3A_306 = tpu.vector_load %arg10[%get3A_304, %get3A_305] {strides = array<i32>} : memref<200x64xf32, #tpu.memory_space<vmem>>, vector<1x16xf32>,
        %get3A_307 = vector.shape_cast %get3A_306 : vector<1x16xf32> to vector<16xf32>
        %mul3A_308 = arith.constant 8.000000e+00 : f32
        %mul3A_309 = vector.broadcast %mul3A_308 : f32 to vector<16xf32>
        %mul3A_310 = arith.mulf %get3A_307, %mul3A_309 : vector<16xf32>
        %get3A_311 = arith.index_cast %scan3A_288 : i32 to index
        %get3A_312 = arith.constant 16 : index
        %get3A_313 = tpu.vector_load %arg7[%get3A_311, %get3A_312] {strides = array<i32>} : memref<200x64xf32, #tpu.memory_space<vmem>>, vector<1x16xf32>,
        %get3A_314 = vector.shape_cast %get3A_313 : vector<1x16xf32> to vector<16xf32>
        %add3A_315 = arith.addf %mul3A_310, %get3A_314 : vector<16xf32>
        %swap3A_316 = arith.index_cast %scan3A_288 : i32 to index
        %swap3A_317 = arith.constant 16 : index
        %swap3A_318 = tpu.vector_load %arg14[%swap3A_316, %swap3A_317] {strides = array<i32>} : memref<200x64xf32, #tpu.memory_space<vmem>>, vector<1x16xf32>,
        %swap3A_319 = vector.shape_cast %swap3A_318 : vector<1x16xf32> to vector<16xf32>
        %swap3A_320 = vector.shape_cast %add3A_315 : vector<16xf32> to vector<1x16xf32>
        tpu.vector_store %arg14[%swap3A_316, %swap3A_317], %swap3A_320 {strides = array<i32>} : memref<200x64xf32, #tpu.memory_space<vmem>>, vector<1x16xf32>,
        %get3A_321 = arith.index_cast %scan3A_288 : i32 to index
        %get3A_322 = arith.constant 32 : index
        %get3A_323 = tpu.vector_load %arg10[%get3A_321, %get3A_322] {strides = array<i32>} : memref<200x64xf32, #tpu.memory_space<vmem>>, vector<1x16xf32>,
        %get3A_324 = vector.shape_cast %get3A_323 : vector<1x16xf32> to vector<16xf32>
        %mul3A_325 = arith.constant 8.000000e+00 : f32
        %mul3A_326 = vector.broadcast %mul3A_325 : f32 to vector<16xf32>
        %mul3A_327 = arith.mulf %get3A_324, %mul3A_326 : vector<16xf32>
        %get3A_328 = arith.index_cast %scan3A_288 : i32 to index
        %get3A_329 = arith.constant 32 : index
        %get3A_330 = tpu.vector_load %arg7[%get3A_328, %get3A_329] {strides = array<i32>} : memref<200x64xf32, #tpu.memory_space<vmem>>, vector<1x16xf32>,
        %get3A_331 = vector.shape_cast %get3A_330 : vector<1x16xf32> to vector<16xf32>
        %add3A_332 = arith.addf %mul3A_327, %get3A_331 : vector<16xf32>
        %swap3A_333 = arith.index_cast %scan3A_288 : i32 to index
        %swap3A_334 = arith.constant 32 : index
        %swap3A_335 = tpu.vector_load %arg14[%swap3A_333, %swap3A_334] {strides = array<i32>} : memref<200x64xf32, #tpu.memory_space<vmem>>, vector<1x16xf32>,
        %swap3A_336 = vector.shape_cast %swap3A_335 : vector<1x16xf32> to vector<16xf32>
        %swap3A_337 = vector.shape_cast %add3A_332 : vector<16xf32> to vector<1x16xf32>
        tpu.vector_store %arg14[%swap3A_333, %swap3A_334], %swap3A_337 {strides = array<i32>} : memref<200x64xf32, #tpu.memory_space<vmem>>, vector<1x16xf32>,
        %get3A_338 = arith.index_cast %scan3A_288 : i32 to index
        %get3A_339 = arith.constant 48 : index
        %get3A_340 = tpu.vector_load %arg10[%get3A_338, %get3A_339] {strides = array<i32>} : memref<200x64xf32, #tpu.memory_space<vmem>>, vector<1x16xf32>,
        %get3A_341 = vector.shape_cast %get3A_340 : vector<1x16xf32> to vector<16xf32>
        %mul3A_342 = arith.constant 8.000000e+00 : f32
        %mul3A_343 = vector.broadcast %mul3A_342 : f32 to vector<16xf32>
        %mul3A_344 = arith.mulf %get3A_341, %mul3A_343 : vector<16xf32>
        %get3A_345 = arith.index_cast %scan3A_288 : i32 to index
        %get3A_346 = arith.constant 48 : index
        %get3A_347 = tpu.vector_load %arg7[%get3A_345, %get3A_346] {strides = array<i32>} : memref<200x64xf32, #tpu.memory_space<vmem>>, vector<1x16xf32>,
        %get3A_348 = vector.shape_cast %get3A_347 : vector<1x16xf32> to vector<16xf32>
        %add3A_349 = arith.addf %mul3A_344, %get3A_348 : vector<16xf32>
        %swap3A_350 = arith.index_cast %scan3A_288 : i32 to index
        %swap3A_351 = arith.constant 48 : index
        %swap3A_352 = tpu.vector_load %arg14[%swap3A_350, %swap3A_351] {strides = array<i32>} : memref<200x64xf32, #tpu.memory_space<vmem>>, vector<1x16xf32>,
        %swap3A_353 = vector.shape_cast %swap3A_352 : vector<1x16xf32> to vector<16xf32>
        %swap3A_354 = vector.shape_cast %add3A_349 : vector<16xf32> to vector<1x16xf32>
        tpu.vector_store %arg14[%swap3A_350, %swap3A_351], %swap3A_354 {strides = array<i32>} : memref<200x64xf32, #tpu.memory_space<vmem>>, vector<1x16xf32>,
        %scan3A_355 = arith.constant 1 : i32
        %scan3A_356 = arith.addi %scan3A_288, %scan3A_355 : i32
        %get3A_357 = arith.index_cast %scan3A_356 : i32 to index
        %get3A_358 = arith.constant 0 : index
        %get3A_359 = tpu.vector_load %arg10[%get3A_357, %get3A_358] {strides = array<i32>} : memref<200x64xf32, #tpu.memory_space<vmem>>, vector<1x16xf32>,
        %get3A_360 = vector.shape_cast %get3A_359 : vector<1x16xf32> to vector<16xf32>
        %mul3A_361 = arith.constant 8.000000e+00 : f32
        %mul3A_362 = vector.broadcast %mul3A_361 : f32 to vector<16xf32>
        %mul3A_363 = arith.mulf %get3A_360, %mul3A_362 : vector<16xf32>
        %get3A_364 = arith.index_cast %scan3A_356 : i32 to index
        %get3A_365 = arith.constant 0 : index
        %get3A_366 = tpu.vector_load %arg7[%get3A_364, %get3A_365] {strides = array<i32>} : memref<200x64xf32, #tpu.memory_space<vmem>>, vector<1x16xf32>,
        %get3A_367 = vector.shape_cast %get3A_366 : vector<1x16xf32> to vector<16xf32>
        %add3A_368 = arith.addf %mul3A_363, %get3A_367 : vector<16xf32>
        %swap3A_369 = arith.index_cast %scan3A_356 : i32 to index
        %swap3A_370 = arith.constant 0 : index
        %swap3A_371 = tpu.vector_load %arg14[%swap3A_369, %swap3A_370] {strides = array<i32>} : memref<200x64xf32, #tpu.memory_space<vmem>>, vector<1x16xf32>,
        %swap3A_372 = vector.shape_cast %swap3A_371 : vector<1x16xf32> to vector<16xf32>
        %swap3A_373 = vector.shape_cast %add3A_368 : vector<16xf32> to vector<1x16xf32>
        tpu.vector_store %arg14[%swap3A_369, %swap3A_370], %swap3A_373 {strides = array<i32>} : memref<200x64xf32, #tpu.memory_space<vmem>>, vector<1x16xf32>,
        %get3A_374 = arith.index_cast %scan3A_356 : i32 to index
        %get3A_375 = arith.constant 16 : index
        %get3A_376 = tpu.vector_load %arg10[%get3A_374, %get3A_375] {strides = array<i32>} : memref<200x64xf32, #tpu.memory_space<vmem>>, vector<1x16xf32>,
        %get3A_377 = vector.shape_cast %get3A_376 : vector<1x16xf32> to vector<16xf32>
        %mul3A_378 = arith.constant 8.000000e+00 : f32
        %mul3A_379 = vector.broadcast %mul3A_378 : f32 to vector<16xf32>
        %mul3A_380 = arith.mulf %get3A_377, %mul3A_379 : vector<16xf32>
        %get3A_381 = arith.index_cast %scan3A_356 : i32 to index
        %get3A_382 = arith.constant 16 : index
        %get3A_383 = tpu.vector_load %arg7[%get3A_381, %get3A_382] {strides = array<i32>} : memref<200x64xf32, #tpu.memory_space<vmem>>, vector<1x16xf32>,
        %get3A_384 = vector.shape_cast %get3A_383 : vector<1x16xf32> to vector<16xf32>
        %add3A_385 = arith.addf %mul3A_380, %get3A_384 : vector<16xf32>
        %swap3A_386 = arith.index_cast %scan3A_356 : i32 to index
        %swap3A_387 = arith.constant 16 : index
        %swap3A_388 = tpu.vector_load %arg14[%swap3A_386, %swap3A_387] {strides = array<i32>} : memref<200x64xf32, #tpu.memory_space<vmem>>, vector<1x16xf32>,
        %swap3A_389 = vector.shape_cast %swap3A_388 : vector<1x16xf32> to vector<16xf32>
        %swap3A_390 = vector.shape_cast %add3A_385 : vector<16xf32> to vector<1x16xf32>
        tpu.vector_store %arg14[%swap3A_386, %swap3A_387], %swap3A_390 {strides = array<i32>} : memref<200x64xf32, #tpu.memory_space<vmem>>, vector<1x16xf32>,
        %get3A_391 = arith.index_cast %scan3A_356 : i32 to index
        %get3A_392 = arith.constant 32 : index
        %get3A_393 = tpu.vector_load %arg10[%get3A_391, %get3A_392] {strides = array<i32>} : memref<200x64xf32, #tpu.memory_space<vmem>>, vector<1x16xf32>,
        %get3A_394 = vector.shape_cast %get3A_393 : vector<1x16xf32> to vector<16xf32>
        %mul3A_395 = arith.constant 8.000000e+00 : f32
        %mul3A_396 = vector.broadcast %mul3A_395 : f32 to vector<16xf32>
        %mul3A_397 = arith.mulf %get3A_394, %mul3A_396 : vector<16xf32>
        %get3A_398 = arith.index_cast %scan3A_356 : i32 to index
        %get3A_399 = arith.constant 32 : index
        %get3A_400 = tpu.vector_load %arg7[%get3A_398, %get3A_399] {strides = array<i32>} : memref<200x64xf32, #tpu.memory_space<vmem>>, vector<1x16xf32>,
        %get3A_401 = vector.shape_cast %get3A_400 : vector<1x16xf32> to vector<16xf32>
        %add3A_402 = arith.addf %mul3A_397, %get3A_401 : vector<16xf32>
        %swap3A_403 = arith.index_cast %scan3A_356 : i32 to index
        %swap3A_404 = arith.constant 32 : index
        %swap3A_405 = tpu.vector_load %arg14[%swap3A_403, %swap3A_404] {strides = array<i32>} : memref<200x64xf32, #tpu.memory_space<vmem>>, vector<1x16xf32>,
        %swap3A_406 = vector.shape_cast %swap3A_405 : vector<1x16xf32> to vector<16xf32>
        %swap3A_407 = vector.shape_cast %add3A_402 : vector<16xf32> to vector<1x16xf32>
        tpu.vector_store %arg14[%swap3A_403, %swap3A_404], %swap3A_407 {strides = array<i32>} : memref<200x64xf32, #tpu.memory_space<vmem>>, vector<1x16xf32>,
        %get3A_408 = arith.index_cast %scan3A_356 : i32 to index
        %get3A_409 = arith.constant 48 : index
        %get3A_410 = tpu.vector_load %arg10[%get3A_408, %get3A_409] {strides = array<i32>} : memref<200x64xf32, #tpu.memory_space<vmem>>, vector<1x16xf32>,
        %get3A_411 = vector.shape_cast %get3A_410 : vector<1x16xf32> to vector<16xf32>
        %mul3A_412 = arith.constant 8.000000e+00 : f32
        %mul3A_413 = vector.broadcast %mul3A_412 : f32 to vector<16xf32>
        %mul3A_414 = arith.mulf %get3A_411, %mul3A_413 : vector<16xf32>
        %get3A_415 = arith.index_cast %scan3A_356 : i32 to index
        %get3A_416 = arith.constant 48 : index
        %get3A_417 = tpu.vector_load %arg7[%get3A_415, %get3A_416] {strides = array<i32>} : memref<200x64xf32, #tpu.memory_space<vmem>>, vector<1x16xf32>,
        %get3A_418 = vector.shape_cast %get3A_417 : vector<1x16xf32> to vector<16xf32>
        %add3A_419 = arith.addf %mul3A_414, %get3A_418 : vector<16xf32>
        %swap3A_420 = arith.index_cast %scan3A_356 : i32 to index
        %swap3A_421 = arith.constant 48 : index
        %swap3A_422 = tpu.vector_load %arg14[%swap3A_420, %swap3A_421] {strides = array<i32>} : memref<200x64xf32, #tpu.memory_space<vmem>>, vector<1x16xf32>,
        %swap3A_423 = vector.shape_cast %swap3A_422 : vector<1x16xf32> to vector<16xf32>
        %swap3A_424 = vector.shape_cast %add3A_419 : vector<16xf32> to vector<1x16xf32>
        tpu.vector_store %arg14[%swap3A_420, %swap3A_421], %swap3A_424 {strides = array<i32>} : memref<200x64xf32, #tpu.memory_space<vmem>>, vector<1x16xf32>,
        %scan3A_425 = arith.constant 2 : i32
        %scan3A_426 = arith.addi %scan3A_288, %scan3A_425 : i32
        %get3A_427 = arith.index_cast %scan3A_426 : i32 to index
        %get3A_428 = arith.constant 0 : index
        %get3A_429 = tpu.vector_load %arg10[%get3A_427, %get3A_428] {strides = array<i32>} : memref<200x64xf32, #tpu.memory_space<vmem>>, vector<1x16xf32>,
        %get3A_430 = vector.shape_cast %get3A_429 : vector<1x16xf32> to vector<16xf32>
        %mul3A_431 = arith.constant 8.000000e+00 : f32
        %mul3A_432 = vector.broadcast %mul3A_431 : f32 to vector<16xf32>
        %mul3A_433 = arith.mulf %get3A_430, %mul3A_432 : vector<16xf32>
        %get3A_434 = arith.index_cast %scan3A_426 : i32 to index
        %get3A_435 = arith.constant 0 : index
        %get3A_436 = tpu.vector_load %arg7[%get3A_434, %get3A_435] {strides = array<i32>} : memref<200x64xf32, #tpu.memory_space<vmem>>, vector<1x16xf32>,
        %get3A_437 = vector.shape_cast %get3A_436 : vector<1x16xf32> to vector<16xf32>
        %add3A_438 = arith.addf %mul3A_433, %get3A_437 : vector<16xf32>
        %swap3A_439 = arith.index_cast %scan3A_426 : i32 to index
        %swap3A_440 = arith.constant 0 : index
        %swap3A_441 = tpu.vector_load %arg14[%swap3A_439, %swap3A_440] {strides = array<i32>} : memref<200x64xf32, #tpu.memory_space<vmem>>, vector<1x16xf32>,
        %swap3A_442 = vector.shape_cast %swap3A_441 : vector<1x16xf32> to vector<16xf32>
        %swap3A_443 = vector.shape_cast %add3A_438 : vector<16xf32> to vector<1x16xf32>
        tpu.vector_store %arg14[%swap3A_439, %swap3A_440], %swap3A_443 {strides = array<i32>} : memref<200x64xf32, #tpu.memory_space<vmem>>, vector<1x16xf32>,
        %get3A_444 = arith.index_cast %scan3A_426 : i32 to index
        %get3A_445 = arith.constant 16 : index
        %get3A_446 = tpu.vector_load %arg10[%get3A_444, %get3A_445] {strides = array<i32>} : memref<200x64xf32, #tpu.memory_space<vmem>>, vector<1x16xf32>,
        %get3A_447 = vector.shape_cast %get3A_446 : vector<1x16xf32> to vector<16xf32>
        %mul3A_448 = arith.constant 8.000000e+00 : f32
        %mul3A_449 = vector.broadcast %mul3A_448 : f32 to vector<16xf32>
        %mul3A_450 = arith.mulf %get3A_447, %mul3A_449 : vector<16xf32>
        %get3A_451 = arith.index_cast %scan3A_426 : i32 to index
        %get3A_452 = arith.constant 16 : index
        %get3A_453 = tpu.vector_load %arg7[%get3A_451, %get3A_452] {strides = array<i32>} : memref<200x64xf32, #tpu.memory_space<vmem>>, vector<1x16xf32>,
        %get3A_454 = vector.shape_cast %get3A_453 : vector<1x16xf32> to vector<16xf32>
        %add3A_455 = arith.addf %mul3A_450, %get3A_454 : vector<16xf32>
        %swap3A_456 = arith.index_cast %scan3A_426 : i32 to index
        %swap3A_457 = arith.constant 16 : index
        %swap3A_458 = tpu.vector_load %arg14[%swap3A_456, %swap3A_457] {strides = array<i32>} : memref<200x64xf32, #tpu.memory_space<vmem>>, vector<1x16xf32>,
        %swap3A_459 = vector.shape_cast %swap3A_458 : vector<1x16xf32> to vector<16xf32>
        %swap3A_460 = vector.shape_cast %add3A_455 : vector<16xf32> to vector<1x16xf32>
        tpu.vector_store %arg14[%swap3A_456, %swap3A_457], %swap3A_460 {strides = array<i32>} : memref<200x64xf32, #tpu.memory_space<vmem>>, vector<1x16xf32>,
        %get3A_461 = arith.index_cast %scan3A_426 : i32 to index
        %get3A_462 = arith.constant 32 : index
        %get3A_463 = tpu.vector_load %arg10[%get3A_461, %get3A_462] {strides = array<i32>} : memref<200x64xf32, #tpu.memory_space<vmem>>, vector<1x16xf32>,
        %get3A_464 = vector.shape_cast %get3A_463 : vector<1x16xf32> to vector<16xf32>
        %mul3A_465 = arith.constant 8.000000e+00 : f32
        %mul3A_466 = vector.broadcast %mul3A_465 : f32 to vector<16xf32>
        %mul3A_467 = arith.mulf %get3A_464, %mul3A_466 : vector<16xf32>
        %get3A_468 = arith.index_cast %scan3A_426 : i32 to index
        %get3A_469 = arith.constant 32 : index
        %get3A_470 = tpu.vector_load %arg7[%get3A_468, %get3A_469] {strides = array<i32>} : memref<200x64xf32, #tpu.memory_space<vmem>>, vector<1x16xf32>,
        %get3A_471 = vector.shape_cast %get3A_470 : vector<1x16xf32> to vector<16xf32>
        %add3A_472 = arith.addf %mul3A_467, %get3A_471 : vector<16xf32>
        %swap3A_473 = arith.index_cast %scan3A_426 : i32 to index
        %swap3A_474 = arith.constant 32 : index
        %swap3A_475 = tpu.vector_load %arg14[%swap3A_473, %swap3A_474] {strides = array<i32>} : memref<200x64xf32, #tpu.memory_space<vmem>>, vector<1x16xf32>,
        %swap3A_476 = vector.shape_cast %swap3A_475 : vector<1x16xf32> to vector<16xf32>
        %swap3A_477 = vector.shape_cast %add3A_472 : vector<16xf32> to vector<1x16xf32>
        tpu.vector_store %arg14[%swap3A_473, %swap3A_474], %swap3A_477 {strides = array<i32>} : memref<200x64xf32, #tpu.memory_space<vmem>>, vector<1x16xf32>,
        %get3A_478 = arith.index_cast %scan3A_426 : i32 to index
        %get3A_479 = arith.constant 48 : index
        %get3A_480 = tpu.vector_load %arg10[%get3A_478, %get3A_479] {strides = array<i32>} : memref<200x64xf32, #tpu.memory_space<vmem>>, vector<1x16xf32>,
        %get3A_481 = vector.shape_cast %get3A_480 : vector<1x16xf32> to vector<16xf32>
        %mul3A_482 = arith.constant 8.000000e+00 : f32
        %mul3A_483 = vector.broadcast %mul3A_482 : f32 to vector<16xf32>
        %mul3A_484 = arith.mulf %get3A_481, %mul3A_483 : vector<16xf32>
        %get3A_485 = arith.index_cast %scan3A_426 : i32 to index
        %get3A_486 = arith.constant 48 : index
        %get3A_487 = tpu.vector_load %arg7[%get3A_485, %get3A_486] {strides = array<i32>} : memref<200x64xf32, #tpu.memory_space<vmem>>, vector<1x16xf32>,
        %get3A_488 = vector.shape_cast %get3A_487 : vector<1x16xf32> to vector<16xf32>
        %add3A_489 = arith.addf %mul3A_484, %get3A_488 : vector<16xf32>
        %swap3A_490 = arith.index_cast %scan3A_426 : i32 to index
        %swap3A_491 = arith.constant 48 : index
        %swap3A_492 = tpu.vector_load %arg14[%swap3A_490, %swap3A_491] {strides = array<i32>} : memref<200x64xf32, #tpu.memory_space<vmem>>, vector<1x16xf32>,
        %swap3A_493 = vector.shape_cast %swap3A_492 : vector<1x16xf32> to vector<16xf32>
        %swap3A_494 = vector.shape_cast %add3A_489 : vector<16xf32> to vector<1x16xf32>
        tpu.vector_store %arg14[%swap3A_490, %swap3A_491], %swap3A_494 {strides = array<i32>} : memref<200x64xf32, #tpu.memory_space<vmem>>, vector<1x16xf32>,
        %scan3A_495 = arith.constant 3 : i32
        %scan3A_496 = arith.addi %scan3A_288, %scan3A_495 : i32
        %get3A_497 = arith.index_cast %scan3A_496 : i32 to index
        %get3A_498 = arith.constant 0 : index
        %get3A_499 = tpu.vector_load %arg10[%get3A_497, %get3A_498] {strides = array<i32>} : memref<200x64xf32, #tpu.memory_space<vmem>>, vector<1x16xf32>,
        %get3A_500 = vector.shape_cast %get3A_499 : vector<1x16xf32> to vector<16xf32>
        %mul3A_501 = arith.constant 8.000000e+00 : f32
        %mul3A_502 = vector.broadcast %mul3A_501 : f32 to vector<16xf32>
        %mul3A_503 = arith.mulf %get3A_500, %mul3A_502 : vector<16xf32>
        %get3A_504 = arith.index_cast %scan3A_496 : i32 to index
        %get3A_505 = arith.constant 0 : index
        %get3A_506 = tpu.vector_load %arg7[%get3A_504, %get3A_505] {strides = array<i32>} : memref<200x64xf32, #tpu.memory_space<vmem>>, vector<1x16xf32>,
        %get3A_507 = vector.shape_cast %get3A_506 : vector<1x16xf32> to vector<16xf32>
        %add3A_508 = arith.addf %mul3A_503, %get3A_507 : vector<16xf32>
        %swap3A_509 = arith.index_cast %scan3A_496 : i32 to index
        %swap3A_510 = arith.constant 0 : index
        %swap3A_511 = tpu.vector_load %arg14[%swap3A_509, %swap3A_510] {strides = array<i32>} : memref<200x64xf32, #tpu.memory_space<vmem>>, vector<1x16xf32>,
        %swap3A_512 = vector.shape_cast %swap3A_511 : vector<1x16xf32> to vector<16xf32>
        %swap3A_513 = vector.shape_cast %add3A_508 : vector<16xf32> to vector<1x16xf32>
        tpu.vector_store %arg14[%swap3A_509, %swap3A_510], %swap3A_513 {strides = array<i32>} : memref<200x64xf32, #tpu.memory_space<vmem>>, vector<1x16xf32>,
        %get3A_514 = arith.index_cast %scan3A_496 : i32 to index
        %get3A_515 = arith.constant 16 : index
        %get3A_516 = tpu.vector_load %arg10[%get3A_514, %get3A_515] {strides = array<i32>} : memref<200x64xf32, #tpu.memory_space<vmem>>, vector<1x16xf32>,
        %get3A_517 = vector.shape_cast %get3A_516 : vector<1x16xf32> to vector<16xf32>
        %mul3A_518 = arith.constant 8.000000e+00 : f32
        %mul3A_519 = vector.broadcast %mul3A_518 : f32 to vector<16xf32>
        %mul3A_520 = arith.mulf %get3A_517, %mul3A_519 : vector<16xf32>
        %get3A_521 = arith.index_cast %scan3A_496 : i32 to index
        %get3A_522 = arith.constant 16 : index
        %get3A_523 = tpu.vector_load %arg7[%get3A_521, %get3A_522] {strides = array<i32>} : memref<200x64xf32, #tpu.memory_space<vmem>>, vector<1x16xf32>,
        %get3A_524 = vector.shape_cast %get3A_523 : vector<1x16xf32> to vector<16xf32>
        %add3A_525 = arith.addf %mul3A_520, %get3A_524 : vector<16xf32>
        %swap3A_526 = arith.index_cast %scan3A_496 : i32 to index
        %swap3A_527 = arith.constant 16 : index
        %swap3A_528 = tpu.vector_load %arg14[%swap3A_526, %swap3A_527] {strides = array<i32>} : memref<200x64xf32, #tpu.memory_space<vmem>>, vector<1x16xf32>,
        %swap3A_529 = vector.shape_cast %swap3A_528 : vector<1x16xf32> to vector<16xf32>
        %swap3A_530 = vector.shape_cast %add3A_525 : vector<16xf32> to vector<1x16xf32>
        tpu.vector_store %arg14[%swap3A_526, %swap3A_527], %swap3A_530 {strides = array<i32>} : memref<200x64xf32, #tpu.memory_space<vmem>>, vector<1x16xf32>,
        %get3A_531 = arith.index_cast %scan3A_496 : i32 to index
        %get3A_532 = arith.constant 32 : index
        %get3A_533 = tpu.vector_load %arg10[%get3A_531, %get3A_532] {strides = array<i32>} : memref<200x64xf32, #tpu.memory_space<vmem>>, vector<1x16xf32>,
        %get3A_534 = vector.shape_cast %get3A_533 : vector<1x16xf32> to vector<16xf32>
        %mul3A_535 = arith.constant 8.000000e+00 : f32
        %mul3A_536 = vector.broadcast %mul3A_535 : f32 to vector<16xf32>
        %mul3A_537 = arith.mulf %get3A_534, %mul3A_536 : vector<16xf32>
        %get3A_538 = arith.index_cast %scan3A_496 : i32 to index
        %get3A_539 = arith.constant 32 : index
        %get3A_540 = tpu.vector_load %arg7[%get3A_538, %get3A_539] {strides = array<i32>} : memref<200x64xf32, #tpu.memory_space<vmem>>, vector<1x16xf32>,
        %get3A_541 = vector.shape_cast %get3A_540 : vector<1x16xf32> to vector<16xf32>
        %add3A_542 = arith.addf %mul3A_537, %get3A_541 : vector<16xf32>
        %swap3A_543 = arith.index_cast %scan3A_496 : i32 to index
        %swap3A_544 = arith.constant 32 : index
        %swap3A_545 = tpu.vector_load %arg14[%swap3A_543, %swap3A_544] {strides = array<i32>} : memref<200x64xf32, #tpu.memory_space<vmem>>, vector<1x16xf32>,
        %swap3A_546 = vector.shape_cast %swap3A_545 : vector<1x16xf32> to vector<16xf32>
        %swap3A_547 = vector.shape_cast %add3A_542 : vector<16xf32> to vector<1x16xf32>
        tpu.vector_store %arg14[%swap3A_543, %swap3A_544], %swap3A_547 {strides = array<i32>} : memref<200x64xf32, #tpu.memory_space<vmem>>, vector<1x16xf32>,
        %get3A_548 = arith.index_cast %scan3A_496 : i32 to index
        %get3A_549 = arith.constant 48 : index
        %get3A_550 = tpu.vector_load %arg10[%get3A_548, %get3A_549] {strides = array<i32>} : memref<200x64xf32, #tpu.memory_space<vmem>>, vector<1x16xf32>,
        %get3A_551 = vector.shape_cast %get3A_550 : vector<1x16xf32> to vector<16xf32>
        %mul3A_552 = arith.constant 8.000000e+00 : f32
        %mul3A_553 = vector.broadcast %mul3A_552 : f32 to vector<16xf32>
        %mul3A_554 = arith.mulf %get3A_551, %mul3A_553 : vector<16xf32>
        %get3A_555 = arith.index_cast %scan3A_496 : i32 to index
        %get3A_556 = arith.constant 48 : index
        %get3A_557 = tpu.vector_load %arg7[%get3A_555, %get3A_556] {strides = array<i32>} : memref<200x64xf32, #tpu.memory_space<vmem>>, vector<1x16xf32>,
        %get3A_558 = vector.shape_cast %get3A_557 : vector<1x16xf32> to vector<16xf32>
        %add3A_559 = arith.addf %mul3A_554, %get3A_558 : vector<16xf32>
        %swap3A_560 = arith.index_cast %scan3A_496 : i32 to index
        %swap3A_561 = arith.constant 48 : index
        %swap3A_562 = tpu.vector_load %arg14[%swap3A_560, %swap3A_561] {strides = array<i32>} : memref<200x64xf32, #tpu.memory_space<vmem>>, vector<1x16xf32>,
        %swap3A_563 = vector.shape_cast %swap3A_562 : vector<1x16xf32> to vector<16xf32>
        %swap3A_564 = vector.shape_cast %add3A_559 : vector<16xf32> to vector<1x16xf32>
        tpu.vector_store %arg14[%swap3A_560, %swap3A_561], %swap3A_564 {strides = array<i32>} : memref<200x64xf32, #tpu.memory_space<vmem>>, vector<1x16xf32>,
      }
      %scan3A_225 = arith.constant 200 : i32
      %add3A_226 = arith.addi %mul3A_2, %add3A_197 : i32
      %dma_start3A_227 = arith.constant 0 : i32
      %dma_start3A_228 = arith.constant 0 : i32
      %dma_start3A_229 = tpu.memref_slice %arg5[%add3A_226, %dma_start3A_227, %dma_start3A_228] : memref<1024x200x64xf32, #tpu.memory_space<hbm>> -> memref<1x200x64xf32, #tpu.memory_space<hbm>>
      %dma_start3A_230 = tpu.memref_squeeze %dma_start3A_229 : memref<1x200x64xf32, #tpu.memory_space<hbm>> -> memref<200x64xf32, #tpu.memory_space<hbm>>
      %dma_start3A_231 = arith.constant 0 : i32
      %dma_start3A_232 = arith.constant 0 : i32
      %dma_start3A_233 = tpu.memref_slice %arg5[%add3A_226, %dma_start3A_231, %dma_start3A_232] : memref<1024x200x64xf32, #tpu.memory_space<hbm>> -> memref<1x200x64xf32, #tpu.memory_space<hbm>>
      %dma_start3A_234 = tpu.memref_squeeze %dma_start3A_233 : memref<1x200x64xf32, #tpu.memory_space<hbm>> -> memref<200x64xf32, #tpu.memory_space<hbm>>
      tpu.enqueue_dma source(%arg14 : memref<200x64xf32, #tpu.memory_space<vmem>>) target(%dma_start3A_234 : memref<200x64xf32, #tpu.memory_space<hbm>>) target_semaphore(%arg22 : memref<!tpu.dma_semaphore, #tpu.memory_space<semaphore_mem>>)
      %add3A_235 = arith.constant 4 : i32
      %add3A_236 = arith.addi %add3A_197, %add3A_235 : i32
      %lt3A_237 = arith.constant 32 : i32
      %lt3A_238 = arith.cmpi slt, %add3A_236, %lt3A_237 : i32
      %convert_element_type3A_239 = arith.extui %lt3A_238 : i1 to i32
      %cond3A_240 = arith.constant 0 : i32
      %cond3A_241 = arith.cmpi ne, %convert_element_type3A_239, %cond3A_240 : i32
      scf.if %cond3A_241 {
        %add3A_288 = arith.constant 4 : i32
        %add3A_289 = arith.addi %add3A_197, %add3A_288 : i32
        %mul3A_290 = arith.constant 200 : i32
        %mul3A_291 = arith.muli %add3A_289, %mul3A_290 : i32
        %dma_start3A_292 = arith.constant 0 : i32
        %dma_start3A_293 = arith.constant 0 : i32
        %dma_start3A_294 = tpu.memref_slice %arg10[%dma_start3A_292, %dma_start3A_293] : memref<200x64xf32, #tpu.memory_space<vmem>> -> memref<96x64xf32, #tpu.memory_space<vmem>>
        %dma_start3A_295 = tpu.memref_slice %arg6[%mul3A_291] : memref<6400xi32, #tpu.memory_space<vmem>> -> memref<96xi32, #tpu.memory_space<vmem>>
        %dma_start3A_296 = arith.constant 0 : i32
        %dma_start3A_297 = arith.constant 0 : i32
        %dma_start3A_298 = tpu.memref_slice %arg4[%dma_start3A_296, %dma_start3A_297] : memref<1000000x64xf32, #tpu.memory_space<hbm>> -> memref<1000000x64xf32, #tpu.memory_space<hbm>>
        tpu.enqueue_indirect_dma source(%dma_start3A_298 : memref<1000000x64xf32, #tpu.memory_space<hbm>>) target(%dma_start3A_294 : memref<96x64xf32, #tpu.memory_space<vmem>>) offsets(%dma_start3A_295 : memref<96xi32, #tpu.memory_space<vmem>>) semaphore(%arg18 : memref<!tpu.dma_semaphore, #tpu.memory_space<semaphore_mem>>)
        %add3A_299 = arith.constant 96 : i32
        %add3A_300 = arith.addi %mul3A_291, %add3A_299 : i32
        %dma_start3A_301 = arith.constant 96 : i32
        %dma_start3A_302 = arith.constant 0 : i32
        %dma_start3A_303 = tpu.memref_slice %arg10[%dma_start3A_301, %dma_start3A_302] : memref<200x64xf32, #tpu.memory_space<vmem>> -> memref<104x64xf32, #tpu.memory_space<vmem>>
        %dma_start3A_304 = tpu.memref_slice %arg6[%add3A_300] : memref<6400xi32, #tpu.memory_space<vmem>> -> memref<104xi32, #tpu.memory_space<vmem>>
        %dma_start3A_305 = arith.constant 0 : i32
        %dma_start3A_306 = arith.constant 0 : i32
        %dma_start3A_307 = tpu.memref_slice %arg4[%dma_start3A_305, %dma_start3A_306] : memref<1000000x64xf32, #tpu.memory_space<hbm>> -> memref<1000000x64xf32, #tpu.memory_space<hbm>>
        tpu.enqueue_indirect_dma source(%dma_start3A_307 : memref<1000000x64xf32, #tpu.memory_space<hbm>>) target(%dma_start3A_303 : memref<104x64xf32, #tpu.memory_space<vmem>>) offsets(%dma_start3A_304 : memref<104xi32, #tpu.memory_space<vmem>>) semaphore(%arg18 : memref<!tpu.dma_semaphore, #tpu.memory_space<semaphore_mem>>)
      } else {
      }
      %add3A_242 = arith.constant 3 : i32
      %add3A_243 = arith.addi %mul3A_107, %add3A_242 : i32
      %mul3A_244 = arith.constant 200 : i32
      %mul3A_245 = arith.muli %add3A_243, %mul3A_244 : i32
      %dma_wait3A_246 = arith.constant 0 : i32
      %dma_wait3A_247 = arith.constant 0 : i32
      %dma_wait3A_248 = tpu.memref_slice %arg11[%dma_wait3A_246, %dma_wait3A_247] : memref<200x64xf32, #tpu.memory_space<vmem>> -> memref<96x64xf32, #tpu.memory_space<vmem>>
      %dma_wait3A_249 = tpu.memref_slice %arg6[%mul3A_245] : memref<6400xi32, #tpu.memory_space<vmem>> -> memref<96xi32, #tpu.memory_space<vmem>>
      %dma_wait3A_250 = arith.constant 0 : i32
      %dma_wait3A_251 = arith.constant 0 : i32
      %dma_wait3A_252 = tpu.memref_slice %arg4[%dma_wait3A_250, %dma_wait3A_251] : memref<1000000x64xf32, #tpu.memory_space<hbm>> -> memref<1000000x64xf32, #tpu.memory_space<hbm>>
      tpu.wait_indirect_dma semaphore(%arg19 : memref<!tpu.dma_semaphore, #tpu.memory_space<semaphore_mem>>) src(%dma_wait3A_252 : memref<1000000x64xf32, #tpu.memory_space<hbm>>) dst(%dma_wait3A_248 : memref<96x64xf32, #tpu.memory_space<vmem>>)
      %add3A_253 = arith.constant 96 : i32
      %add3A_254 = arith.addi %mul3A_245, %add3A_253 : i32
      %dma_wait3A_255 = arith.constant 96 : i32
      %dma_wait3A_256 = arith.constant 0 : i32
      %dma_wait3A_257 = tpu.memref_slice %arg11[%dma_wait3A_255, %dma_wait3A_256] : memref<200x64xf32, #tpu.memory_space<vmem>> -> memref<104x64xf32, #tpu.memory_space<vmem>>
      %dma_wait3A_258 = tpu.memref_slice %arg6[%add3A_254] : memref<6400xi32, #tpu.memory_space<vmem>> -> memref<104xi32, #tpu.memory_space<vmem>>
      %dma_wait3A_259 = arith.constant 0 : i32
      %dma_wait3A_260 = arith.constant 0 : i32
      %dma_wait3A_261 = tpu.memref_slice %arg4[%dma_wait3A_259, %dma_wait3A_260] : memref<1000000x64xf32, #tpu.memory_space<hbm>> -> memref<1000000x64xf32, #tpu.memory_space<hbm>>
      tpu.wait_indirect_dma semaphore(%arg19 : memref<!tpu.dma_semaphore, #tpu.memory_space<semaphore_mem>>) src(%dma_wait3A_261 : memref<1000000x64xf32, #tpu.memory_space<hbm>>) dst(%dma_wait3A_257 : memref<104x64xf32, #tpu.memory_space<vmem>>)
      %ge3A_262 = arith.constant 4 : i32
      %ge3A_263 = arith.cmpi sge, %add3A_243, %ge3A_262 : i32
      %convert_element_type3A_264 = arith.extui %ge3A_263 : i1 to i32
      %cond3A_265 = arith.constant 0 : i32
      %cond3A_266 = arith.cmpi ne, %convert_element_type3A_264, %cond3A_265 : i32
      scf.if %cond3A_266 {
        %dma_wait3A_288 = arith.constant 0 : i32
        %dma_wait3A_289 = arith.constant 0 : i32
        %dma_wait3A_290 = arith.constant 0 : i32
        %dma_wait3A_291 = tpu.memref_slice %arg5[%dma_wait3A_288, %dma_wait3A_289, %dma_wait3A_290] : memref<1024x200x64xf32, #tpu.memory_space<hbm>> -> memref<1x200x64xf32, #tpu.memory_space<hbm>>
        %dma_wait3A_292 = tpu.memref_squeeze %dma_wait3A_291 : memref<1x200x64xf32, #tpu.memory_space<hbm>> -> memref<200x64xf32, #tpu.memory_space<hbm>>
        %dma_wait3A_293 = arith.constant 0 : i32
        %dma_wait3A_294 = arith.constant 0 : i32
        %dma_wait3A_295 = tpu.memref_slice %arg5[%dma_wait3A_288, %dma_wait3A_293, %dma_wait3A_294] : memref<1024x200x64xf32, #tpu.memory_space<hbm>> -> memref<1x200x64xf32, #tpu.memory_space<hbm>>
        %dma_wait3A_296 = tpu.memref_squeeze %dma_wait3A_295 : memref<1x200x64xf32, #tpu.memory_space<hbm>> -> memref<200x64xf32, #tpu.memory_space<hbm>>
        tpu.wait_dma2 semaphore(%arg23 : memref<!tpu.dma_semaphore, #tpu.memory_space<semaphore_mem>>) src(%dma_wait3A_296 : memref<200x64xf32, #tpu.memory_space<hbm>>) dst(%arg15 : memref<200x64xf32, #tpu.memory_space<vmem>>)
      } else {
      }
      %scan3A_267 = arith.constant 0 : i32
      %scan3A_268 = arith.constant 200 : i32
      %scan3A_269 = arith.addi %scan3A_267, %scan3A_268 : i32
      %scan3A_270 = arith.constant 4 : i32
      scf.for %scan3A_288 = %scan3A_267 to %scan3A_269 step %scan3A_270  : i32 {
        %get3A = arith.index_cast %scan3A_288 : i32 to index
        %get3A_289 = arith.constant 0 : index
        %get3A_290 = tpu.vector_load %arg11[%get3A, %get3A_289] {strides = array<i32>} : memref<200x64xf32, #tpu.memory_space<vmem>>, vector<1x16xf32>,
        %get3A_291 = vector.shape_cast %get3A_290 : vector<1x16xf32> to vector<16xf32>
        %mul3A_292 = arith.constant 8.000000e+00 : f32
        %mul3A_293 = vector.broadcast %mul3A_292 : f32 to vector<16xf32>
        %mul3A_294 = arith.mulf %get3A_291, %mul3A_293 : vector<16xf32>
        %get3A_295 = arith.index_cast %scan3A_288 : i32 to index
        %get3A_296 = arith.constant 0 : index
        %get3A_297 = tpu.vector_load %arg7[%get3A_295, %get3A_296] {strides = array<i32>} : memref<200x64xf32, #tpu.memory_space<vmem>>, vector<1x16xf32>,
        %get3A_298 = vector.shape_cast %get3A_297 : vector<1x16xf32> to vector<16xf32>
        %add3A_299 = arith.addf %mul3A_294, %get3A_298 : vector<16xf32>
        %swap3A = arith.index_cast %scan3A_288 : i32 to index
        %swap3A_300 = arith.constant 0 : index
        %swap3A_301 = tpu.vector_load %arg15[%swap3A, %swap3A_300] {strides = array<i32>} : memref<200x64xf32, #tpu.memory_space<vmem>>, vector<1x16xf32>,
        %swap3A_302 = vector.shape_cast %swap3A_301 : vector<1x16xf32> to vector<16xf32>
        %swap3A_303 = vector.shape_cast %add3A_299 : vector<16xf32> to vector<1x16xf32>
        tpu.vector_store %arg15[%swap3A, %swap3A_300], %swap3A_303 {strides = array<i32>} : memref<200x64xf32, #tpu.memory_space<vmem>>, vector<1x16xf32>,
        %get3A_304 = arith.index_cast %scan3A_288 : i32 to index
        %get3A_305 = arith.constant 16 : index
        %get3A_306 = tpu.vector_load %arg11[%get3A_304, %get3A_305] {strides = array<i32>} : memref<200x64xf32, #tpu.memory_space<vmem>>, vector<1x16xf32>,
        %get3A_307 = vector.shape_cast %get3A_306 : vector<1x16xf32> to vector<16xf32>
        %mul3A_308 = arith.constant 8.000000e+00 : f32
        %mul3A_309 = vector.broadcast %mul3A_308 : f32 to vector<16xf32>
        %mul3A_310 = arith.mulf %get3A_307, %mul3A_309 : vector<16xf32>
        %get3A_311 = arith.index_cast %scan3A_288 : i32 to index
        %get3A_312 = arith.constant 16 : index
        %get3A_313 = tpu.vector_load %arg7[%get3A_311, %get3A_312] {strides = array<i32>} : memref<200x64xf32, #tpu.memory_space<vmem>>, vector<1x16xf32>,
        %get3A_314 = vector.shape_cast %get3A_313 : vector<1x16xf32> to vector<16xf32>
        %add3A_315 = arith.addf %mul3A_310, %get3A_314 : vector<16xf32>
        %swap3A_316 = arith.index_cast %scan3A_288 : i32 to index
        %swap3A_317 = arith.constant 16 : index
        %swap3A_318 = tpu.vector_load %arg15[%swap3A_316, %swap3A_317] {strides = array<i32>} : memref<200x64xf32, #tpu.memory_space<vmem>>, vector<1x16xf32>,
        %swap3A_319 = vector.shape_cast %swap3A_318 : vector<1x16xf32> to vector<16xf32>
        %swap3A_320 = vector.shape_cast %add3A_315 : vector<16xf32> to vector<1x16xf32>
        tpu.vector_store %arg15[%swap3A_316, %swap3A_317], %swap3A_320 {strides = array<i32>} : memref<200x64xf32, #tpu.memory_space<vmem>>, vector<1x16xf32>,
        %get3A_321 = arith.index_cast %scan3A_288 : i32 to index
        %get3A_322 = arith.constant 32 : index
        %get3A_323 = tpu.vector_load %arg11[%get3A_321, %get3A_322] {strides = array<i32>} : memref<200x64xf32, #tpu.memory_space<vmem>>, vector<1x16xf32>,
        %get3A_324 = vector.shape_cast %get3A_323 : vector<1x16xf32> to vector<16xf32>
        %mul3A_325 = arith.constant 8.000000e+00 : f32
        %mul3A_326 = vector.broadcast %mul3A_325 : f32 to vector<16xf32>
        %mul3A_327 = arith.mulf %get3A_324, %mul3A_326 : vector<16xf32>
        %get3A_328 = arith.index_cast %scan3A_288 : i32 to index
        %get3A_329 = arith.constant 32 : index
        %get3A_330 = tpu.vector_load %arg7[%get3A_328, %get3A_329] {strides = array<i32>} : memref<200x64xf32, #tpu.memory_space<vmem>>, vector<1x16xf32>,
        %get3A_331 = vector.shape_cast %get3A_330 : vector<1x16xf32> to vector<16xf32>
        %add3A_332 = arith.addf %mul3A_327, %get3A_331 : vector<16xf32>
        %swap3A_333 = arith.index_cast %scan3A_288 : i32 to index
        %swap3A_334 = arith.constant 32 : index
        %swap3A_335 = tpu.vector_load %arg15[%swap3A_333, %swap3A_334] {strides = array<i32>} : memref<200x64xf32, #tpu.memory_space<vmem>>, vector<1x16xf32>,
        %swap3A_336 = vector.shape_cast %swap3A_335 : vector<1x16xf32> to vector<16xf32>
        %swap3A_337 = vector.shape_cast %add3A_332 : vector<16xf32> to vector<1x16xf32>
        tpu.vector_store %arg15[%swap3A_333, %swap3A_334], %swap3A_337 {strides = array<i32>} : memref<200x64xf32, #tpu.memory_space<vmem>>, vector<1x16xf32>,
        %get3A_338 = arith.index_cast %scan3A_288 : i32 to index
        %get3A_339 = arith.constant 48 : index
        %get3A_340 = tpu.vector_load %arg11[%get3A_338, %get3A_339] {strides = array<i32>} : memref<200x64xf32, #tpu.memory_space<vmem>>, vector<1x16xf32>,
        %get3A_341 = vector.shape_cast %get3A_340 : vector<1x16xf32> to vector<16xf32>
        %mul3A_342 = arith.constant 8.000000e+00 : f32
        %mul3A_343 = vector.broadcast %mul3A_342 : f32 to vector<16xf32>
        %mul3A_344 = arith.mulf %get3A_341, %mul3A_343 : vector<16xf32>
        %get3A_345 = arith.index_cast %scan3A_288 : i32 to index
        %get3A_346 = arith.constant 48 : index
        %get3A_347 = tpu.vector_load %arg7[%get3A_345, %get3A_346] {strides = array<i32>} : memref<200x64xf32, #tpu.memory_space<vmem>>, vector<1x16xf32>,
        %get3A_348 = vector.shape_cast %get3A_347 : vector<1x16xf32> to vector<16xf32>
        %add3A_349 = arith.addf %mul3A_344, %get3A_348 : vector<16xf32>
        %swap3A_350 = arith.index_cast %scan3A_288 : i32 to index
        %swap3A_351 = arith.constant 48 : index
        %swap3A_352 = tpu.vector_load %arg15[%swap3A_350, %swap3A_351] {strides = array<i32>} : memref<200x64xf32, #tpu.memory_space<vmem>>, vector<1x16xf32>,
        %swap3A_353 = vector.shape_cast %swap3A_352 : vector<1x16xf32> to vector<16xf32>
        %swap3A_354 = vector.shape_cast %add3A_349 : vector<16xf32> to vector<1x16xf32>
        tpu.vector_store %arg15[%swap3A_350, %swap3A_351], %swap3A_354 {strides = array<i32>} : memref<200x64xf32, #tpu.memory_space<vmem>>, vector<1x16xf32>,
        %scan3A_355 = arith.constant 1 : i32
        %scan3A_356 = arith.addi %scan3A_288, %scan3A_355 : i32
        %get3A_357 = arith.index_cast %scan3A_356 : i32 to index
        %get3A_358 = arith.constant 0 : index
        %get3A_359 = tpu.vector_load %arg11[%get3A_357, %get3A_358] {strides = array<i32>} : memref<200x64xf32, #tpu.memory_space<vmem>>, vector<1x16xf32>,
        %get3A_360 = vector.shape_cast %get3A_359 : vector<1x16xf32> to vector<16xf32>
        %mul3A_361 = arith.constant 8.000000e+00 : f32
        %mul3A_362 = vector.broadcast %mul3A_361 : f32 to vector<16xf32>
        %mul3A_363 = arith.mulf %get3A_360, %mul3A_362 : vector<16xf32>
        %get3A_364 = arith.index_cast %scan3A_356 : i32 to index
        %get3A_365 = arith.constant 0 : index
        %get3A_366 = tpu.vector_load %arg7[%get3A_364, %get3A_365] {strides = array<i32>} : memref<200x64xf32, #tpu.memory_space<vmem>>, vector<1x16xf32>,
        %get3A_367 = vector.shape_cast %get3A_366 : vector<1x16xf32> to vector<16xf32>
        %add3A_368 = arith.addf %mul3A_363, %get3A_367 : vector<16xf32>
        %swap3A_369 = arith.index_cast %scan3A_356 : i32 to index
        %swap3A_370 = arith.constant 0 : index
        %swap3A_371 = tpu.vector_load %arg15[%swap3A_369, %swap3A_370] {strides = array<i32>} : memref<200x64xf32, #tpu.memory_space<vmem>>, vector<1x16xf32>,
        %swap3A_372 = vector.shape_cast %swap3A_371 : vector<1x16xf32> to vector<16xf32>
        %swap3A_373 = vector.shape_cast %add3A_368 : vector<16xf32> to vector<1x16xf32>
        tpu.vector_store %arg15[%swap3A_369, %swap3A_370], %swap3A_373 {strides = array<i32>} : memref<200x64xf32, #tpu.memory_space<vmem>>, vector<1x16xf32>,
        %get3A_374 = arith.index_cast %scan3A_356 : i32 to index
        %get3A_375 = arith.constant 16 : index
        %get3A_376 = tpu.vector_load %arg11[%get3A_374, %get3A_375] {strides = array<i32>} : memref<200x64xf32, #tpu.memory_space<vmem>>, vector<1x16xf32>,
        %get3A_377 = vector.shape_cast %get3A_376 : vector<1x16xf32> to vector<16xf32>
        %mul3A_378 = arith.constant 8.000000e+00 : f32
        %mul3A_379 = vector.broadcast %mul3A_378 : f32 to vector<16xf32>
        %mul3A_380 = arith.mulf %get3A_377, %mul3A_379 : vector<16xf32>
        %get3A_381 = arith.index_cast %scan3A_356 : i32 to index
        %get3A_382 = arith.constant 16 : index
        %get3A_383 = tpu.vector_load %arg7[%get3A_381, %get3A_382] {strides = array<i32>} : memref<200x64xf32, #tpu.memory_space<vmem>>, vector<1x16xf32>,
        %get3A_384 = vector.shape_cast %get3A_383 : vector<1x16xf32> to vector<16xf32>
        %add3A_385 = arith.addf %mul3A_380, %get3A_384 : vector<16xf32>
        %swap3A_386 = arith.index_cast %scan3A_356 : i32 to index
        %swap3A_387 = arith.constant 16 : index
        %swap3A_388 = tpu.vector_load %arg15[%swap3A_386, %swap3A_387] {strides = array<i32>} : memref<200x64xf32, #tpu.memory_space<vmem>>, vector<1x16xf32>,
        %swap3A_389 = vector.shape_cast %swap3A_388 : vector<1x16xf32> to vector<16xf32>
        %swap3A_390 = vector.shape_cast %add3A_385 : vector<16xf32> to vector<1x16xf32>
        tpu.vector_store %arg15[%swap3A_386, %swap3A_387], %swap3A_390 {strides = array<i32>} : memref<200x64xf32, #tpu.memory_space<vmem>>, vector<1x16xf32>,
        %get3A_391 = arith.index_cast %scan3A_356 : i32 to index
        %get3A_392 = arith.constant 32 : index
        %get3A_393 = tpu.vector_load %arg11[%get3A_391, %get3A_392] {strides = array<i32>} : memref<200x64xf32, #tpu.memory_space<vmem>>, vector<1x16xf32>,
        %get3A_394 = vector.shape_cast %get3A_393 : vector<1x16xf32> to vector<16xf32>
        %mul3A_395 = arith.constant 8.000000e+00 : f32
        %mul3A_396 = vector.broadcast %mul3A_395 : f32 to vector<16xf32>
        %mul3A_397 = arith.mulf %get3A_394, %mul3A_396 : vector<16xf32>
        %get3A_398 = arith.index_cast %scan3A_356 : i32 to index
        %get3A_399 = arith.constant 32 : index
        %get3A_400 = tpu.vector_load %arg7[%get3A_398, %get3A_399] {strides = array<i32>} : memref<200x64xf32, #tpu.memory_space<vmem>>, vector<1x16xf32>,
        %get3A_401 = vector.shape_cast %get3A_400 : vector<1x16xf32> to vector<16xf32>
        %add3A_402 = arith.addf %mul3A_397, %get3A_401 : vector<16xf32>
        %swap3A_403 = arith.index_cast %scan3A_356 : i32 to index
        %swap3A_404 = arith.constant 32 : index
        %swap3A_405 = tpu.vector_load %arg15[%swap3A_403, %swap3A_404] {strides = array<i32>} : memref<200x64xf32, #tpu.memory_space<vmem>>, vector<1x16xf32>,
        %swap3A_406 = vector.shape_cast %swap3A_405 : vector<1x16xf32> to vector<16xf32>
        %swap3A_407 = vector.shape_cast %add3A_402 : vector<16xf32> to vector<1x16xf32>
        tpu.vector_store %arg15[%swap3A_403, %swap3A_404], %swap3A_407 {strides = array<i32>} : memref<200x64xf32, #tpu.memory_space<vmem>>, vector<1x16xf32>,
        %get3A_408 = arith.index_cast %scan3A_356 : i32 to index
        %get3A_409 = arith.constant 48 : index
        %get3A_410 = tpu.vector_load %arg11[%get3A_408, %get3A_409] {strides = array<i32>} : memref<200x64xf32, #tpu.memory_space<vmem>>, vector<1x16xf32>,
        %get3A_411 = vector.shape_cast %get3A_410 : vector<1x16xf32> to vector<16xf32>
        %mul3A_412 = arith.constant 8.000000e+00 : f32
        %mul3A_413 = vector.broadcast %mul3A_412 : f32 to vector<16xf32>
        %mul3A_414 = arith.mulf %get3A_411, %mul3A_413 : vector<16xf32>
        %get3A_415 = arith.index_cast %scan3A_356 : i32 to index
        %get3A_416 = arith.constant 48 : index
        %get3A_417 = tpu.vector_load %arg7[%get3A_415, %get3A_416] {strides = array<i32>} : memref<200x64xf32, #tpu.memory_space<vmem>>, vector<1x16xf32>,
        %get3A_418 = vector.shape_cast %get3A_417 : vector<1x16xf32> to vector<16xf32>
        %add3A_419 = arith.addf %mul3A_414, %get3A_418 : vector<16xf32>
        %swap3A_420 = arith.index_cast %scan3A_356 : i32 to index
        %swap3A_421 = arith.constant 48 : index
        %swap3A_422 = tpu.vector_load %arg15[%swap3A_420, %swap3A_421] {strides = array<i32>} : memref<200x64xf32, #tpu.memory_space<vmem>>, vector<1x16xf32>,
        %swap3A_423 = vector.shape_cast %swap3A_422 : vector<1x16xf32> to vector<16xf32>
        %swap3A_424 = vector.shape_cast %add3A_419 : vector<16xf32> to vector<1x16xf32>
        tpu.vector_store %arg15[%swap3A_420, %swap3A_421], %swap3A_424 {strides = array<i32>} : memref<200x64xf32, #tpu.memory_space<vmem>>, vector<1x16xf32>,
        %scan3A_425 = arith.constant 2 : i32
        %scan3A_426 = arith.addi %scan3A_288, %scan3A_425 : i32
        %get3A_427 = arith.index_cast %scan3A_426 : i32 to index
        %get3A_428 = arith.constant 0 : index
        %get3A_429 = tpu.vector_load %arg11[%get3A_427, %get3A_428] {strides = array<i32>} : memref<200x64xf32, #tpu.memory_space<vmem>>, vector<1x16xf32>,
        %get3A_430 = vector.shape_cast %get3A_429 : vector<1x16xf32> to vector<16xf32>
        %mul3A_431 = arith.constant 8.000000e+00 : f32
        %mul3A_432 = vector.broadcast %mul3A_431 : f32 to vector<16xf32>
        %mul3A_433 = arith.mulf %get3A_430, %mul3A_432 : vector<16xf32>
        %get3A_434 = arith.index_cast %scan3A_426 : i32 to index
        %get3A_435 = arith.constant 0 : index
        %get3A_436 = tpu.vector_load %arg7[%get3A_434, %get3A_435] {strides = array<i32>} : memref<200x64xf32, #tpu.memory_space<vmem>>, vector<1x16xf32>,
        %get3A_437 = vector.shape_cast %get3A_436 : vector<1x16xf32> to vector<16xf32>
        %add3A_438 = arith.addf %mul3A_433, %get3A_437 : vector<16xf32>
        %swap3A_439 = arith.index_cast %scan3A_426 : i32 to index
        %swap3A_440 = arith.constant 0 : index
        %swap3A_441 = tpu.vector_load %arg15[%swap3A_439, %swap3A_440] {strides = array<i32>} : memref<200x64xf32, #tpu.memory_space<vmem>>, vector<1x16xf32>,
        %swap3A_442 = vector.shape_cast %swap3A_441 : vector<1x16xf32> to vector<16xf32>
        %swap3A_443 = vector.shape_cast %add3A_438 : vector<16xf32> to vector<1x16xf32>
        tpu.vector_store %arg15[%swap3A_439, %swap3A_440], %swap3A_443 {strides = array<i32>} : memref<200x64xf32, #tpu.memory_space<vmem>>, vector<1x16xf32>,
        %get3A_444 = arith.index_cast %scan3A_426 : i32 to index
        %get3A_445 = arith.constant 16 : index
        %get3A_446 = tpu.vector_load %arg11[%get3A_444, %get3A_445] {strides = array<i32>} : memref<200x64xf32, #tpu.memory_space<vmem>>, vector<1x16xf32>,
        %get3A_447 = vector.shape_cast %get3A_446 : vector<1x16xf32> to vector<16xf32>
        %mul3A_448 = arith.constant 8.000000e+00 : f32
        %mul3A_449 = vector.broadcast %mul3A_448 : f32 to vector<16xf32>
        %mul3A_450 = arith.mulf %get3A_447, %mul3A_449 : vector<16xf32>
        %get3A_451 = arith.index_cast %scan3A_426 : i32 to index
        %get3A_452 = arith.constant 16 : index
        %get3A_453 = tpu.vector_load %arg7[%get3A_451, %get3A_452] {strides = array<i32>} : memref<200x64xf32, #tpu.memory_space<vmem>>, vector<1x16xf32>,
        %get3A_454 = vector.shape_cast %get3A_453 : vector<1x16xf32> to vector<16xf32>
        %add3A_455 = arith.addf %mul3A_450, %get3A_454 : vector<16xf32>
        %swap3A_456 = arith.index_cast %scan3A_426 : i32 to index
        %swap3A_457 = arith.constant 16 : index
        %swap3A_458 = tpu.vector_load %arg15[%swap3A_456, %swap3A_457] {strides = array<i32>} : memref<200x64xf32, #tpu.memory_space<vmem>>, vector<1x16xf32>,
        %swap3A_459 = vector.shape_cast %swap3A_458 : vector<1x16xf32> to vector<16xf32>
        %swap3A_460 = vector.shape_cast %add3A_455 : vector<16xf32> to vector<1x16xf32>
        tpu.vector_store %arg15[%swap3A_456, %swap3A_457], %swap3A_460 {strides = array<i32>} : memref<200x64xf32, #tpu.memory_space<vmem>>, vector<1x16xf32>,
        %get3A_461 = arith.index_cast %scan3A_426 : i32 to index
        %get3A_462 = arith.constant 32 : index
        %get3A_463 = tpu.vector_load %arg11[%get3A_461, %get3A_462] {strides = array<i32>} : memref<200x64xf32, #tpu.memory_space<vmem>>, vector<1x16xf32>,
        %get3A_464 = vector.shape_cast %get3A_463 : vector<1x16xf32> to vector<16xf32>
        %mul3A_465 = arith.constant 8.000000e+00 : f32
        %mul3A_466 = vector.broadcast %mul3A_465 : f32 to vector<16xf32>
        %mul3A_467 = arith.mulf %get3A_464, %mul3A_466 : vector<16xf32>
        %get3A_468 = arith.index_cast %scan3A_426 : i32 to index
        %get3A_469 = arith.constant 32 : index
        %get3A_470 = tpu.vector_load %arg7[%get3A_468, %get3A_469] {strides = array<i32>} : memref<200x64xf32, #tpu.memory_space<vmem>>, vector<1x16xf32>,
        %get3A_471 = vector.shape_cast %get3A_470 : vector<1x16xf32> to vector<16xf32>
        %add3A_472 = arith.addf %mul3A_467, %get3A_471 : vector<16xf32>
        %swap3A_473 = arith.index_cast %scan3A_426 : i32 to index
        %swap3A_474 = arith.constant 32 : index
        %swap3A_475 = tpu.vector_load %arg15[%swap3A_473, %swap3A_474] {strides = array<i32>} : memref<200x64xf32, #tpu.memory_space<vmem>>, vector<1x16xf32>,
        %swap3A_476 = vector.shape_cast %swap3A_475 : vector<1x16xf32> to vector<16xf32>
        %swap3A_477 = vector.shape_cast %add3A_472 : vector<16xf32> to vector<1x16xf32>
        tpu.vector_store %arg15[%swap3A_473, %swap3A_474], %swap3A_477 {strides = array<i32>} : memref<200x64xf32, #tpu.memory_space<vmem>>, vector<1x16xf32>,
        %get3A_478 = arith.index_cast %scan3A_426 : i32 to index
        %get3A_479 = arith.constant 48 : index
        %get3A_480 = tpu.vector_load %arg11[%get3A_478, %get3A_479] {strides = array<i32>} : memref<200x64xf32, #tpu.memory_space<vmem>>, vector<1x16xf32>,
        %get3A_481 = vector.shape_cast %get3A_480 : vector<1x16xf32> to vector<16xf32>
        %mul3A_482 = arith.constant 8.000000e+00 : f32
        %mul3A_483 = vector.broadcast %mul3A_482 : f32 to vector<16xf32>
        %mul3A_484 = arith.mulf %get3A_481, %mul3A_483 : vector<16xf32>
        %get3A_485 = arith.index_cast %scan3A_426 : i32 to index
        %get3A_486 = arith.constant 48 : index
        %get3A_487 = tpu.vector_load %arg7[%get3A_485, %get3A_486] {strides = array<i32>} : memref<200x64xf32, #tpu.memory_space<vmem>>, vector<1x16xf32>,
        %get3A_488 = vector.shape_cast %get3A_487 : vector<1x16xf32> to vector<16xf32>
        %add3A_489 = arith.addf %mul3A_484, %get3A_488 : vector<16xf32>
        %swap3A_490 = arith.index_cast %scan3A_426 : i32 to index
        %swap3A_491 = arith.constant 48 : index
        %swap3A_492 = tpu.vector_load %arg15[%swap3A_490, %swap3A_491] {strides = array<i32>} : memref<200x64xf32, #tpu.memory_space<vmem>>, vector<1x16xf32>,
        %swap3A_493 = vector.shape_cast %swap3A_492 : vector<1x16xf32> to vector<16xf32>
        %swap3A_494 = vector.shape_cast %add3A_489 : vector<16xf32> to vector<1x16xf32>
        tpu.vector_store %arg15[%swap3A_490, %swap3A_491], %swap3A_494 {strides = array<i32>} : memref<200x64xf32, #tpu.memory_space<vmem>>, vector<1x16xf32>,
        %scan3A_495 = arith.constant 3 : i32
        %scan3A_496 = arith.addi %scan3A_288, %scan3A_495 : i32
        %get3A_497 = arith.index_cast %scan3A_496 : i32 to index
        %get3A_498 = arith.constant 0 : index
        %get3A_499 = tpu.vector_load %arg11[%get3A_497, %get3A_498] {strides = array<i32>} : memref<200x64xf32, #tpu.memory_space<vmem>>, vector<1x16xf32>,
        %get3A_500 = vector.shape_cast %get3A_499 : vector<1x16xf32> to vector<16xf32>
        %mul3A_501 = arith.constant 8.000000e+00 : f32
        %mul3A_502 = vector.broadcast %mul3A_501 : f32 to vector<16xf32>
        %mul3A_503 = arith.mulf %get3A_500, %mul3A_502 : vector<16xf32>
        %get3A_504 = arith.index_cast %scan3A_496 : i32 to index
        %get3A_505 = arith.constant 0 : index
        %get3A_506 = tpu.vector_load %arg7[%get3A_504, %get3A_505] {strides = array<i32>} : memref<200x64xf32, #tpu.memory_space<vmem>>, vector<1x16xf32>,
        %get3A_507 = vector.shape_cast %get3A_506 : vector<1x16xf32> to vector<16xf32>
        %add3A_508 = arith.addf %mul3A_503, %get3A_507 : vector<16xf32>
        %swap3A_509 = arith.index_cast %scan3A_496 : i32 to index
        %swap3A_510 = arith.constant 0 : index
        %swap3A_511 = tpu.vector_load %arg15[%swap3A_509, %swap3A_510] {strides = array<i32>} : memref<200x64xf32, #tpu.memory_space<vmem>>, vector<1x16xf32>,
        %swap3A_512 = vector.shape_cast %swap3A_511 : vector<1x16xf32> to vector<16xf32>
        %swap3A_513 = vector.shape_cast %add3A_508 : vector<16xf32> to vector<1x16xf32>
        tpu.vector_store %arg15[%swap3A_509, %swap3A_510], %swap3A_513 {strides = array<i32>} : memref<200x64xf32, #tpu.memory_space<vmem>>, vector<1x16xf32>,
        %get3A_514 = arith.index_cast %scan3A_496 : i32 to index
        %get3A_515 = arith.constant 16 : index
        %get3A_516 = tpu.vector_load %arg11[%get3A_514, %get3A_515] {strides = array<i32>} : memref<200x64xf32, #tpu.memory_space<vmem>>, vector<1x16xf32>,
        %get3A_517 = vector.shape_cast %get3A_516 : vector<1x16xf32> to vector<16xf32>
        %mul3A_518 = arith.constant 8.000000e+00 : f32
        %mul3A_519 = vector.broadcast %mul3A_518 : f32 to vector<16xf32>
        %mul3A_520 = arith.mulf %get3A_517, %mul3A_519 : vector<16xf32>
        %get3A_521 = arith.index_cast %scan3A_496 : i32 to index
        %get3A_522 = arith.constant 16 : index
        %get3A_523 = tpu.vector_load %arg7[%get3A_521, %get3A_522] {strides = array<i32>} : memref<200x64xf32, #tpu.memory_space<vmem>>, vector<1x16xf32>,
        %get3A_524 = vector.shape_cast %get3A_523 : vector<1x16xf32> to vector<16xf32>
        %add3A_525 = arith.addf %mul3A_520, %get3A_524 : vector<16xf32>
        %swap3A_526 = arith.index_cast %scan3A_496 : i32 to index
        %swap3A_527 = arith.constant 16 : index
        %swap3A_528 = tpu.vector_load %arg15[%swap3A_526, %swap3A_527] {strides = array<i32>} : memref<200x64xf32, #tpu.memory_space<vmem>>, vector<1x16xf32>,
        %swap3A_529 = vector.shape_cast %swap3A_528 : vector<1x16xf32> to vector<16xf32>
        %swap3A_530 = vector.shape_cast %add3A_525 : vector<16xf32> to vector<1x16xf32>
        tpu.vector_store %arg15[%swap3A_526, %swap3A_527], %swap3A_530 {strides = array<i32>} : memref<200x64xf32, #tpu.memory_space<vmem>>, vector<1x16xf32>,
        %get3A_531 = arith.index_cast %scan3A_496 : i32 to index
        %get3A_532 = arith.constant 32 : index
        %get3A_533 = tpu.vector_load %arg11[%get3A_531, %get3A_532] {strides = array<i32>} : memref<200x64xf32, #tpu.memory_space<vmem>>, vector<1x16xf32>,
        %get3A_534 = vector.shape_cast %get3A_533 : vector<1x16xf32> to vector<16xf32>
        %mul3A_535 = arith.constant 8.000000e+00 : f32
        %mul3A_536 = vector.broadcast %mul3A_535 : f32 to vector<16xf32>
        %mul3A_537 = arith.mulf %get3A_534, %mul3A_536 : vector<16xf32>
        %get3A_538 = arith.index_cast %scan3A_496 : i32 to index
        %get3A_539 = arith.constant 32 : index
        %get3A_540 = tpu.vector_load %arg7[%get3A_538, %get3A_539] {strides = array<i32>} : memref<200x64xf32, #tpu.memory_space<vmem>>, vector<1x16xf32>,
        %get3A_541 = vector.shape_cast %get3A_540 : vector<1x16xf32> to vector<16xf32>
        %add3A_542 = arith.addf %mul3A_537, %get3A_541 : vector<16xf32>
        %swap3A_543 = arith.index_cast %scan3A_496 : i32 to index
        %swap3A_544 = arith.constant 32 : index
        %swap3A_545 = tpu.vector_load %arg15[%swap3A_543, %swap3A_544] {strides = array<i32>} : memref<200x64xf32, #tpu.memory_space<vmem>>, vector<1x16xf32>,
        %swap3A_546 = vector.shape_cast %swap3A_545 : vector<1x16xf32> to vector<16xf32>
        %swap3A_547 = vector.shape_cast %add3A_542 : vector<16xf32> to vector<1x16xf32>
        tpu.vector_store %arg15[%swap3A_543, %swap3A_544], %swap3A_547 {strides = array<i32>} : memref<200x64xf32, #tpu.memory_space<vmem>>, vector<1x16xf32>,
        %get3A_548 = arith.index_cast %scan3A_496 : i32 to index
        %get3A_549 = arith.constant 48 : index
        %get3A_550 = tpu.vector_load %arg11[%get3A_548, %get3A_549] {strides = array<i32>} : memref<200x64xf32, #tpu.memory_space<vmem>>, vector<1x16xf32>,
        %get3A_551 = vector.shape_cast %get3A_550 : vector<1x16xf32> to vector<16xf32>
        %mul3A_552 = arith.constant 8.000000e+00 : f32
        %mul3A_553 = vector.broadcast %mul3A_552 : f32 to vector<16xf32>
        %mul3A_554 = arith.mulf %get3A_551, %mul3A_553 : vector<16xf32>
        %get3A_555 = arith.index_cast %scan3A_496 : i32 to index
        %get3A_556 = arith.constant 48 : index
        %get3A_557 = tpu.vector_load %arg7[%get3A_555, %get3A_556] {strides = array<i32>} : memref<200x64xf32, #tpu.memory_space<vmem>>, vector<1x16xf32>,
        %get3A_558 = vector.shape_cast %get3A_557 : vector<1x16xf32> to vector<16xf32>
        %add3A_559 = arith.addf %mul3A_554, %get3A_558 : vector<16xf32>
        %swap3A_560 = arith.index_cast %scan3A_496 : i32 to index
        %swap3A_561 = arith.constant 48 : index
        %swap3A_562 = tpu.vector_load %arg15[%swap3A_560, %swap3A_561] {strides = array<i32>} : memref<200x64xf32, #tpu.memory_space<vmem>>, vector<1x16xf32>,
        %swap3A_563 = vector.shape_cast %swap3A_562 : vector<1x16xf32> to vector<16xf32>
        %swap3A_564 = vector.shape_cast %add3A_559 : vector<16xf32> to vector<1x16xf32>
        tpu.vector_store %arg15[%swap3A_560, %swap3A_561], %swap3A_564 {strides = array<i32>} : memref<200x64xf32, #tpu.memory_space<vmem>>, vector<1x16xf32>,
      }
      %scan3A_271 = arith.constant 200 : i32
      %add3A_272 = arith.addi %mul3A_2, %add3A_243 : i32
      %dma_start3A_273 = arith.constant 0 : i32
      %dma_start3A_274 = arith.constant 0 : i32
      %dma_start3A_275 = tpu.memref_slice %arg5[%add3A_272, %dma_start3A_273, %dma_start3A_274] : memref<1024x200x64xf32, #tpu.memory_space<hbm>> -> memref<1x200x64xf32, #tpu.memory_space<hbm>>
      %dma_start3A_276 = tpu.memref_squeeze %dma_start3A_275 : memref<1x200x64xf32, #tpu.memory_space<hbm>> -> memref<200x64xf32, #tpu.memory_space<hbm>>
      %dma_start3A_277 = arith.constant 0 : i32
      %dma_start3A_278 = arith.constant 0 : i32
      %dma_start3A_279 = tpu.memref_slice %arg5[%add3A_272, %dma_start3A_277, %dma_start3A_278] : memref<1024x200x64xf32, #tpu.memory_space<hbm>> -> memref<1x200x64xf32, #tpu.memory_space<hbm>>
      %dma_start3A_280 = tpu.memref_squeeze %dma_start3A_279 : memref<1x200x64xf32, #tpu.memory_space<hbm>> -> memref<200x64xf32, #tpu.memory_space<hbm>>
      tpu.enqueue_dma source(%arg15 : memref<200x64xf32, #tpu.memory_space<vmem>>) target(%dma_start3A_280 : memref<200x64xf32, #tpu.memory_space<hbm>>) target_semaphore(%arg23 : memref<!tpu.dma_semaphore, #tpu.memory_space<semaphore_mem>>)
      %add3A_281 = arith.constant 4 : i32
      %add3A_282 = arith.addi %add3A_243, %add3A_281 : i32
      %lt3A_283 = arith.constant 32 : i32
      %lt3A_284 = arith.cmpi slt, %add3A_282, %lt3A_283 : i32
      %convert_element_type3A_285 = arith.extui %lt3A_284 : i1 to i32
      %cond3A_286 = arith.constant 0 : i32
      %cond3A_287 = arith.cmpi ne, %convert_element_type3A_285, %cond3A_286 : i32
      scf.if %cond3A_287 {
        %add3A_288 = arith.constant 4 : i32
        %add3A_289 = arith.addi %add3A_243, %add3A_288 : i32
        %mul3A_290 = arith.constant 200 : i32
        %mul3A_291 = arith.muli %add3A_289, %mul3A_290 : i32
        %dma_start3A_292 = arith.constant 0 : i32
        %dma_start3A_293 = arith.constant 0 : i32
        %dma_start3A_294 = tpu.memref_slice %arg11[%dma_start3A_292, %dma_start3A_293] : memref<200x64xf32, #tpu.memory_space<vmem>> -> memref<96x64xf32, #tpu.memory_space<vmem>>
        %dma_start3A_295 = tpu.memref_slice %arg6[%mul3A_291] : memref<6400xi32, #tpu.memory_space<vmem>> -> memref<96xi32, #tpu.memory_space<vmem>>
        %dma_start3A_296 = arith.constant 0 : i32
        %dma_start3A_297 = arith.constant 0 : i32
        %dma_start3A_298 = tpu.memref_slice %arg4[%dma_start3A_296, %dma_start3A_297] : memref<1000000x64xf32, #tpu.memory_space<hbm>> -> memref<1000000x64xf32, #tpu.memory_space<hbm>>
        tpu.enqueue_indirect_dma source(%dma_start3A_298 : memref<1000000x64xf32, #tpu.memory_space<hbm>>) target(%dma_start3A_294 : memref<96x64xf32, #tpu.memory_space<vmem>>) offsets(%dma_start3A_295 : memref<96xi32, #tpu.memory_space<vmem>>) semaphore(%arg19 : memref<!tpu.dma_semaphore, #tpu.memory_space<semaphore_mem>>)
        %add3A_299 = arith.constant 96 : i32
        %add3A_300 = arith.addi %mul3A_291, %add3A_299 : i32
        %dma_start3A_301 = arith.constant 96 : i32
        %dma_start3A_302 = arith.constant 0 : i32
        %dma_start3A_303 = tpu.memref_slice %arg11[%dma_start3A_301, %dma_start3A_302] : memref<200x64xf32, #tpu.memory_space<vmem>> -> memref<104x64xf32, #tpu.memory_space<vmem>>
        %dma_start3A_304 = tpu.memref_slice %arg6[%add3A_300] : memref<6400xi32, #tpu.memory_space<vmem>> -> memref<104xi32, #tpu.memory_space<vmem>>
        %dma_start3A_305 = arith.constant 0 : i32
        %dma_start3A_306 = arith.constant 0 : i32
        %dma_start3A_307 = tpu.memref_slice %arg4[%dma_start3A_305, %dma_start3A_306] : memref<1000000x64xf32, #tpu.memory_space<hbm>> -> memref<1000000x64xf32, #tpu.memory_space<hbm>>
        tpu.enqueue_indirect_dma source(%dma_start3A_307 : memref<1000000x64xf32, #tpu.memory_space<hbm>>) target(%dma_start3A_303 : memref<104x64xf32, #tpu.memory_space<vmem>>) offsets(%dma_start3A_304 : memref<104xi32, #tpu.memory_space<vmem>>) semaphore(%arg19 : memref<!tpu.dma_semaphore, #tpu.memory_space<semaphore_mem>>)
      } else {
      }
    }
    %scan3A_69 = arith.constant 8 : i32
    %dma_wait3A = arith.constant 0 : i32
    %dma_wait3A_70 = arith.constant 0 : i32
    %dma_wait3A_71 = arith.constant 0 : i32
    %dma_wait3A_72 = tpu.memref_slice %arg5[%dma_wait3A, %dma_wait3A_70, %dma_wait3A_71] : memref<1024x200x64xf32, #tpu.memory_space<hbm>> -> memref<1x200x64xf32, #tpu.memory_space<hbm>>
    %dma_wait3A_73 = tpu.memref_squeeze %dma_wait3A_72 : memref<1x200x64xf32, #tpu.memory_space<hbm>> -> memref<200x64xf32, #tpu.memory_space<hbm>>
    %dma_wait3A_74 = arith.constant 0 : i32
    %dma_wait3A_75 = arith.constant 0 : i32
    %dma_wait3A_76 = tpu.memref_slice %arg5[%dma_wait3A, %dma_wait3A_74, %dma_wait3A_75] : memref<1024x200x64xf32, #tpu.memory_space<hbm>> -> memref<1x200x64xf32, #tpu.memory_space<hbm>>
    %dma_wait3A_77 = tpu.memref_squeeze %dma_wait3A_76 : memref<1x200x64xf32, #tpu.memory_space<hbm>> -> memref<200x64xf32, #tpu.memory_space<hbm>>
    tpu.wait_dma2 semaphore(%arg20 : memref<!tpu.dma_semaphore, #tpu.memory_space<semaphore_mem>>) src(%dma_wait3A_77 : memref<200x64xf32, #tpu.memory_space<hbm>>) dst(%arg12 : memref<200x64xf32, #tpu.memory_space<vmem>>)
    %dma_wait3A_78 = arith.constant 0 : i32
    %dma_wait3A_79 = arith.constant 0 : i32
    %dma_wait3A_80 = arith.constant 0 : i32
    %dma_wait3A_81 = tpu.memref_slice %arg5[%dma_wait3A_78, %dma_wait3A_79, %dma_wait3A_80] : memref<1024x200x64xf32, #tpu.memory_space<hbm>> -> memref<1x200x64xf32, #tpu.memory_space<hbm>>
    %dma_wait3A_82 = tpu.memref_squeeze %dma_wait3A_81 : memref<1x200x64xf32, #tpu.memory_space<hbm>> -> memref<200x64xf32, #tpu.memory_space<hbm>>
    %dma_wait3A_83 = arith.constant 0 : i32
    %dma_wait3A_84 = arith.constant 0 : i32
    %dma_wait3A_85 = tpu.memref_slice %arg5[%dma_wait3A_78, %dma_wait3A_83, %dma_wait3A_84] : memref<1024x200x64xf32, #tpu.memory_space<hbm>> -> memref<1x200x64xf32, #tpu.memory_space<hbm>>
    %dma_wait3A_86 = tpu.memref_squeeze %dma_wait3A_85 : memref<1x200x64xf32, #tpu.memory_space<hbm>> -> memref<200x64xf32, #tpu.memory_space<hbm>>
    tpu.wait_dma2 semaphore(%arg21 : memref<!tpu.dma_semaphore, #tpu.memory_space<semaphore_mem>>) src(%dma_wait3A_86 : memref<200x64xf32, #tpu.memory_space<hbm>>) dst(%arg13 : memref<200x64xf32, #tpu.memory_space<vmem>>)
    %dma_wait3A_87 = arith.constant 0 : i32
    %dma_wait3A_88 = arith.constant 0 : i32
    %dma_wait3A_89 = arith.constant 0 : i32
    %dma_wait3A_90 = tpu.memref_slice %arg5[%dma_wait3A_87, %dma_wait3A_88, %dma_wait3A_89] : memref<1024x200x64xf32, #tpu.memory_space<hbm>> -> memref<1x200x64xf32, #tpu.memory_space<hbm>>
    %dma_wait3A_91 = tpu.memref_squeeze %dma_wait3A_90 : memref<1x200x64xf32, #tpu.memory_space<hbm>> -> memref<200x64xf32, #tpu.memory_space<hbm>>
    %dma_wait3A_92 = arith.constant 0 : i32
    %dma_wait3A_93 = arith.constant 0 : i32
    %dma_wait3A_94 = tpu.memref_slice %arg5[%dma_wait3A_87, %dma_wait3A_92, %dma_wait3A_93] : memref<1024x200x64xf32, #tpu.memory_space<hbm>> -> memref<1x200x64xf32, #tpu.memory_space<hbm>>
    %dma_wait3A_95 = tpu.memref_squeeze %dma_wait3A_94 : memref<1x200x64xf32, #tpu.memory_space<hbm>> -> memref<200x64xf32, #tpu.memory_space<hbm>>
    tpu.wait_dma2 semaphore(%arg22 : memref<!tpu.dma_semaphore, #tpu.memory_space<semaphore_mem>>) src(%dma_wait3A_95 : memref<200x64xf32, #tpu.memory_space<hbm>>) dst(%arg14 : memref<200x64xf32, #tpu.memory_space<vmem>>)
    %dma_wait3A_96 = arith.constant 0 : i32
    %dma_wait3A_97 = arith.constant 0 : i32
    %dma_wait3A_98 = arith.constant 0 : i32
    %dma_wait3A_99 = tpu.memref_slice %arg5[%dma_wait3A_96, %dma_wait3A_97, %dma_wait3A_98] : memref<1024x200x64xf32, #tpu.memory_space<hbm>> -> memref<1x200x64xf32, #tpu.memory_space<hbm>>
    %dma_wait3A_100 = tpu.memref_squeeze %dma_wait3A_99 : memref<1x200x64xf32, #tpu.memory_space<hbm>> -> memref<200x64xf32, #tpu.memory_space<hbm>>
    %dma_wait3A_101 = arith.constant 0 : i32
    %dma_wait3A_102 = arith.constant 0 : i32
    %dma_wait3A_103 = tpu.memref_slice %arg5[%dma_wait3A_96, %dma_wait3A_101, %dma_wait3A_102] : memref<1024x200x64xf32, #tpu.memory_space<hbm>> -> memref<1x200x64xf32, #tpu.memory_space<hbm>>
    %dma_wait3A_104 = tpu.memref_squeeze %dma_wait3A_103 : memref<1x200x64xf32, #tpu.memory_space<hbm>> -> memref<200x64xf32, #tpu.memory_space<hbm>>
    tpu.wait_dma2 semaphore(%arg23 : memref<!tpu.dma_semaphore, #tpu.memory_space<semaphore_mem>>) src(%dma_wait3A_104 : memref<200x64xf32, #tpu.memory_space<hbm>>) dst(%arg15 : memref<200x64xf32, #tpu.memory_space<vmem>>)
    return
  }
}

</mosaic_0001>

<sc_bundles>
// kernel: kernel.3.cloned.1.call-start
scs
__scs_entry_jumppad:
0x0: {  	(pc) =	sbr.rel $0x88, $3  }
0x1: {  	(tag) =	ssettag $0x0;
	lr =	simm.s32 $0x1  }
0x2: {  	[smem:$0x3F9E] =	sst lr;
	_ =	strace $0xD0000000  }
0x3: {  	_ = 	snop  }
0x4: {  	_ = 	snop  }
0x5: {  	_ = 	snop  }
0x6: {  	_ = 	snop  }
0x7: {  	_ = 	snop  }
__scs_overlays_trampoline_lowered:
0x8: {  	[smem:$0x3FAD] =	sst s0  }
0x9: {  	[smem:$0x3FAE] =	sst s1  }
0xa: {  	[smem:$0x3FAF] =	sst s2  }
0xb: {  	[smem:$0x3FB0] =	sst s3  }
0xc: {  	[smem:$0x3FB1] =	sst s4  }
0xd: {  	[smem:$0x3FB2] =	sst s5  }
0xe: {  	[smem:$0x3FB3] =	sst s6  }
0xf: {  	[smem:$0x3FB4] =	sst s7  }
0x10: {  	[smem:$0x3FB5] =	sst s8  }
0x11: {  	[smem:$0x3FB6] =	sst s9;
	s0 =	simm.s32 @!p0 $0x0  }
0x12: {  	s1 =	sld [smem:$0x3F9C];
	s0 =	simm.s32 @p0 $0x1  }
0x13: {  	[smem:$0x3FB7] =	sst s0;
	s0 =	simm.s32 @!p1 $0x0  }
0x14: {  	s2 =	sld [smem:$0x3F9B];
	s0 =	simm.s32 @p1 $0x1  }
0x15: {  	[smem:$0x3FB8] =	sst s0;
	s0 =	simm.s32 @!p2 $0x0  }
0x16: {  	s3 =	sld [smem:$0x3FDB];
	s0 =	simm.s32 @p2 $0x1  }
0x17: {  	s4 =	simm.s32 $0x1BF5;
	[smem:$0x3FBA] =	sst s0  }
0x18: {  	s0 =	sld [smem:$0x3F9D];
	_ =	swait.ge [sflag:s4], $0x0  }
0x19: {  	s7 =	sld [smem:$0x3F9E]  }
0x1a: {  	s8 =	sadd.s32 $0xFFFFE003, lr  }
0x1b: {  	s9 =	sadd.s32 $0xFFFFFEF7, lr;
	s5 =	simm.s32 $0xFFFFFFFF;
	p2 =	slt.u32 s8, $0xFFFFF086  }
0x1c: {  	p1 =	slt.u32 s9, $0xF7A;
	s5 =	simm.s32 @!p2 $0x0  }
0x1d: {  	s5 =	simm.s32 @p1 $0x1;
	p0 =	seq.s32 s7, s2  }
0x1e: {  	s7 =	smul.u32 @!p0 $0xF7A, s2;
	p2 =	seq.s32 @!p0 s5, $0x0  }
0x1f: {  	s9 =	smul.u32 $0xF7A, s1;
	s8 =	simm.s32 @!p0 $0x1BF5;
	p2 =	por !p2, p0  }
0x20: {  	[sflag:s8] =	ssyncset.s32 @!p0 $0xFFFFF086;
	s6 =	sadd.s32 @!p0 s3, s7;
	s7 =	simm.s32 @!p0 $0x108  }
0x21: {  	s3 =	sadd.s32 s3, s9;
	s6 =	sadd.s32 @!p0 $0x88, s6;
	s7 =	simm.s32 @p2 $0x1082  }
0x22: {  	[simem:s7], [sflag:s8] =	dma.local @!p0 [hbm:s6], $0xF7A  }
0x23: {  	s9 =	sor.u32 $0xD0000000, s2;
	s6 =	simm.s32 $0x108;
	_ =	swait.ge @!p0 [sflag:s8], $0x0  }
0x24: {  	s3 =	sadd.s32 $0x88, s3;
	s6 =	simm.s32 @!p1 $0x1082;
	[sflag:s4] =	ssyncset.s32 $0xFFFFF086  }
0x25: {  	[simem:s6], [sflag:s4] =	dma.local [hbm:s3], $0xF7A  }
0x26: {  	[smem:$0x3F9E] =	sst s1;
	(tag) =	ssettag s2;
	_ =	strace s9  }
0x27: {  	s1 =	sld [smem:$0x3FAE]  }
0x28: {  	s2 =	sld [smem:$0x3FAF]  }
0x29: {  	s4 =	sld [smem:$0x3FB1]  }
0x2a: {  	p0 =	seq.s32 s5, $0x0;
	s5 =	sld [smem:$0x3FB2]  }
0x2b: {  	s6 =	sld [smem:$0x3FB3]  }
0x2c: {  	s7 =	sld [smem:$0x3FB4]  }
0x2d: {  	s3 =	simm.s32 $0x108;
	s8 =	sld [smem:$0x3FB5]  }
0x2e: {  	s3 =	simm.s32 @!p0 $0x1082;
	s9 =	sld [smem:$0x3FB6]  }
0x2f: {  	lr =	sadd.s32 s0, s3;
	s0 =	sld [smem:$0x3FAD]  }
0x30: {  	s3 =	sld [smem:$0x3FB0]  }
0x31: {  	[smem:$0x3FB9] =	sst s10  }
0x32: {  	s10 =	sld [smem:$0x3FB7];
	_ =	sdelay $0x3  }
0x33: {  	p0 =	seq.s32 s10, $0x1;
	s10 =	sld [smem:$0x3FB9];
	_ =	sdelay $0x3  }
0x34: {  	[smem:$0x3FB9] =	sst s10  }
0x35: {  	s10 =	sld [smem:$0x3FB8];
	_ =	sdelay $0x3  }
0x36: {  	p1 =	seq.s32 s10, $0x1;
	s10 =	sld [smem:$0x3FB9];
	_ =	sdelay $0x3  }
0x37: {  	[smem:$0x3FB9] =	sst s10  }
0x38: {  	s10 =	sld [smem:$0x3FBA]  }
0x39: {  	_ = 	snop;
	(pc) =	sbr.ind lr, $3  }
0x3a: {  	_ = 	snop  }
0x3b: {  	_ = 	snop  }
0x3c: {  	p2 =	seq.s32 s10, $0x1;
	s10 =	sld [smem:$0x3FB9]  }
0x3d: {  	_ =	shalt  }
0x3e: {  	_ =	shalt  }
0x3f: {  	_ =	shalt  }
0x40: {  	_ =	shalt  }
0x41: {  	_ =	shalt  }
0x42: {  	_ =	shalt  }
0x43: {  	_ =	shalt  }
0x44: {  	_ =	shalt  }
0x45: {  	_ =	shalt  }
0x46: {  	_ =	shalt  }
0x47: {  	_ =	shalt  }
0x48: {  	_ =	shalt  }
0x49: {  	_ =	shalt  }
0x4a: {  	_ =	shalt  }
0x4b: {  	_ =	shalt  }
0x4c: {  	_ =	shalt  }
0x4d: {  	_ =	shalt  }
0x4e: {  	_ =	shalt  }
0x4f: {  	_ =	shalt  }
0x50: {  	_ =	shalt  }
0x51: {  	_ =	shalt  }
0x52: {  	_ =	shalt  }
0x53: {  	_ =	shalt  }
0x54: {  	_ =	shalt  }
0x55: {  	_ =	shalt  }
0x56: {  	_ =	shalt  }
0x57: {  	_ =	shalt  }
0x58: {  	_ =	shalt  }
0x59: {  	_ =	shalt  }
0x5a: {  	_ =	shalt  }
0x5b: {  	_ =	shalt  }
0x5c: {  	_ =	shalt  }
0x5d: {  	_ =	shalt  }
0x5e: {  	_ =	shalt  }
0x5f: {  	_ =	shalt  }
0x60: {  	_ =	shalt  }
0x61: {  	_ =	shalt  }
0x62: {  	_ =	shalt  }
0x63: {  	_ =	shalt  }
0x64: {  	_ =	shalt  }
0x65: {  	_ =	shalt  }
0x66: {  	_ =	shalt  }
0x67: {  	_ =	shalt  }
0x68: {  	_ =	shalt  }
0x69: {  	_ =	shalt  }
0x6a: {  	_ =	shalt  }
0x6b: {  	_ =	shalt  }
0x6c: {  	_ =	shalt  }
0x6d: {  	_ =	shalt  }
0x6e: {  	_ =	shalt  }
0x6f: {  	_ =	shalt  }
0x70: {  	_ =	shalt  }
0x71: {  	_ =	shalt  }
0x72: {  	_ =	shalt  }
0x73: {  	_ =	shalt  }
0x74: {  	_ =	shalt  }
0x75: {  	_ =	shalt  }
0x76: {  	_ =	shalt  }
0x77: {  	_ =	shalt  }
0x78: {  	_ =	shalt  }
0x79: {  	_ =	shalt  }
0x7a: {  	_ =	shalt  }
0x7b: {  	_ =	shalt  }
0x7c: {  	_ =	shalt  }
0x7d: {  	_ =	shalt  }
0x7e: {  	_ =	shalt  }
0x7f: {  	_ =	shalt  }
0x80: {  	_ =	shalt  }
0x81: {  	_ =	shalt  }
0x82: {  	_ =	shalt  }
0x83: {  	_ =	shalt  }
0x84: {  	_ =	shalt  }
0x85: {  	_ =	shalt  }
0x86: {  	_ =	shalt  }
0x87: {  	_ =	shalt  }
.Lfunc_end0:
.L_simem_size_0:
called_computation.1_lowered:
.L_overlay_start_0:
0x88: {  	s2 =	sld [smem:$0x3FD9]  }
0x89: {  	s3 =	sld [smem:$0x3FFE];
	_ =	sdelay $0x1  }
0x8a: {  	s1 =	srdreg.scid  }
0x8b: {  	s0 =	sand.u32 $0x1, s1  }
0x8c: {  	s17 =	sshll.u32 s0, $0xA;
	s2 =	sadd.s32 s3, s2  }
0x8d: {  	s2 =	sadd.s32 s2, s17  }
0x8e: {  	[smem:$0x3FC5] =	sst s2  }
0x8f: {  	_ = 	snop  }
0x90: {  	s2 =	sld [smem:$0x3FD0];
	(tm) =	ssettm $0x1  }
0x91: {  	s18 =	sld [smem:$0x3FFB];
	_ =	sdelay $0x3  }
0x92: {  	_ =	strace s18  }
0x93: {  	s3 =	sld [smem:$0x3FFC];
	_ =	sdelay $0x3  }
0x94: {  	_ =	strace s3  }
0x95: {  	s3 =	sld [smem:$0x3FFD];
	_ =	sdelay $0x3  }
0x96: {  	_ =	strace s3  }
0x97: {  	_ =	strace $0x8FFFFFFF  }
0x98: {  	s19 =	sld [smem:$0x3FDB];
	_ =	sdelay $0x1  }
0x99: {  	s4 =	simm.s32 $_scs_section_size  }
0x9a: {  	s5 =	simm.s32 $_size__tile_overlayer_lowered;
	s6 =	simm.s32 $_tile_overlayer_lowered  }
0x9b: {  	s22 =	simm.s32 $0x1BFF;
	s21 =	sshll.u32 s6, $0x1;
	s3 =	sadd.s32 s4, s19  }
0x9c: {  	s7 =	simm.s32 $0x0;
	s20 =	sshll.u32 s5, $0x1;
	s5 =	sadd.s32 s21, s3  }
0x9d: {  	[timem:s7], [sflag:s22] =	dma.local [hbm:s5], s20  }
0x9e: {  	_ =	swait.ge [sflag:s22], s20  }
0x9f: {  	s4 =	ssub.s32 $0x0, s20;
	[sflag:s22] =	ssyncset.done $0x0  }
0xa0: {  	[sflag:s22] =	ssyncadd.s32 s4;
	_ =	sdelay $0x1  }
0xa1: {  	s23 =	simm.s32 $0x1B8B  }
0xa2: {  	_ =	swait.ge [sflag:s23], $0x1  }
0xa3: {  	[sflag:s23] =	ssyncset.done $0x0  }
0xa4: {  	s25 =	simm.s32 $0x1B8E;
	s24 =	sld [smem:$0x3FFE];
	[sflag:s23] =	ssyncadd.s32 $0xFFFFFFFF  }
0xa5: {  	s26 =	simm.s32 $execute0_lowered;
	[smem:$0x3FD2] =	sst s25  }
0xa6: {  	s5 =	sshll.u32 s26, $0x1;
	_ =	strace $0x80000046;
	[dreg:$0x1] =	wrdreg $0xFFFFFFFF  }
0xa7: {  	s28 =	simm.s32 $_size_execute0_lowered;
	s3 =	sadd.s32 s3, s5;
	[dreg:$0x0] =	wrdreg $0x0  }
0xa8: {  	s5 =	sshll.u32 s28, $0x1;
	[dreg:$0x2] =	wrdreg s3  }
0xa9: {  	[dreg:$0x3] =	wrdreg s5  }
0xaa: {  	[dreg:$0x4] =	wrdreg $0xC0  }
0xab: {  	_ =	task [dreg:s7], $0x5FFFF  }
0xac: {  	[dreg:$0x1] =	wrdreg $0xFFFFFFFF  }
0xad: {  	[dreg:$0x0] =	wrdreg $0x60  }
0xae: {  	[dreg:$0x2] =	wrdreg s24  }
0xaf: {  	[dreg:$0x3] =	wrdreg s2  }
0xb0: {  	[dreg:$0x4] =	wrdreg $0x9  }
0xb1: {  	_ =	task.clear_ibuf [dreg:s7], $0x5FFFF;
	_ =	strace $0x90000046  }
0xb2: {  	s29 =	simm.s32 $0x9;
	_ =	strace $0x80000048  }
0xb3: {  	_ =	swait.ge [sflag:s29], $0x1  }
0xb4: {  	[sflag:s29] =	ssyncadd.s32 $0xFFFFFFFF  }
0xb5: {  	_ =	strace $0x90000048  }
0xb6: {  	_ =	sfence  }
0xb7: {  	s30 =	sld [smem:$0x0];
	_ =	sdelay $0x2  }
0xb8: {  	s31 =	sshll.u32 s1, $0xD;
	s1 =	sshrl.u32 s1, $0x2  }
0xb9: {  	s3 =	sand.u32 $0x4000, s31;
	s1 =	sadd.s32 s1, s30  }
0xba: {  	s0 =	sor.u32 s3, s0;
	s1 =	sshll.u32 s1, $0x11  }
0xbb: {  	s0 =	sor.u32 s1, s0  }
0xbc: {  	s0 =	sadd.s32 $0x8F2B, s0  }
0xbd: {  	[sflag:s0] =	ssyncadd.remote.s32 $0x1  }
0xbe: {  	_ =	sfence.sel $0xFFFF  }
0xbf: {  	[dreg:$0x0] =	wrdreg $0xFFFFFFFF;
	(pc) =	sbr.abs _section_cstart, $3  }
0xc0: {  	[dreg:$0x1] =	wrdreg $0xFFFFFFFF  }
0xc1: {  	_ =	task.clear_ibuf [dreg:s7], $0x2FFFF;
	_ =	strace $0x9FFFFFFF  }
0xc2: {  	(tm) =	ssettm $0x7FFFFFFF  }
0xc3: {  	_ =	shalt  }
tec
execute0_lowered:
.L_overlay_start_1:
0x0: {  	(tag) =	ssettag $0x1  }
0x1: {  	s0 =	rddreg [dreg:$0x0]  }
0x2: {  	s1 =	srdreg.scid;
	s3 =	stileid.u32  }
0x3: {  	s2 =	rddreg [dreg:$0x1];
	s9 =	simm.s32 $0x9;
	s11 =	simm.s32 $0x60  }
0x4: {  	s13 =	simm.s32 $0x68;
	s28 =	simm.s32 $0x1;
	s29 =	simm.s32 $0x11300  }
0x5: {  	s30 =	simm.s32 $0x2;
	s31 =	simm.s32 $0x14500;
	s10 =	simm.s32 $0x4  }
0x6: {  	s12 =	simm.s32 $0x1A900;
	s14 =	simm.s32 $0x5;
	s15 =	simm.s32 $0x6  }
0x7: {  	s16 =	simm.s32 $0x7;
	s17 =	simm.s32 $0x8;
	s18 =	simm.s32 $0x0  }
0x8: {  	s1 =	sand.u32 $0x1, s1;
	s4 =	sshll.u32 s3, $0x1;
	s3 =	simm.s32 $0x0  }
0x9: {  	s24 =	sadd.s32 $0x7000, s0;
	s4 =	sor.u32 s1, s4;
	[smem:$0x7FF] =	sst s3  }
0xa: {  	s1 =	ssub.s32 $0x2, s1;
	s5 =	smul.u32 $0x320, s4;
	_ =	strace $0x80000047  }
.Ltmp0:
0xb: {  	[dreg:$0x3] =	wrdreg s24;
	s6 =	sshrl.u32 s1, $0x1;
	(pc) =	sbr.rel .LBB2_1-.Ltmp0, $4  }
0xc: {  	s24 =	simm.s32 $0xE100;
	s25 =	ssub.s32 s1, s6;
	s6 =	sshll.u32 s4, $0x5  }
0xd: {  	s7 =	sadd.s32 s5, s0;
	s5 =	sadd.s32 $0xF43000, s0;
	s0 =	smax.u32 s25, $0x1  }
0xe: {  	s1 =	simm.s32 $0x3;
	s26 =	sadd.s32 $0xC00, s7;
	[dreg:$0x5] =	wrdreg s0  }
0xf: {  	s0 =	simm.s32 $0x17700;
	[dreg:$0x4] =	wrdreg s26;
	s26 =	simm.s32 $0xF900  }
.LBB2_12:
0x10: {  	_ =	swait.ge [sflag:s14], $0x3200  }
0x11: {  	[sflag:s14] =	ssyncset.done $0x0  }
0x12: {  	[sflag:s14] =	ssyncadd.s32 $0xFFFFCE00  }
0x13: {  	_ =	swait.ge [sflag:s15], $0x3200  }
0x14: {  	[sflag:s15] =	ssyncset.done $0x0  }
0x15: {  	[sflag:s15] =	ssyncadd.s32 $0xFFFFCE00  }
0x16: {  	_ =	swait.ge [sflag:s16], $0x3200  }
0x17: {  	[sflag:s16] =	ssyncset.done $0x0  }
0x18: {  	[sflag:s16] =	ssyncadd.s32 $0xFFFFCE00  }
0x19: {  	_ =	swait.ge [sflag:s17], $0x3200  }
0x1a: {  	s18 =	sadd.s32 $0x1, s18;
	s4 =	rddreg [dreg:$0x5]  }
0x1b: {  	p0 =	sne.s32 s18, s4  }
.Ltmp1:
0x1c: {  	_ = 	snop;
	(pc) =	sbr.rel @!p0 .LBB2_13-.Ltmp1, $3  }
0x1d: {  	_ =	sdelay $0x1  }
0x1e: {  	[sflag:s17] =	ssyncset.done $0x0  }
0x1f: {  	[sflag:s17] =	ssyncadd.s32 $0xFFFFCE00  }
.LBB2_1:
0x20: {  	s4 =	rddreg [dreg:$0x4]  }
0x21: {  	[tilespmem:s3], [sflag:$0x9] =	stream.linear.gather [hbm4b:s4+s3], $0x1900, $0x38;
	[tilespmem:$0x1DB00] =	vst v63  }
0x22: {  	_ =	swait.ge [sflag:s9], $0x1900  }
0x23: {  	[sflag:s9] =	ssyncset.done $0x0  }
0x24: {  	s7 =	simm.s32 $0x1900;
	s20 =	rddreg [dreg:$0x3];
	[sflag:s9] =	ssyncadd.s32 $0xFFFFE700  }
0x25: {  	[tilespmem:s7], [sflag:$0x9] =	stream.linear.gather [hbm4b:s20+s3], $0x3200, $0x38;
	[tilespmem:$0x1DB00] =	vst v63  }
0x26: {  	_ =	swait.ge [sflag:s9], $0x3200  }
0x27: {  	[sflag:s9] =	ssyncset.done $0x0  }
0x28: {  	s21 =	simm.s32 $0x4B00;
	[sflag:s9] =	ssyncadd.s32 $0xFFFFCE00  }
0x29: {  	[tilespmem:s21], [sflag:$0x1] =	stream.indirect.gather [hbm4b:s5+s11], $0x40, s3, s11, $0xb8;
	[tilespmem:$0x1DB00] =	vst v63  }
0x2a: {  	s22 =	simm.s32 $0x6300  }
0x2b: {  	[tilespmem:s22], [sflag:$0x1] =	stream.indirect.gather [hbm4b:s5+s13], $0x40, s11, s13, $0xb8;
	[tilespmem:$0x1DB00] =	vst v63  }
0x2c: {  	s23 =	simm.s32 $0xC8;
	s25 =	simm.s32 $0x7D00  }
0x2d: {  	[tilespmem:s25], [sflag:$0x2] =	stream.indirect.gather [hbm4b:s5+s11], $0x40, s23, s11, $0xb8;
	[tilespmem:$0x1DB00] =	vst v63  }
0x2e: {  	s8 =	simm.s32 $0x9500;
	s7 =	simm.s32 $0x128  }
0x2f: {  	[tilespmem:s8], [sflag:$0x2] =	stream.indirect.gather [hbm4b:s5+s13], $0x40, s7, s13, $0xb8;
	[tilespmem:$0x1DB00] =	vst v63  }
0x30: {  	s19 =	simm.s32 $0x190;
	s20 =	simm.s32 $0xAF00  }
0x31: {  	[tilespmem:s20], [sflag:$0x3] =	stream.indirect.gather [hbm4b:s5+s11], $0x40, s19, s11, $0xb8;
	[tilespmem:$0x1DB00] =	vst v63  }
0x32: {  	s21 =	simm.s32 $0x1F0;
	s22 =	simm.s32 $0xC700  }
0x33: {  	[tilespmem:s22], [sflag:$0x3] =	stream.indirect.gather [hbm4b:s5+s13], $0x40, s21, s13, $0xb8;
	[tilespmem:$0x1DB00] =	vst v63  }
0x34: {  	s23 =	simm.s32 $0x258  }
0x35: {  	[tilespmem:s24], [sflag:$0x4] =	stream.indirect.gather [hbm4b:s5+s11], $0x40, s23, s11, $0xb8;
	[tilespmem:$0x1DB00] =	vst v63  }
0x36: {  	s25 =	simm.s32 $0x2B8;
	s19 =	simm.s32 $0x0  }
0x37: {  	[tilespmem:s26], [sflag:$0x4] =	stream.indirect.gather [hbm4b:s5+s13], $0x40, s25, s13, $0xb8;
	[tilespmem:$0x1DB00] =	vst v63  }
.LBB2_2:
0x38: {  	_ =	swait.ge [sflag:s28], $0x1800  }
0x39: {  	[sflag:s28] =	ssyncset.done $0x0  }
0x3a: {  	[sflag:s28] =	ssyncadd.s32 $0xFFFFE800  }
0x3b: {  	_ =	swait.ge [sflag:s28], $0x1A00  }
0x3c: {  	p0 =	seq.s32 s19, $0x0;
	[sflag:s28] =	ssyncset.done $0x0  }
0x3d: {  	s4 =	simm.s32 @!p0 $0x5;
	[sflag:s28] =	ssyncadd.s32 $0xFFFFE600  }
0x3e: {  	_ =	swait.ge @!p0 [sflag:s4], $0x3200  }
0x3f: {  	[sflag:s4] =	ssyncset.done @!p0 $0x0  }
0x40: {  	s21 =	simm.s32 $0x4B80;
	[sflag:s4] =	ssyncadd.s32 @!p0 $0xFFFFCE00  }
0x41: {  	v0 =	vld [tilespmem:s21+$0xFFFFFF80]  }
0x42: {  	s22 =	simm.s32 $0x1980  }
0x43: {  	v1 =	vld [tilespmem:s22+$0xFFFFFF80];
	_ =	sdelay $0x2  }
0x44: {  	v0 =	vmul.f32 $8.000000000e+00, v0;
	_ =	sdelay $0x1  }
0x45: {  	v0 =	vadd.f32 v1, v0  }
0x46: {  	s23 =	simm.s32 $0x11380  }
0x47: {  	[tilespmem:s23+$0xFFFFFF80] =	vst v0  }
0x48: {  	v0 =	vld [tilespmem:s21+$0xFFFFFF90];
	_ =	sdelay $0x1  }
0x49: {  	v1 =	vld [tilespmem:s22+$0xFFFFFF90];
	_ =	sdelay $0x2  }
0x4a: {  	v0 =	vmul.f32 $8.000000000e+00, v0;
	_ =	sdelay $0x1  }
0x4b: {  	v0 =	vadd.f32 v1, v0;
	_ =	sdelay $0x1  }
0x4c: {  	[tilespmem:s23+$0xFFFFFF90] =	vst v0  }
0x4d: {  	v0 =	vld [tilespmem:s21+$0xFFFFFFA0];
	_ =	sdelay $0x1  }
0x4e: {  	v1 =	vld [tilespmem:s22+$0xFFFFFFA0];
	_ =	sdelay $0x2  }
0x4f: {  	v0 =	vmul.f32 $8.000000000e+00, v0;
	_ =	sdelay $0x1  }
0x50: {  	v0 =	vadd.f32 v1, v0;
	_ =	sdelay $0x1  }
0x51: {  	[tilespmem:s23+$0xFFFFFFA0] =	vst v0  }
0x52: {  	v0 =	vld [tilespmem:s21+$0xFFFFFFB0];
	_ =	sdelay $0x1  }
0x53: {  	v1 =	vld [tilespmem:s22+$0xFFFFFFB0];
	_ =	sdelay $0x2  }
0x54: {  	v0 =	vmul.f32 $8.000000000e+00, v0;
	_ =	sdelay $0x1  }
0x55: {  	v0 =	vadd.f32 v1, v0;
	_ =	sdelay $0x1  }
0x56: {  	[tilespmem:s23+$0xFFFFFFB0] =	vst v0  }
0x57: {  	v0 =	vld [tilespmem:s21+$0xFFFFFFC0];
	_ =	sdelay $0x1  }
0x58: {  	v1 =	vld [tilespmem:s22+$0xFFFFFFC0];
	_ =	sdelay $0x2  }
0x59: {  	v0 =	vmul.f32 $8.000000000e+00, v0;
	_ =	sdelay $0x1  }
0x5a: {  	v0 =	vadd.f32 v1, v0;
	_ =	sdelay $0x1  }
0x5b: {  	[tilespmem:s23+$0xFFFFFFC0] =	vst v0  }
0x5c: {  	v0 =	vld [tilespmem:s21+$0xFFFFFFD0];
	_ =	sdelay $0x1  }
0x5d: {  	v1 =	vld [tilespmem:s22+$0xFFFFFFD0];
	_ =	sdelay $0x2  }
0x5e: {  	v0 =	vmul.f32 $8.000000000e+00, v0;
	_ =	sdelay $0x1  }
0x5f: {  	v0 =	vadd.f32 v1, v0;
	_ =	sdelay $0x1  }
0x60: {  	[tilespmem:s23+$0xFFFFFFD0] =	vst v0  }
0x61: {  	v0 =	vld [tilespmem:s21+$0xFFFFFFE0];
	_ =	sdelay $0x1  }
0x62: {  	v1 =	vld [tilespmem:s22+$0xFFFFFFE0];
	_ =	sdelay $0x2  }
0x63: {  	v0 =	vmul.f32 $8.000000000e+00, v0;
	_ =	sdelay $0x1  }
0x64: {  	v0 =	vadd.f32 v1, v0;
	_ =	sdelay $0x1  }
0x65: {  	[tilespmem:s23+$0xFFFFFFE0] =	vst v0  }
0x66: {  	v0 =	vld [tilespmem:s21+$0xFFFFFFF0];
	_ =	sdelay $0x1  }
0x67: {  	v1 =	vld [tilespmem:s22+$0xFFFFFFF0];
	_ =	sdelay $0x2  }
0x68: {  	v0 =	vmul.f32 $8.000000000e+00, v0;
	_ =	sdelay $0x1  }
0x69: {  	v0 =	vadd.f32 v1, v0;
	_ =	sdelay $0x1  }
0x6a: {  	[tilespmem:s23+$0xFFFFFFF0] =	vst v0  }
0x6b: {  	v0 =	vld [tilespmem:s21+$0x0];
	_ =	sdelay $0x1  }
0x6c: {  	v1 =	vld [tilespmem:s22+$0x0];
	_ =	sdelay $0x2  }
0x6d: {  	v0 =	vmul.f32 $8.000000000e+00, v0;
	_ =	sdelay $0x1  }
0x6e: {  	v0 =	vadd.f32 v1, v0;
	_ =	sdelay $0x1  }
0x6f: {  	[tilespmem:s23+$0x0] =	vst v0  }
0x70: {  	v0 =	vld [tilespmem:s21+$0x10];
	_ =	sdelay $0x1  }
0x71: {  	v1 =	vld [tilespmem:s22+$0x10];
	_ =	sdelay $0x2  }
0x72: {  	v0 =	vmul.f32 $8.000000000e+00, v0;
	_ =	sdelay $0x1  }
0x73: {  	v0 =	vadd.f32 v1, v0;
	_ =	sdelay $0x1  }
0x74: {  	[tilespmem:s23+$0x10] =	vst v0  }
0x75: {  	v0 =	vld [tilespmem:s21+$0x20];
	_ =	sdelay $0x1  }
0x76: {  	v1 =	vld [tilespmem:s22+$0x20];
	_ =	sdelay $0x2  }
0x77: {  	v0 =	vmul.f32 $8.000000000e+00, v0;
	_ =	sdelay $0x1  }
0x78: {  	v0 =	vadd.f32 v1, v0;
	_ =	sdelay $0x1  }
0x79: {  	[tilespmem:s23+$0x20] =	vst v0  }
0x7a: {  	v0 =	vld [tilespmem:s21+$0x30];
	_ =	sdelay $0x1  }
0x7b: {  	v1 =	vld [tilespmem:s22+$0x30];
	_ =	sdelay $0x2  }
0x7c: {  	v0 =	vmul.f32 $8.000000000e+00, v0;
	_ =	sdelay $0x1  }
0x7d: {  	v0 =	vadd.f32 v1, v0;
	_ =	sdelay $0x1  }
0x7e: {  	[tilespmem:s23+$0x30] =	vst v0  }
0x7f: {  	v0 =	vld [tilespmem:s21+$0x40];
	_ =	sdelay $0x1  }
0x80: {  	v1 =	vld [tilespmem:s22+$0x40];
	_ =	sdelay $0x2  }
0x81: {  	v0 =	vmul.f32 $8.000000000e+00, v0;
	_ =	sdelay $0x1  }
0x82: {  	v0 =	vadd.f32 v1, v0;
	_ =	sdelay $0x1  }
0x83: {  	[tilespmem:s23+$0x40] =	vst v0  }
0x84: {  	v0 =	vld [tilespmem:s21+$0x50];
	_ =	sdelay $0x1  }
0x85: {  	v1 =	vld [tilespmem:s22+$0x50];
	_ =	sdelay $0x2  }
0x86: {  	v0 =	vmul.f32 $8.000000000e+00, v0;
	_ =	sdelay $0x1  }
0x87: {  	v0 =	vadd.f32 v1, v0;
	_ =	sdelay $0x1  }
0x88: {  	[tilespmem:s23+$0x50] =	vst v0  }
0x89: {  	v0 =	vld [tilespmem:s21+$0x60];
	_ =	sdelay $0x1  }
0x8a: {  	v1 =	vld [tilespmem:s22+$0x60];
	_ =	sdelay $0x2  }
0x8b: {  	v0 =	vmul.f32 $8.000000000e+00, v0;
	_ =	sdelay $0x1  }
0x8c: {  	v0 =	vadd.f32 v1, v0;
	_ =	sdelay $0x1  }
0x8d: {  	[tilespmem:s23+$0x60] =	vst v0  }
0x8e: {  	v0 =	vld [tilespmem:s21+$0x70];
	_ =	sdelay $0x1  }
0x8f: {  	v1 =	vld [tilespmem:s22+$0x70];
	_ =	sdelay $0x2  }
0x90: {  	v0 =	vmul.f32 $8.000000000e+00, v0;
	_ =	sdelay $0x1  }
0x91: {  	v0 =	vadd.f32 v1, v0  }
0x92: {  	s20 =	sshll.u32 s19, $0x2;
	s7 =	simm.s32 $0x11480;
	s4 =	simm.s32 $0x0  }
.LBB2_3:
0x93: {  	s4 =	sadd.s32 $0x4, s4;
	[tilespmem:s23+$0x70] =	vst v0;
	s21 =	sadd.s32 $0x100, s21;
	s22 =	sadd.s32 $0x100, s22  }
0x94: {  	s23 =	smov.u32 s7;
	v0 =	vld [tilespmem:s21+$0xFFFFFF80];
	p1 =	slt.u32 s4, $0xC4;
	_ =	sdelay $0x1  }
0x95: {  	v1 =	vld [tilespmem:s22+$0xFFFFFF80];
	_ =	sdelay $0x2  }
0x96: {  	v0 =	vmul.f32 $8.000000000e+00, v0;
	_ =	sdelay $0x1  }
0x97: {  	v0 =	vadd.f32 v1, v0;
	_ =	sdelay $0x1  }
0x98: {  	[tilespmem:s7+$0xFFFFFF80] =	vst v0  }
0x99: {  	v0 =	vld [tilespmem:s21+$0xFFFFFF90];
	_ =	sdelay $0x1  }
0x9a: {  	v1 =	vld [tilespmem:s22+$0xFFFFFF90];
	_ =	sdelay $0x2  }
0x9b: {  	v0 =	vmul.f32 $8.000000000e+00, v0;
	_ =	sdelay $0x1  }
0x9c: {  	v0 =	vadd.f32 v1, v0;
	_ =	sdelay $0x1  }
0x9d: {  	[tilespmem:s7+$0xFFFFFF90] =	vst v0  }
0x9e: {  	v0 =	vld [tilespmem:s21+$0xFFFFFFA0];
	_ =	sdelay $0x1  }
0x9f: {  	v1 =	vld [tilespmem:s22+$0xFFFFFFA0];
	_ =	sdelay $0x2  }
0xa0: {  	v0 =	vmul.f32 $8.000000000e+00, v0;
	_ =	sdelay $0x1  }
0xa1: {  	v0 =	vadd.f32 v1, v0;
	_ =	sdelay $0x1  }
0xa2: {  	[tilespmem:s7+$0xFFFFFFA0] =	vst v0  }
0xa3: {  	v0 =	vld [tilespmem:s21+$0xFFFFFFB0];
	_ =	sdelay $0x1  }
0xa4: {  	v1 =	vld [tilespmem:s22+$0xFFFFFFB0];
	_ =	sdelay $0x2  }
0xa5: {  	v0 =	vmul.f32 $8.000000000e+00, v0;
	_ =	sdelay $0x1  }
0xa6: {  	v0 =	vadd.f32 v1, v0;
	_ =	sdelay $0x1  }
0xa7: {  	[tilespmem:s7+$0xFFFFFFB0] =	vst v0  }
0xa8: {  	v0 =	vld [tilespmem:s21+$0xFFFFFFC0];
	_ =	sdelay $0x1  }
0xa9: {  	v1 =	vld [tilespmem:s22+$0xFFFFFFC0];
	_ =	sdelay $0x2  }
0xaa: {  	v0 =	vmul.f32 $8.000000000e+00, v0;
	_ =	sdelay $0x1  }
0xab: {  	v0 =	vadd.f32 v1, v0;
	_ =	sdelay $0x1  }
0xac: {  	[tilespmem:s7+$0xFFFFFFC0] =	vst v0  }
0xad: {  	v0 =	vld [tilespmem:s21+$0xFFFFFFD0];
	_ =	sdelay $0x1  }
0xae: {  	v1 =	vld [tilespmem:s22+$0xFFFFFFD0];
	_ =	sdelay $0x2  }
0xaf: {  	v0 =	vmul.f32 $8.000000000e+00, v0;
	_ =	sdelay $0x1  }
0xb0: {  	v0 =	vadd.f32 v1, v0;
	_ =	sdelay $0x1  }
0xb1: {  	[tilespmem:s7+$0xFFFFFFD0] =	vst v0  }
0xb2: {  	v0 =	vld [tilespmem:s21+$0xFFFFFFE0];
	_ =	sdelay $0x1  }
0xb3: {  	v1 =	vld [tilespmem:s22+$0xFFFFFFE0];
	_ =	sdelay $0x2  }
0xb4: {  	v0 =	vmul.f32 $8.000000000e+00, v0;
	_ =	sdelay $0x1  }
0xb5: {  	v0 =	vadd.f32 v1, v0;
	_ =	sdelay $0x1  }
0xb6: {  	[tilespmem:s7+$0xFFFFFFE0] =	vst v0  }
0xb7: {  	v0 =	vld [tilespmem:s21+$0xFFFFFFF0];
	_ =	sdelay $0x1  }
0xb8: {  	v1 =	vld [tilespmem:s22+$0xFFFFFFF0];
	_ =	sdelay $0x2  }
0xb9: {  	v0 =	vmul.f32 $8.000000000e+00, v0;
	_ =	sdelay $0x1  }
0xba: {  	v0 =	vadd.f32 v1, v0;
	_ =	sdelay $0x1  }
0xbb: {  	[tilespmem:s7+$0xFFFFFFF0] =	vst v0  }
0xbc: {  	v0 =	vld [tilespmem:s21+$0x0];
	_ =	sdelay $0x1  }
0xbd: {  	v1 =	vld [tilespmem:s22+$0x0];
	_ =	sdelay $0x2  }
0xbe: {  	v0 =	vmul.f32 $8.000000000e+00, v0;
	_ =	sdelay $0x1  }
0xbf: {  	v0 =	vadd.f32 v1, v0;
	_ =	sdelay $0x1  }
0xc0: {  	[tilespmem:s7+$0x0] =	vst v0  }
0xc1: {  	v0 =	vld [tilespmem:s21+$0x10]  }
0xc2: {  	v1 =	vld [tilespmem:s22+$0x10];
	_ =	sdelay $0x3  }
0xc3: {  	v0 =	vmul.f32 $8.000000000e+00, v0;
	_ =	sdelay $0x1  }
0xc4: {  	v0 =	vadd.f32 v1, v0;
	_ =	sdelay $0x1  }
0xc5: {  	[tilespmem:s7+$0x10] =	vst v0  }
0xc6: {  	v0 =	vld [tilespmem:s21+$0x20]  }
0xc7: {  	v1 =	vld [tilespmem:s22+$0x20];
	_ =	sdelay $0x3  }
0xc8: {  	v0 =	vmul.f32 $8.000000000e+00, v0;
	_ =	sdelay $0x1  }
0xc9: {  	v0 =	vadd.f32 v1, v0;
	_ =	sdelay $0x1  }
0xca: {  	[tilespmem:s7+$0x20] =	vst v0  }
0xcb: {  	v0 =	vld [tilespmem:s21+$0x30]  }
0xcc: {  	v1 =	vld [tilespmem:s22+$0x30];
	_ =	sdelay $0x3  }
0xcd: {  	v0 =	vmul.f32 $8.000000000e+00, v0;
	_ =	sdelay $0x1  }
0xce: {  	v0 =	vadd.f32 v1, v0;
	_ =	sdelay $0x1  }
0xcf: {  	[tilespmem:s7+$0x30] =	vst v0  }
0xd0: {  	v0 =	vld [tilespmem:s21+$0x40]  }
0xd1: {  	v1 =	vld [tilespmem:s22+$0x40];
	_ =	sdelay $0x3  }
0xd2: {  	v0 =	vmul.f32 $8.000000000e+00, v0;
	_ =	sdelay $0x1  }
0xd3: {  	v0 =	vadd.f32 v1, v0;
	_ =	sdelay $0x1  }
0xd4: {  	[tilespmem:s7+$0x40] =	vst v0  }
0xd5: {  	v0 =	vld [tilespmem:s21+$0x50]  }
0xd6: {  	v1 =	vld [tilespmem:s22+$0x50];
	_ =	sdelay $0x3  }
0xd7: {  	v0 =	vmul.f32 $8.000000000e+00, v0;
	_ =	sdelay $0x1  }
0xd8: {  	v0 =	vadd.f32 v1, v0;
	_ =	sdelay $0x1  }
0xd9: {  	[tilespmem:s7+$0x50] =	vst v0  }
0xda: {  	v0 =	vld [tilespmem:s21+$0x60]  }
0xdb: {  	v1 =	vld [tilespmem:s22+$0x60];
	_ =	sdelay $0x3  }
0xdc: {  	v0 =	vmul.f32 $8.000000000e+00, v0;
	_ =	sdelay $0x1  }
0xdd: {  	v0 =	vadd.f32 v1, v0;
	_ =	sdelay $0x1  }
0xde: {  	[tilespmem:s7+$0x60] =	vst v0  }
0xdf: {  	v0 =	vld [tilespmem:s21+$0x70]  }
0xe0: {  	v1 =	vld [tilespmem:s22+$0x70];
	_ =	sdelay $0x2  }
.Ltmp2:
0xe1: {  	(pc) =	sbr.rel @p1 .LBB2_3-.Ltmp2, $3  }
0xe2: {  	v0 =	vmul.f32 $8.000000000e+00, v0;
	_ =	sdelay $0x1  }
0xe3: {  	v0 =	vadd.f32 v1, v0  }
0xe4: {  	s7 =	sadd.s32 $0x100, s7  }
0xe5: {  	s4 =	sadd.s32 s6, s20  }
0xe6: {  	p1 =	seq.s32 s19, $0x7;
	s4 =	smul.u32 $0x640, s4  }
0xe7: {  	s7 =	smul.u32 @!p1 $0xC80, s19;
	_ =	sdelay $0x1  }
0xe8: {  	[tilespmem:s23+$0x70] =	vst v0;
	s4 =	sadd.s32 s2, s4;
	s21 =	sshra.s32 @!p1 s7, $0x2  }
0xe9: {  	[hbm4b:s4+s3] =	stream.linear.scatter [tilespmem:s29], [sflag:$0x5], $0x3200, $0x38;
	[tilespmem:$0x1DB00] =	vst v63  }
0xea: {  	s8 =	simm.s32 @!p1 $0x4B00;
	s7 =	simm.s32 @!p1 $0x60;
	s4 =	sadd.s32 @!p1 $0x320, s21  }
0xeb: {  	[tilespmem:s8], [sflag:$0x1] =	stream.indirect.gather @!p1 [hbm4b:s5+s7], $0x40, s4, s7, $0xb8;
	[tilespmem:$0x1DB00] =	vst v63  }
0xec: {  	s4 =	sadd.s32 @!p1 $0x380, s21;
	s7 =	simm.s32 @!p1 $0x68;
	s8 =	simm.s32 @!p1 $0x6300  }
0xed: {  	[tilespmem:s8], [sflag:$0x1] =	stream.indirect.gather @!p1 [hbm4b:s5+s7], $0x40, s4, s7, $0xb8;
	[tilespmem:$0x1DB00] =	vst v63  }
0xee: {  	_ =	swait.ge [sflag:s30], $0x1800  }
0xef: {  	[sflag:s30] =	ssyncset.done $0x0  }
0xf0: {  	[sflag:s30] =	ssyncadd.s32 $0xFFFFE800  }
0xf1: {  	_ =	swait.ge [sflag:s30], $0x1A00  }
0xf2: {  	[sflag:s30] =	ssyncset.done $0x0  }
0xf3: {  	s4 =	simm.s32 @!p0 $0x6;
	[sflag:s30] =	ssyncadd.s32 $0xFFFFE600  }
0xf4: {  	_ =	swait.ge @!p0 [sflag:s4], $0x3200  }
0xf5: {  	[sflag:s4] =	ssyncset.done @!p0 $0x0  }
0xf6: {  	s22 =	simm.s32 $0x7D80;
	[sflag:s4] =	ssyncadd.s32 @!p0 $0xFFFFCE00  }
0xf7: {  	v0 =	vld [tilespmem:s22+$0xFFFFFF80]  }
0xf8: {  	s23 =	simm.s32 $0x1980  }
0xf9: {  	v1 =	vld [tilespmem:s23+$0xFFFFFF80];
	_ =	sdelay $0x2  }
0xfa: {  	v0 =	vmul.f32 $8.000000000e+00, v0;
	_ =	sdelay $0x1  }
0xfb: {  	v0 =	vadd.f32 v1, v0  }
0xfc: {  	s25 =	simm.s32 $0x14580  }
0xfd: {  	[tilespmem:s25+$0xFFFFFF80] =	vst v0  }
0xfe: {  	v0 =	vld [tilespmem:s22+$0xFFFFFF90];
	_ =	sdelay $0x1  }
0xff: {  	v1 =	vld [tilespmem:s23+$0xFFFFFF90];
	_ =	sdelay $0x2  }
0x100: {  	v0 =	vmul.f32 $8.000000000e+00, v0;
	_ =	sdelay $0x1  }
0x101: {  	v0 =	vadd.f32 v1, v0;
	_ =	sdelay $0x1  }
0x102: {  	[tilespmem:s25+$0xFFFFFF90] =	vst v0  }
0x103: {  	v0 =	vld [tilespmem:s22+$0xFFFFFFA0];
	_ =	sdelay $0x1  }
0x104: {  	v1 =	vld [tilespmem:s23+$0xFFFFFFA0];
	_ =	sdelay $0x2  }
0x105: {  	v0 =	vmul.f32 $8.000000000e+00, v0;
	_ =	sdelay $0x1  }
0x106: {  	v0 =	vadd.f32 v1, v0;
	_ =	sdelay $0x1  }
0x107: {  	[tilespmem:s25+$0xFFFFFFA0] =	vst v0  }
0x108: {  	v0 =	vld [tilespmem:s22+$0xFFFFFFB0];
	_ =	sdelay $0x1  }
0x109: {  	v1 =	vld [tilespmem:s23+$0xFFFFFFB0];
	_ =	sdelay $0x2  }
0x10a: {  	v0 =	vmul.f32 $8.000000000e+00, v0;
	_ =	sdelay $0x1  }
0x10b: {  	v0 =	vadd.f32 v1, v0;
	_ =	sdelay $0x1  }
0x10c: {  	[tilespmem:s25+$0xFFFFFFB0] =	vst v0  }
0x10d: {  	v0 =	vld [tilespmem:s22+$0xFFFFFFC0];
	_ =	sdelay $0x1  }
0x10e: {  	v1 =	vld [tilespmem:s23+$0xFFFFFFC0];
	_ =	sdelay $0x2  }
0x10f: {  	v0 =	vmul.f32 $8.000000000e+00, v0;
	_ =	sdelay $0x1  }
0x110: {  	v0 =	vadd.f32 v1, v0;
	_ =	sdelay $0x1  }
0x111: {  	[tilespmem:s25+$0xFFFFFFC0] =	vst v0  }
0x112: {  	v0 =	vld [tilespmem:s22+$0xFFFFFFD0];
	_ =	sdelay $0x1  }
0x113: {  	v1 =	vld [tilespmem:s23+$0xFFFFFFD0];
	_ =	sdelay $0x2  }
0x114: {  	v0 =	vmul.f32 $8.000000000e+00, v0;
	_ =	sdelay $0x1  }
0x115: {  	v0 =	vadd.f32 v1, v0;
	_ =	sdelay $0x1  }
0x116: {  	[tilespmem:s25+$0xFFFFFFD0] =	vst v0  }
0x117: {  	v0 =	vld [tilespmem:s22+$0xFFFFFFE0];
	_ =	sdelay $0x1  }
0x118: {  	v1 =	vld [tilespmem:s23+$0xFFFFFFE0];
	_ =	sdelay $0x2  }
0x119: {  	v0 =	vmul.f32 $8.000000000e+00, v0;
	_ =	sdelay $0x1  }
0x11a: {  	v0 =	vadd.f32 v1, v0;
	_ =	sdelay $0x1  }
0x11b: {  	[tilespmem:s25+$0xFFFFFFE0] =	vst v0  }
0x11c: {  	v0 =	vld [tilespmem:s22+$0xFFFFFFF0];
	_ =	sdelay $0x1  }
0x11d: {  	v1 =	vld [tilespmem:s23+$0xFFFFFFF0];
	_ =	sdelay $0x2  }
0x11e: {  	v0 =	vmul.f32 $8.000000000e+00, v0;
	_ =	sdelay $0x1  }
0x11f: {  	v0 =	vadd.f32 v1, v0;
	_ =	sdelay $0x1  }
0x120: {  	[tilespmem:s25+$0xFFFFFFF0] =	vst v0  }
0x121: {  	v0 =	vld [tilespmem:s22+$0x0];
	_ =	sdelay $0x1  }
0x122: {  	v1 =	vld [tilespmem:s23+$0x0];
	_ =	sdelay $0x2  }
0x123: {  	v0 =	vmul.f32 $8.000000000e+00, v0;
	_ =	sdelay $0x1  }
0x124: {  	v0 =	vadd.f32 v1, v0;
	_ =	sdelay $0x1  }
0x125: {  	[tilespmem:s25+$0x0] =	vst v0  }
0x126: {  	v0 =	vld [tilespmem:s22+$0x10];
	_ =	sdelay $0x1  }
0x127: {  	v1 =	vld [tilespmem:s23+$0x10];
	_ =	sdelay $0x2  }
0x128: {  	v0 =	vmul.f32 $8.000000000e+00, v0;
	_ =	sdelay $0x1  }
0x129: {  	v0 =	vadd.f32 v1, v0;
	_ =	sdelay $0x1  }
0x12a: {  	[tilespmem:s25+$0x10] =	vst v0  }
0x12b: {  	v0 =	vld [tilespmem:s22+$0x20];
	_ =	sdelay $0x1  }
0x12c: {  	v1 =	vld [tilespmem:s23+$0x20];
	_ =	sdelay $0x2  }
0x12d: {  	v0 =	vmul.f32 $8.000000000e+00, v0;
	_ =	sdelay $0x1  }
0x12e: {  	v0 =	vadd.f32 v1, v0;
	_ =	sdelay $0x1  }
0x12f: {  	[tilespmem:s25+$0x20] =	vst v0  }
0x130: {  	v0 =	vld [tilespmem:s22+$0x30];
	_ =	sdelay $0x1  }
0x131: {  	v1 =	vld [tilespmem:s23+$0x30];
	_ =	sdelay $0x2  }
0x132: {  	v0 =	vmul.f32 $8.000000000e+00, v0;
	_ =	sdelay $0x1  }
0x133: {  	v0 =	vadd.f32 v1, v0;
	_ =	sdelay $0x1  }
0x134: {  	[tilespmem:s25+$0x30] =	vst v0  }
0x135: {  	v0 =	vld [tilespmem:s22+$0x40];
	_ =	sdelay $0x1  }
0x136: {  	v1 =	vld [tilespmem:s23+$0x40];
	_ =	sdelay $0x2  }
0x137: {  	v0 =	vmul.f32 $8.000000000e+00, v0;
	_ =	sdelay $0x1  }
0x138: {  	v0 =	vadd.f32 v1, v0;
	_ =	sdelay $0x1  }
0x139: {  	[tilespmem:s25+$0x40] =	vst v0  }
0x13a: {  	v0 =	vld [tilespmem:s22+$0x50];
	_ =	sdelay $0x1  }
0x13b: {  	v1 =	vld [tilespmem:s23+$0x50];
	_ =	sdelay $0x2  }
0x13c: {  	v0 =	vmul.f32 $8.000000000e+00, v0;
	_ =	sdelay $0x1  }
0x13d: {  	v0 =	vadd.f32 v1, v0;
	_ =	sdelay $0x1  }
0x13e: {  	[tilespmem:s25+$0x50] =	vst v0  }
0x13f: {  	v0 =	vld [tilespmem:s22+$0x60];
	_ =	sdelay $0x1  }
0x140: {  	v1 =	vld [tilespmem:s23+$0x60];
	_ =	sdelay $0x2  }
0x141: {  	v0 =	vmul.f32 $8.000000000e+00, v0;
	_ =	sdelay $0x1  }
0x142: {  	v0 =	vadd.f32 v1, v0;
	_ =	sdelay $0x1  }
0x143: {  	[tilespmem:s25+$0x60] =	vst v0  }
0x144: {  	v0 =	vld [tilespmem:s22+$0x70];
	_ =	sdelay $0x1  }
0x145: {  	v1 =	vld [tilespmem:s23+$0x70];
	_ =	sdelay $0x2  }
0x146: {  	v0 =	vmul.f32 $8.000000000e+00, v0;
	_ =	sdelay $0x1  }
0x147: {  	v0 =	vadd.f32 v1, v0  }
0x148: {  	s7 =	simm.s32 $0x0;
	s8 =	simm.s32 $0x14680;
	s4 =	sor.u32 $0x1, s20  }
.LBB2_5:
0x149: {  	s7 =	sadd.s32 $0x4, s7;
	[tilespmem:s25+$0x70] =	vst v0;
	s22 =	sadd.s32 $0x100, s22;
	s23 =	sadd.s32 $0x100, s23  }
0x14a: {  	s25 =	smov.u32 s8;
	v0 =	vld [tilespmem:s22+$0xFFFFFF80];
	p2 =	slt.u32 s7, $0xC4;
	_ =	sdelay $0x1  }
0x14b: {  	v1 =	vld [tilespmem:s23+$0xFFFFFF80];
	_ =	sdelay $0x2  }
0x14c: {  	v0 =	vmul.f32 $8.000000000e+00, v0;
	_ =	sdelay $0x1  }
0x14d: {  	v0 =	vadd.f32 v1, v0;
	_ =	sdelay $0x1  }
0x14e: {  	[tilespmem:s8+$0xFFFFFF80] =	vst v0  }
0x14f: {  	v0 =	vld [tilespmem:s22+$0xFFFFFF90];
	_ =	sdelay $0x1  }
0x150: {  	v1 =	vld [tilespmem:s23+$0xFFFFFF90];
	_ =	sdelay $0x2  }
0x151: {  	v0 =	vmul.f32 $8.000000000e+00, v0;
	_ =	sdelay $0x1  }
0x152: {  	v0 =	vadd.f32 v1, v0;
	_ =	sdelay $0x1  }
0x153: {  	[tilespmem:s8+$0xFFFFFF90] =	vst v0  }
0x154: {  	v0 =	vld [tilespmem:s22+$0xFFFFFFA0];
	_ =	sdelay $0x1  }
0x155: {  	v1 =	vld [tilespmem:s23+$0xFFFFFFA0];
	_ =	sdelay $0x2  }
0x156: {  	v0 =	vmul.f32 $8.000000000e+00, v0;
	_ =	sdelay $0x1  }
0x157: {  	v0 =	vadd.f32 v1, v0;
	_ =	sdelay $0x1  }
0x158: {  	[tilespmem:s8+$0xFFFFFFA0] =	vst v0  }
0x159: {  	v0 =	vld [tilespmem:s22+$0xFFFFFFB0];
	_ =	sdelay $0x1  }
0x15a: {  	v1 =	vld [tilespmem:s23+$0xFFFFFFB0];
	_ =	sdelay $0x2  }
0x15b: {  	v0 =	vmul.f32 $8.000000000e+00, v0;
	_ =	sdelay $0x1  }
0x15c: {  	v0 =	vadd.f32 v1, v0;
	_ =	sdelay $0x1  }
0x15d: {  	[tilespmem:s8+$0xFFFFFFB0] =	vst v0  }
0x15e: {  	v0 =	vld [tilespmem:s22+$0xFFFFFFC0];
	_ =	sdelay $0x1  }
0x15f: {  	v1 =	vld [tilespmem:s23+$0xFFFFFFC0];
	_ =	sdelay $0x2  }
0x160: {  	v0 =	vmul.f32 $8.000000000e+00, v0;
	_ =	sdelay $0x1  }
0x161: {  	v0 =	vadd.f32 v1, v0;
	_ =	sdelay $0x1  }
0x162: {  	[tilespmem:s8+$0xFFFFFFC0] =	vst v0  }
0x163: {  	v0 =	vld [tilespmem:s22+$0xFFFFFFD0];
	_ =	sdelay $0x1  }
0x164: {  	v1 =	vld [tilespmem:s23+$0xFFFFFFD0];
	_ =	sdelay $0x2  }
0x165: {  	v0 =	vmul.f32 $8.000000000e+00, v0;
	_ =	sdelay $0x1  }
0x166: {  	v0 =	vadd.f32 v1, v0;
	_ =	sdelay $0x1  }
0x167: {  	[tilespmem:s8+$0xFFFFFFD0] =	vst v0  }
0x168: {  	v0 =	vld [tilespmem:s22+$0xFFFFFFE0];
	_ =	sdelay $0x1  }
0x169: {  	v1 =	vld [tilespmem:s23+$0xFFFFFFE0];
	_ =	sdelay $0x2  }
0x16a: {  	v0 =	vmul.f32 $8.000000000e+00, v0;
	_ =	sdelay $0x1  }
0x16b: {  	v0 =	vadd.f32 v1, v0;
	_ =	sdelay $0x1  }
0x16c: {  	[tilespmem:s8+$0xFFFFFFE0] =	vst v0  }
0x16d: {  	v0 =	vld [tilespmem:s22+$0xFFFFFFF0];
	_ =	sdelay $0x1  }
0x16e: {  	v1 =	vld [tilespmem:s23+$0xFFFFFFF0];
	_ =	sdelay $0x2  }
0x16f: {  	v0 =	vmul.f32 $8.000000000e+00, v0;
	_ =	sdelay $0x1  }
0x170: {  	v0 =	vadd.f32 v1, v0;
	_ =	sdelay $0x1  }
0x171: {  	[tilespmem:s8+$0xFFFFFFF0] =	vst v0  }
0x172: {  	v0 =	vld [tilespmem:s22+$0x0];
	_ =	sdelay $0x1  }
0x173: {  	v1 =	vld [tilespmem:s23+$0x0];
	_ =	sdelay $0x2  }
0x174: {  	v0 =	vmul.f32 $8.000000000e+00, v0;
	_ =	sdelay $0x1  }
0x175: {  	v0 =	vadd.f32 v1, v0;
	_ =	sdelay $0x1  }
0x176: {  	[tilespmem:s8+$0x0] =	vst v0  }
0x177: {  	v0 =	vld [tilespmem:s22+$0x10]  }
0x178: {  	v1 =	vld [tilespmem:s23+$0x10];
	_ =	sdelay $0x3  }
0x179: {  	v0 =	vmul.f32 $8.000000000e+00, v0;
	_ =	sdelay $0x1  }
0x17a: {  	v0 =	vadd.f32 v1, v0;
	_ =	sdelay $0x1  }
0x17b: {  	[tilespmem:s8+$0x10] =	vst v0  }
0x17c: {  	v0 =	vld [tilespmem:s22+$0x20]  }
0x17d: {  	v1 =	vld [tilespmem:s23+$0x20];
	_ =	sdelay $0x3  }
0x17e: {  	v0 =	vmul.f32 $8.000000000e+00, v0;
	_ =	sdelay $0x1  }
0x17f: {  	v0 =	vadd.f32 v1, v0;
	_ =	sdelay $0x1  }
0x180: {  	[tilespmem:s8+$0x20] =	vst v0  }
0x181: {  	v0 =	vld [tilespmem:s22+$0x30]  }
0x182: {  	v1 =	vld [tilespmem:s23+$0x30];
	_ =	sdelay $0x3  }
0x183: {  	v0 =	vmul.f32 $8.000000000e+00, v0;
	_ =	sdelay $0x1  }
0x184: {  	v0 =	vadd.f32 v1, v0;
	_ =	sdelay $0x1  }
0x185: {  	[tilespmem:s8+$0x30] =	vst v0  }
0x186: {  	v0 =	vld [tilespmem:s22+$0x40]  }
0x187: {  	v1 =	vld [tilespmem:s23+$0x40];
	_ =	sdelay $0x3  }
0x188: {  	v0 =	vmul.f32 $8.000000000e+00, v0;
	_ =	sdelay $0x1  }
0x189: {  	v0 =	vadd.f32 v1, v0;
	_ =	sdelay $0x1  }
0x18a: {  	[tilespmem:s8+$0x40] =	vst v0  }
0x18b: {  	v0 =	vld [tilespmem:s22+$0x50]  }
0x18c: {  	v1 =	vld [tilespmem:s23+$0x50];
	_ =	sdelay $0x3  }
0x18d: {  	v0 =	vmul.f32 $8.000000000e+00, v0;
	_ =	sdelay $0x1  }
0x18e: {  	v0 =	vadd.f32 v1, v0;
	_ =	sdelay $0x1  }
0x18f: {  	[tilespmem:s8+$0x50] =	vst v0  }
0x190: {  	v0 =	vld [tilespmem:s22+$0x60]  }
0x191: {  	v1 =	vld [tilespmem:s23+$0x60];
	_ =	sdelay $0x3  }
0x192: {  	v0 =	vmul.f32 $8.000000000e+00, v0;
	_ =	sdelay $0x1  }
0x193: {  	v0 =	vadd.f32 v1, v0;
	_ =	sdelay $0x1  }
0x194: {  	[tilespmem:s8+$0x60] =	vst v0  }
0x195: {  	v0 =	vld [tilespmem:s22+$0x70]  }
0x196: {  	v1 =	vld [tilespmem:s23+$0x70];
	_ =	sdelay $0x2  }
.Ltmp3:
0x197: {  	(pc) =	sbr.rel @p2 .LBB2_5-.Ltmp3, $3  }
0x198: {  	v0 =	vmul.f32 $8.000000000e+00, v0;
	_ =	sdelay $0x1  }
0x199: {  	v0 =	vadd.f32 v1, v0  }
0x19a: {  	s8 =	sadd.s32 $0x100, s8  }
0x19b: {  	s4 =	sadd.s32 s6, s4  }
0x19c: {  	s4 =	smul.u32 $0x640, s4;
	_ =	sdelay $0x1  }
0x19d: {  	[tilespmem:s25+$0x70] =	vst v0;
	s4 =	sadd.s32 s2, s4  }
0x19e: {  	[hbm4b:s4+s3] =	stream.linear.scatter [tilespmem:s31], [sflag:$0x6], $0x3200, $0x38;
	[tilespmem:$0x1DB00] =	vst v63  }
0x19f: {  	s7 =	simm.s32 @!p1 $0x60;
	s8 =	simm.s32 @!p1 $0x7D00;
	s4 =	sadd.s32 @!p1 $0x3E8, s21  }
0x1a0: {  	[tilespmem:s8], [sflag:$0x2] =	stream.indirect.gather @!p1 [hbm4b:s5+s7], $0x40, s4, s7, $0xb8;
	[tilespmem:$0x1DB00] =	vst v63  }
0x1a1: {  	s4 =	sadd.s32 @!p1 $0x448, s21;
	s7 =	simm.s32 @!p1 $0x68;
	s8 =	simm.s32 @!p1 $0x9500  }
0x1a2: {  	[tilespmem:s8], [sflag:$0x2] =	stream.indirect.gather @!p1 [hbm4b:s5+s7], $0x40, s4, s7, $0xb8;
	[tilespmem:$0x1DB00] =	vst v63  }
0x1a3: {  	_ =	swait.ge [sflag:s1], $0x1800  }
0x1a4: {  	[sflag:s1] =	ssyncset.done $0x0  }
0x1a5: {  	[sflag:s1] =	ssyncadd.s32 $0xFFFFE800  }
0x1a6: {  	_ =	swait.ge [sflag:s1], $0x1A00  }
0x1a7: {  	[sflag:s1] =	ssyncset.done $0x0  }
0x1a8: {  	s4 =	simm.s32 @!p0 $0x7;
	[sflag:s1] =	ssyncadd.s32 $0xFFFFE600  }
0x1a9: {  	_ =	swait.ge @!p0 [sflag:s4], $0x3200  }
0x1aa: {  	[sflag:s4] =	ssyncset.done @!p0 $0x0  }
0x1ab: {  	s22 =	simm.s32 $0xAF80;
	[sflag:s4] =	ssyncadd.s32 @!p0 $0xFFFFCE00  }
0x1ac: {  	v0 =	vld [tilespmem:s22+$0xFFFFFF80]  }
0x1ad: {  	s23 =	simm.s32 $0x1980  }
0x1ae: {  	v1 =	vld [tilespmem:s23+$0xFFFFFF80];
	_ =	sdelay $0x2  }
0x1af: {  	v0 =	vmul.f32 $8.000000000e+00, v0;
	_ =	sdelay $0x1  }
0x1b0: {  	v0 =	vadd.f32 v1, v0  }
0x1b1: {  	s25 =	simm.s32 $0x17780  }
0x1b2: {  	[tilespmem:s25+$0xFFFFFF80] =	vst v0  }
0x1b3: {  	v0 =	vld [tilespmem:s22+$0xFFFFFF90];
	_ =	sdelay $0x1  }
0x1b4: {  	v1 =	vld [tilespmem:s23+$0xFFFFFF90];
	_ =	sdelay $0x2  }
0x1b5: {  	v0 =	vmul.f32 $8.000000000e+00, v0;
	_ =	sdelay $0x1  }
0x1b6: {  	v0 =	vadd.f32 v1, v0;
	_ =	sdelay $0x1  }
0x1b7: {  	[tilespmem:s25+$0xFFFFFF90] =	vst v0  }
0x1b8: {  	v0 =	vld [tilespmem:s22+$0xFFFFFFA0];
	_ =	sdelay $0x1  }
0x1b9: {  	v1 =	vld [tilespmem:s23+$0xFFFFFFA0];
	_ =	sdelay $0x2  }
0x1ba: {  	v0 =	vmul.f32 $8.000000000e+00, v0;
	_ =	sdelay $0x1  }
0x1bb: {  	v0 =	vadd.f32 v1, v0;
	_ =	sdelay $0x1  }
0x1bc: {  	[tilespmem:s25+$0xFFFFFFA0] =	vst v0  }
0x1bd: {  	v0 =	vld [tilespmem:s22+$0xFFFFFFB0];
	_ =	sdelay $0x1  }
0x1be: {  	v1 =	vld [tilespmem:s23+$0xFFFFFFB0];
	_ =	sdelay $0x2  }
0x1bf: {  	v0 =	vmul.f32 $8.000000000e+00, v0;
	_ =	sdelay $0x1  }
0x1c0: {  	v0 =	vadd.f32 v1, v0;
	_ =	sdelay $0x1  }
0x1c1: {  	[tilespmem:s25+$0xFFFFFFB0] =	vst v0  }
0x1c2: {  	v0 =	vld [tilespmem:s22+$0xFFFFFFC0];
	_ =	sdelay $0x1  }
0x1c3: {  	v1 =	vld [tilespmem:s23+$0xFFFFFFC0];
	_ =	sdelay $0x2  }
0x1c4: {  	v0 =	vmul.f32 $8.000000000e+00, v0;
	_ =	sdelay $0x1  }
0x1c5: {  	v0 =	vadd.f32 v1, v0;
	_ =	sdelay $0x1  }
0x1c6: {  	[tilespmem:s25+$0xFFFFFFC0] =	vst v0  }
0x1c7: {  	v0 =	vld [tilespmem:s22+$0xFFFFFFD0];
	_ =	sdelay $0x1  }
0x1c8: {  	v1 =	vld [tilespmem:s23+$0xFFFFFFD0];
	_ =	sdelay $0x2  }
0x1c9: {  	v0 =	vmul.f32 $8.000000000e+00, v0;
	_ =	sdelay $0x1  }
0x1ca: {  	v0 =	vadd.f32 v1, v0;
	_ =	sdelay $0x1  }
0x1cb: {  	[tilespmem:s25+$0xFFFFFFD0] =	vst v0  }
0x1cc: {  	v0 =	vld [tilespmem:s22+$0xFFFFFFE0];
	_ =	sdelay $0x1  }
0x1cd: {  	v1 =	vld [tilespmem:s23+$0xFFFFFFE0];
	_ =	sdelay $0x2  }
0x1ce: {  	v0 =	vmul.f32 $8.000000000e+00, v0;
	_ =	sdelay $0x1  }
0x1cf: {  	v0 =	vadd.f32 v1, v0;
	_ =	sdelay $0x1  }
0x1d0: {  	[tilespmem:s25+$0xFFFFFFE0] =	vst v0  }
0x1d1: {  	v0 =	vld [tilespmem:s22+$0xFFFFFFF0];
	_ =	sdelay $0x1  }
0x1d2: {  	v1 =	vld [tilespmem:s23+$0xFFFFFFF0];
	_ =	sdelay $0x2  }
0x1d3: {  	v0 =	vmul.f32 $8.000000000e+00, v0;
	_ =	sdelay $0x1  }
0x1d4: {  	v0 =	vadd.f32 v1, v0;
	_ =	sdelay $0x1  }
0x1d5: {  	[tilespmem:s25+$0xFFFFFFF0] =	vst v0  }
0x1d6: {  	v0 =	vld [tilespmem:s22+$0x0];
	_ =	sdelay $0x1  }
0x1d7: {  	v1 =	vld [tilespmem:s23+$0x0];
	_ =	sdelay $0x2  }
0x1d8: {  	v0 =	vmul.f32 $8.000000000e+00, v0;
	_ =	sdelay $0x1  }
0x1d9: {  	v0 =	vadd.f32 v1, v0;
	_ =	sdelay $0x1  }
0x1da: {  	[tilespmem:s25+$0x0] =	vst v0  }
0x1db: {  	v0 =	vld [tilespmem:s22+$0x10];
	_ =	sdelay $0x1  }
0x1dc: {  	v1 =	vld [tilespmem:s23+$0x10];
	_ =	sdelay $0x2  }
0x1dd: {  	v0 =	vmul.f32 $8.000000000e+00, v0;
	_ =	sdelay $0x1  }
0x1de: {  	v0 =	vadd.f32 v1, v0;
	_ =	sdelay $0x1  }
0x1df: {  	[tilespmem:s25+$0x10] =	vst v0  }
0x1e0: {  	v0 =	vld [tilespmem:s22+$0x20];
	_ =	sdelay $0x1  }
0x1e1: {  	v1 =	vld [tilespmem:s23+$0x20];
	_ =	sdelay $0x2  }
0x1e2: {  	v0 =	vmul.f32 $8.000000000e+00, v0;
	_ =	sdelay $0x1  }
0x1e3: {  	v0 =	vadd.f32 v1, v0;
	_ =	sdelay $0x1  }
0x1e4: {  	[tilespmem:s25+$0x20] =	vst v0  }
0x1e5: {  	v0 =	vld [tilespmem:s22+$0x30];
	_ =	sdelay $0x1  }
0x1e6: {  	v1 =	vld [tilespmem:s23+$0x30];
	_ =	sdelay $0x2  }
0x1e7: {  	v0 =	vmul.f32 $8.000000000e+00, v0;
	_ =	sdelay $0x1  }
0x1e8: {  	v0 =	vadd.f32 v1, v0;
	_ =	sdelay $0x1  }
0x1e9: {  	[tilespmem:s25+$0x30] =	vst v0  }
0x1ea: {  	v0 =	vld [tilespmem:s22+$0x40];
	_ =	sdelay $0x1  }
0x1eb: {  	v1 =	vld [tilespmem:s23+$0x40];
	_ =	sdelay $0x2  }
0x1ec: {  	v0 =	vmul.f32 $8.000000000e+00, v0;
	_ =	sdelay $0x1  }
0x1ed: {  	v0 =	vadd.f32 v1, v0;
	_ =	sdelay $0x1  }
0x1ee: {  	[tilespmem:s25+$0x40] =	vst v0  }
0x1ef: {  	v0 =	vld [tilespmem:s22+$0x50];
	_ =	sdelay $0x1  }
0x1f0: {  	v1 =	vld [tilespmem:s23+$0x50];
	_ =	sdelay $0x2  }
0x1f1: {  	v0 =	vmul.f32 $8.000000000e+00, v0;
	_ =	sdelay $0x1  }
0x1f2: {  	v0 =	vadd.f32 v1, v0;
	_ =	sdelay $0x1  }
0x1f3: {  	[tilespmem:s25+$0x50] =	vst v0  }
0x1f4: {  	v0 =	vld [tilespmem:s22+$0x60];
	_ =	sdelay $0x1  }
0x1f5: {  	v1 =	vld [tilespmem:s23+$0x60];
	_ =	sdelay $0x2  }
0x1f6: {  	v0 =	vmul.f32 $8.000000000e+00, v0;
	_ =	sdelay $0x1  }
0x1f7: {  	v0 =	vadd.f32 v1, v0;
	_ =	sdelay $0x1  }
0x1f8: {  	[tilespmem:s25+$0x60] =	vst v0  }
0x1f9: {  	v0 =	vld [tilespmem:s22+$0x70];
	_ =	sdelay $0x1  }
0x1fa: {  	v1 =	vld [tilespmem:s23+$0x70];
	_ =	sdelay $0x2  }
0x1fb: {  	v0 =	vmul.f32 $8.000000000e+00, v0;
	_ =	sdelay $0x1  }
0x1fc: {  	v0 =	vadd.f32 v1, v0  }
0x1fd: {  	s7 =	simm.s32 $0x0;
	s8 =	simm.s32 $0x17880;
	s4 =	sor.u32 $0x2, s20  }
.LBB2_7:
0x1fe: {  	s7 =	sadd.s32 $0x4, s7;
	[tilespmem:s25+$0x70] =	vst v0;
	s22 =	sadd.s32 $0x100, s22;
	s23 =	sadd.s32 $0x100, s23  }
0x1ff: {  	s25 =	smov.u32 s8;
	v0 =	vld [tilespmem:s22+$0xFFFFFF80];
	p2 =	slt.u32 s7, $0xC4;
	_ =	sdelay $0x1  }
0x200: {  	v1 =	vld [tilespmem:s23+$0xFFFFFF80];
	_ =	sdelay $0x2  }
0x201: {  	v0 =	vmul.f32 $8.000000000e+00, v0;
	_ =	sdelay $0x1  }
0x202: {  	v0 =	vadd.f32 v1, v0;
	_ =	sdelay $0x1  }
0x203: {  	[tilespmem:s8+$0xFFFFFF80] =	vst v0  }
0x204: {  	v0 =	vld [tilespmem:s22+$0xFFFFFF90];
	_ =	sdelay $0x1  }
0x205: {  	v1 =	vld [tilespmem:s23+$0xFFFFFF90];
	_ =	sdelay $0x2  }
0x206: {  	v0 =	vmul.f32 $8.000000000e+00, v0;
	_ =	sdelay $0x1  }
0x207: {  	v0 =	vadd.f32 v1, v0;
	_ =	sdelay $0x1  }
0x208: {  	[tilespmem:s8+$0xFFFFFF90] =	vst v0  }
0x209: {  	v0 =	vld [tilespmem:s22+$0xFFFFFFA0];
	_ =	sdelay $0x1  }
0x20a: {  	v1 =	vld [tilespmem:s23+$0xFFFFFFA0];
	_ =	sdelay $0x2  }
0x20b: {  	v0 =	vmul.f32 $8.000000000e+00, v0;
	_ =	sdelay $0x1  }
0x20c: {  	v0 =	vadd.f32 v1, v0;
	_ =	sdelay $0x1  }
0x20d: {  	[tilespmem:s8+$0xFFFFFFA0] =	vst v0  }
0x20e: {  	v0 =	vld [tilespmem:s22+$0xFFFFFFB0];
	_ =	sdelay $0x1  }
0x20f: {  	v1 =	vld [tilespmem:s23+$0xFFFFFFB0];
	_ =	sdelay $0x2  }
0x210: {  	v0 =	vmul.f32 $8.000000000e+00, v0;
	_ =	sdelay $0x1  }
0x211: {  	v0 =	vadd.f32 v1, v0;
	_ =	sdelay $0x1  }
0x212: {  	[tilespmem:s8+$0xFFFFFFB0] =	vst v0  }
0x213: {  	v0 =	vld [tilespmem:s22+$0xFFFFFFC0];
	_ =	sdelay $0x1  }
0x214: {  	v1 =	vld [tilespmem:s23+$0xFFFFFFC0];
	_ =	sdelay $0x2  }
0x215: {  	v0 =	vmul.f32 $8.000000000e+00, v0;
	_ =	sdelay $0x1  }
0x216: {  	v0 =	vadd.f32 v1, v0;
	_ =	sdelay $0x1  }
0x217: {  	[tilespmem:s8+$0xFFFFFFC0] =	vst v0  }
0x218: {  	v0 =	vld [tilespmem:s22+$0xFFFFFFD0];
	_ =	sdelay $0x1  }
0x219: {  	v1 =	vld [tilespmem:s23+$0xFFFFFFD0];
	_ =	sdelay $0x2  }
0x21a: {  	v0 =	vmul.f32 $8.000000000e+00, v0;
	_ =	sdelay $0x1  }
0x21b: {  	v0 =	vadd.f32 v1, v0;
	_ =	sdelay $0x1  }
0x21c: {  	[tilespmem:s8+$0xFFFFFFD0] =	vst v0  }
0x21d: {  	v0 =	vld [tilespmem:s22+$0xFFFFFFE0];
	_ =	sdelay $0x1  }
0x21e: {  	v1 =	vld [tilespmem:s23+$0xFFFFFFE0];
	_ =	sdelay $0x2  }
0x21f: {  	v0 =	vmul.f32 $8.000000000e+00, v0;
	_ =	sdelay $0x1  }
0x220: {  	v0 =	vadd.f32 v1, v0;
	_ =	sdelay $0x1  }
0x221: {  	[tilespmem:s8+$0xFFFFFFE0] =	vst v0  }
0x222: {  	v0 =	vld [tilespmem:s22+$0xFFFFFFF0];
	_ =	sdelay $0x1  }
0x223: {  	v1 =	vld [tilespmem:s23+$0xFFFFFFF0];
	_ =	sdelay $0x2  }
0x224: {  	v0 =	vmul.f32 $8.000000000e+00, v0;
	_ =	sdelay $0x1  }
0x225: {  	v0 =	vadd.f32 v1, v0;
	_ =	sdelay $0x1  }
0x226: {  	[tilespmem:s8+$0xFFFFFFF0] =	vst v0  }
0x227: {  	v0 =	vld [tilespmem:s22+$0x0];
	_ =	sdelay $0x1  }
0x228: {  	v1 =	vld [tilespmem:s23+$0x0];
	_ =	sdelay $0x2  }
0x229: {  	v0 =	vmul.f32 $8.000000000e+00, v0;
	_ =	sdelay $0x1  }
0x22a: {  	v0 =	vadd.f32 v1, v0;
	_ =	sdelay $0x1  }
0x22b: {  	[tilespmem:s8+$0x0] =	vst v0  }
0x22c: {  	v0 =	vld [tilespmem:s22+$0x10]  }
0x22d: {  	v1 =	vld [tilespmem:s23+$0x10];
	_ =	sdelay $0x3  }
0x22e: {  	v0 =	vmul.f32 $8.000000000e+00, v0;
	_ =	sdelay $0x1  }
0x22f: {  	v0 =	vadd.f32 v1, v0;
	_ =	sdelay $0x1  }
0x230: {  	[tilespmem:s8+$0x10] =	vst v0  }
0x231: {  	v0 =	vld [tilespmem:s22+$0x20]  }
0x232: {  	v1 =	vld [tilespmem:s23+$0x20];
	_ =	sdelay $0x3  }
0x233: {  	v0 =	vmul.f32 $8.000000000e+00, v0;
	_ =	sdelay $0x1  }
0x234: {  	v0 =	vadd.f32 v1, v0;
	_ =	sdelay $0x1  }
0x235: {  	[tilespmem:s8+$0x20] =	vst v0  }
0x236: {  	v0 =	vld [tilespmem:s22+$0x30]  }
0x237: {  	v1 =	vld [tilespmem:s23+$0x30];
	_ =	sdelay $0x3  }
0x238: {  	v0 =	vmul.f32 $8.000000000e+00, v0;
	_ =	sdelay $0x1  }
0x239: {  	v0 =	vadd.f32 v1, v0;
	_ =	sdelay $0x1  }
0x23a: {  	[tilespmem:s8+$0x30] =	vst v0  }
0x23b: {  	v0 =	vld [tilespmem:s22+$0x40]  }
0x23c: {  	v1 =	vld [tilespmem:s23+$0x40];
	_ =	sdelay $0x3  }
0x23d: {  	v0 =	vmul.f32 $8.000000000e+00, v0;
	_ =	sdelay $0x1  }
0x23e: {  	v0 =	vadd.f32 v1, v0;
	_ =	sdelay $0x1  }
0x23f: {  	[tilespmem:s8+$0x40] =	vst v0  }
0x240: {  	v0 =	vld [tilespmem:s22+$0x50]  }
0x241: {  	v1 =	vld [tilespmem:s23+$0x50];
	_ =	sdelay $0x3  }
0x242: {  	v0 =	vmul.f32 $8.000000000e+00, v0;
	_ =	sdelay $0x1  }
0x243: {  	v0 =	vadd.f32 v1, v0;
	_ =	sdelay $0x1  }
0x244: {  	[tilespmem:s8+$0x50] =	vst v0  }
0x245: {  	v0 =	vld [tilespmem:s22+$0x60]  }
0x246: {  	v1 =	vld [tilespmem:s23+$0x60];
	_ =	sdelay $0x3  }
0x247: {  	v0 =	vmul.f32 $8.000000000e+00, v0;
	_ =	sdelay $0x1  }
0x248: {  	v0 =	vadd.f32 v1, v0;
	_ =	sdelay $0x1  }
0x249: {  	[tilespmem:s8+$0x60] =	vst v0  }
0x24a: {  	v0 =	vld [tilespmem:s22+$0x70]  }
0x24b: {  	v1 =	vld [tilespmem:s23+$0x70];
	_ =	sdelay $0x2  }
.Ltmp4:
0x24c: {  	(pc) =	sbr.rel @p2 .LBB2_7-.Ltmp4, $3  }
0x24d: {  	v0 =	vmul.f32 $8.000000000e+00, v0;
	_ =	sdelay $0x1  }
0x24e: {  	v0 =	vadd.f32 v1, v0  }
0x24f: {  	s8 =	sadd.s32 $0x100, s8  }
0x250: {  	s4 =	sadd.s32 s6, s4  }
0x251: {  	s4 =	smul.u32 $0x640, s4;
	_ =	sdelay $0x1  }
0x252: {  	[tilespmem:s25+$0x70] =	vst v0;
	s4 =	sadd.s32 s2, s4  }
0x253: {  	[hbm4b:s4+s3] =	stream.linear.scatter [tilespmem:s0], [sflag:$0x7], $0x3200, $0x38;
	[tilespmem:$0x1DB00] =	vst v63  }
0x254: {  	s7 =	simm.s32 @!p1 $0x60;
	s8 =	simm.s32 @!p1 $0xAF00;
	s4 =	sadd.s32 @!p1 $0x4B0, s21  }
0x255: {  	[tilespmem:s8], [sflag:$0x3] =	stream.indirect.gather @!p1 [hbm4b:s5+s7], $0x40, s4, s7, $0xb8;
	[tilespmem:$0x1DB00] =	vst v63  }
0x256: {  	s4 =	sadd.s32 @!p1 $0x510, s21;
	s7 =	simm.s32 @!p1 $0x68;
	s8 =	simm.s32 @!p1 $0xC700  }
0x257: {  	[tilespmem:s8], [sflag:$0x3] =	stream.indirect.gather @!p1 [hbm4b:s5+s7], $0x40, s4, s7, $0xb8;
	[tilespmem:$0x1DB00] =	vst v63  }
0x258: {  	_ =	swait.ge [sflag:s10], $0x1800  }
0x259: {  	[sflag:s10] =	ssyncset.done $0x0  }
0x25a: {  	[sflag:s10] =	ssyncadd.s32 $0xFFFFE800  }
0x25b: {  	_ =	swait.ge [sflag:s10], $0x1A00  }
0x25c: {  	[sflag:s10] =	ssyncset.done $0x0  }
0x25d: {  	s4 =	simm.s32 @!p0 $0x8;
	[sflag:s10] =	ssyncadd.s32 $0xFFFFE600  }
0x25e: {  	_ =	swait.ge @!p0 [sflag:s4], $0x3200  }
0x25f: {  	[sflag:s4] =	ssyncset.done @!p0 $0x0  }
0x260: {  	s21 =	simm.s32 $0xE180;
	[sflag:s4] =	ssyncadd.s32 @!p0 $0xFFFFCE00  }
0x261: {  	v0 =	vld [tilespmem:s21+$0xFFFFFF80]  }
0x262: {  	s22 =	simm.s32 $0x1980  }
0x263: {  	v1 =	vld [tilespmem:s22+$0xFFFFFF80];
	_ =	sdelay $0x2  }
0x264: {  	v0 =	vmul.f32 $8.000000000e+00, v0;
	_ =	sdelay $0x1  }
0x265: {  	v0 =	vadd.f32 v1, v0  }
0x266: {  	s23 =	simm.s32 $0x1A980  }
0x267: {  	[tilespmem:s23+$0xFFFFFF80] =	vst v0  }
0x268: {  	v0 =	vld [tilespmem:s21+$0xFFFFFF90];
	_ =	sdelay $0x1  }
0x269: {  	v1 =	vld [tilespmem:s22+$0xFFFFFF90];
	_ =	sdelay $0x2  }
0x26a: {  	v0 =	vmul.f32 $8.000000000e+00, v0;
	_ =	sdelay $0x1  }
0x26b: {  	v0 =	vadd.f32 v1, v0;
	_ =	sdelay $0x1  }
0x26c: {  	[tilespmem:s23+$0xFFFFFF90] =	vst v0  }
0x26d: {  	v0 =	vld [tilespmem:s21+$0xFFFFFFA0];
	_ =	sdelay $0x1  }
0x26e: {  	v1 =	vld [tilespmem:s22+$0xFFFFFFA0];
	_ =	sdelay $0x2  }
0x26f: {  	v0 =	vmul.f32 $8.000000000e+00, v0;
	_ =	sdelay $0x1  }
0x270: {  	v0 =	vadd.f32 v1, v0;
	_ =	sdelay $0x1  }
0x271: {  	[tilespmem:s23+$0xFFFFFFA0] =	vst v0  }
0x272: {  	v0 =	vld [tilespmem:s21+$0xFFFFFFB0];
	_ =	sdelay $0x1  }
0x273: {  	v1 =	vld [tilespmem:s22+$0xFFFFFFB0];
	_ =	sdelay $0x2  }
0x274: {  	v0 =	vmul.f32 $8.000000000e+00, v0;
	_ =	sdelay $0x1  }
0x275: {  	v0 =	vadd.f32 v1, v0;
	_ =	sdelay $0x1  }
0x276: {  	[tilespmem:s23+$0xFFFFFFB0] =	vst v0  }
0x277: {  	v0 =	vld [tilespmem:s21+$0xFFFFFFC0];
	_ =	sdelay $0x1  }
0x278: {  	v1 =	vld [tilespmem:s22+$0xFFFFFFC0];
	_ =	sdelay $0x2  }
0x279: {  	v0 =	vmul.f32 $8.000000000e+00, v0;
	_ =	sdelay $0x1  }
0x27a: {  	v0 =	vadd.f32 v1, v0;
	_ =	sdelay $0x1  }
0x27b: {  	[tilespmem:s23+$0xFFFFFFC0] =	vst v0  }
0x27c: {  	v0 =	vld [tilespmem:s21+$0xFFFFFFD0];
	_ =	sdelay $0x1  }
0x27d: {  	v1 =	vld [tilespmem:s22+$0xFFFFFFD0];
	_ =	sdelay $0x2  }
0x27e: {  	v0 =	vmul.f32 $8.000000000e+00, v0;
	_ =	sdelay $0x1  }
0x27f: {  	v0 =	vadd.f32 v1, v0;
	_ =	sdelay $0x1  }
0x280: {  	[tilespmem:s23+$0xFFFFFFD0] =	vst v0  }
0x281: {  	v0 =	vld [tilespmem:s21+$0xFFFFFFE0];
	_ =	sdelay $0x1  }
0x282: {  	v1 =	vld [tilespmem:s22+$0xFFFFFFE0];
	_ =	sdelay $0x2  }
0x283: {  	v0 =	vmul.f32 $8.000000000e+00, v0;
	_ =	sdelay $0x1  }
0x284: {  	v0 =	vadd.f32 v1, v0;
	_ =	sdelay $0x1  }
0x285: {  	[tilespmem:s23+$0xFFFFFFE0] =	vst v0  }
0x286: {  	v0 =	vld [tilespmem:s21+$0xFFFFFFF0];
	_ =	sdelay $0x1  }
0x287: {  	v1 =	vld [tilespmem:s22+$0xFFFFFFF0];
	_ =	sdelay $0x2  }
0x288: {  	v0 =	vmul.f32 $8.000000000e+00, v0;
	_ =	sdelay $0x1  }
0x289: {  	v0 =	vadd.f32 v1, v0;
	_ =	sdelay $0x1  }
0x28a: {  	[tilespmem:s23+$0xFFFFFFF0] =	vst v0  }
0x28b: {  	v0 =	vld [tilespmem:s21+$0x0];
	_ =	sdelay $0x1  }
0x28c: {  	v1 =	vld [tilespmem:s22+$0x0];
	_ =	sdelay $0x2  }
0x28d: {  	v0 =	vmul.f32 $8.000000000e+00, v0;
	_ =	sdelay $0x1  }
0x28e: {  	v0 =	vadd.f32 v1, v0;
	_ =	sdelay $0x1  }
0x28f: {  	[tilespmem:s23+$0x0] =	vst v0  }
0x290: {  	v0 =	vld [tilespmem:s21+$0x10];
	_ =	sdelay $0x1  }
0x291: {  	v1 =	vld [tilespmem:s22+$0x10];
	_ =	sdelay $0x2  }
0x292: {  	v0 =	vmul.f32 $8.000000000e+00, v0;
	_ =	sdelay $0x1  }
0x293: {  	v0 =	vadd.f32 v1, v0;
	_ =	sdelay $0x1  }
0x294: {  	[tilespmem:s23+$0x10] =	vst v0  }
0x295: {  	v0 =	vld [tilespmem:s21+$0x20];
	_ =	sdelay $0x1  }
0x296: {  	v1 =	vld [tilespmem:s22+$0x20];
	_ =	sdelay $0x2  }
0x297: {  	v0 =	vmul.f32 $8.000000000e+00, v0;
	_ =	sdelay $0x1  }
0x298: {  	v0 =	vadd.f32 v1, v0;
	_ =	sdelay $0x1  }
0x299: {  	[tilespmem:s23+$0x20] =	vst v0  }
0x29a: {  	v0 =	vld [tilespmem:s21+$0x30];
	_ =	sdelay $0x1  }
0x29b: {  	v1 =	vld [tilespmem:s22+$0x30];
	_ =	sdelay $0x2  }
0x29c: {  	v0 =	vmul.f32 $8.000000000e+00, v0;
	_ =	sdelay $0x1  }
0x29d: {  	v0 =	vadd.f32 v1, v0;
	_ =	sdelay $0x1  }
0x29e: {  	[tilespmem:s23+$0x30] =	vst v0  }
0x29f: {  	v0 =	vld [tilespmem:s21+$0x40];
	_ =	sdelay $0x1  }
0x2a0: {  	v1 =	vld [tilespmem:s22+$0x40];
	_ =	sdelay $0x2  }
0x2a1: {  	v0 =	vmul.f32 $8.000000000e+00, v0;
	_ =	sdelay $0x1  }
0x2a2: {  	v0 =	vadd.f32 v1, v0;
	_ =	sdelay $0x1  }
0x2a3: {  	[tilespmem:s23+$0x40] =	vst v0  }
0x2a4: {  	v0 =	vld [tilespmem:s21+$0x50];
	_ =	sdelay $0x1  }
0x2a5: {  	v1 =	vld [tilespmem:s22+$0x50];
	_ =	sdelay $0x2  }
0x2a6: {  	v0 =	vmul.f32 $8.000000000e+00, v0;
	_ =	sdelay $0x1  }
0x2a7: {  	v0 =	vadd.f32 v1, v0;
	_ =	sdelay $0x1  }
0x2a8: {  	[tilespmem:s23+$0x50] =	vst v0  }
0x2a9: {  	v0 =	vld [tilespmem:s21+$0x60];
	_ =	sdelay $0x1  }
0x2aa: {  	v1 =	vld [tilespmem:s22+$0x60];
	_ =	sdelay $0x2  }
0x2ab: {  	v0 =	vmul.f32 $8.000000000e+00, v0;
	_ =	sdelay $0x1  }
0x2ac: {  	v0 =	vadd.f32 v1, v0;
	_ =	sdelay $0x1  }
0x2ad: {  	[tilespmem:s23+$0x60] =	vst v0  }
0x2ae: {  	v0 =	vld [tilespmem:s21+$0x70];
	_ =	sdelay $0x1  }
0x2af: {  	v1 =	vld [tilespmem:s22+$0x70];
	_ =	sdelay $0x2  }
0x2b0: {  	v0 =	vmul.f32 $8.000000000e+00, v0;
	_ =	sdelay $0x1  }
0x2b1: {  	v0 =	vadd.f32 v1, v0  }
0x2b2: {  	s7 =	simm.s32 $0x0;
	s8 =	simm.s32 $0x1AA80;
	s4 =	sor.u32 $0x3, s20  }
.LBB2_9:
0x2b3: {  	s7 =	sadd.s32 $0x4, s7;
	[tilespmem:s23+$0x70] =	vst v0;
	s21 =	sadd.s32 $0x100, s21;
	s22 =	sadd.s32 $0x100, s22  }
0x2b4: {  	s23 =	smov.u32 s8;
	v0 =	vld [tilespmem:s21+$0xFFFFFF80];
	p0 =	slt.u32 s7, $0xC4;
	_ =	sdelay $0x1  }
0x2b5: {  	v1 =	vld [tilespmem:s22+$0xFFFFFF80];
	_ =	sdelay $0x2  }
0x2b6: {  	v0 =	vmul.f32 $8.000000000e+00, v0;
	_ =	sdelay $0x1  }
0x2b7: {  	v0 =	vadd.f32 v1, v0;
	_ =	sdelay $0x1  }
0x2b8: {  	[tilespmem:s8+$0xFFFFFF80] =	vst v0  }
0x2b9: {  	v0 =	vld [tilespmem:s21+$0xFFFFFF90];
	_ =	sdelay $0x1  }
0x2ba: {  	v1 =	vld [tilespmem:s22+$0xFFFFFF90];
	_ =	sdelay $0x2  }
0x2bb: {  	v0 =	vmul.f32 $8.000000000e+00, v0;
	_ =	sdelay $0x1  }
0x2bc: {  	v0 =	vadd.f32 v1, v0;
	_ =	sdelay $0x1  }
0x2bd: {  	[tilespmem:s8+$0xFFFFFF90] =	vst v0  }
0x2be: {  	v0 =	vld [tilespmem:s21+$0xFFFFFFA0];
	_ =	sdelay $0x1  }
0x2bf: {  	v1 =	vld [tilespmem:s22+$0xFFFFFFA0];
	_ =	sdelay $0x2  }
0x2c0: {  	v0 =	vmul.f32 $8.000000000e+00, v0;
	_ =	sdelay $0x1  }
0x2c1: {  	v0 =	vadd.f32 v1, v0;
	_ =	sdelay $0x1  }
0x2c2: {  	[tilespmem:s8+$0xFFFFFFA0] =	vst v0  }
0x2c3: {  	v0 =	vld [tilespmem:s21+$0xFFFFFFB0];
	_ =	sdelay $0x1  }
0x2c4: {  	v1 =	vld [tilespmem:s22+$0xFFFFFFB0];
	_ =	sdelay $0x2  }
0x2c5: {  	v0 =	vmul.f32 $8.000000000e+00, v0;
	_ =	sdelay $0x1  }
0x2c6: {  	v0 =	vadd.f32 v1, v0;
	_ =	sdelay $0x1  }
0x2c7: {  	[tilespmem:s8+$0xFFFFFFB0] =	vst v0  }
0x2c8: {  	v0 =	vld [tilespmem:s21+$0xFFFFFFC0];
	_ =	sdelay $0x1  }
0x2c9: {  	v1 =	vld [tilespmem:s22+$0xFFFFFFC0];
	_ =	sdelay $0x2  }
0x2ca: {  	v0 =	vmul.f32 $8.000000000e+00, v0;
	_ =	sdelay $0x1  }
0x2cb: {  	v0 =	vadd.f32 v1, v0;
	_ =	sdelay $0x1  }
0x2cc: {  	[tilespmem:s8+$0xFFFFFFC0] =	vst v0  }
0x2cd: {  	v0 =	vld [tilespmem:s21+$0xFFFFFFD0];
	_ =	sdelay $0x1  }
0x2ce: {  	v1 =	vld [tilespmem:s22+$0xFFFFFFD0];
	_ =	sdelay $0x2  }
0x2cf: {  	v0 =	vmul.f32 $8.000000000e+00, v0;
	_ =	sdelay $0x1  }
0x2d0: {  	v0 =	vadd.f32 v1, v0;
	_ =	sdelay $0x1  }
0x2d1: {  	[tilespmem:s8+$0xFFFFFFD0] =	vst v0  }
0x2d2: {  	v0 =	vld [tilespmem:s21+$0xFFFFFFE0];
	_ =	sdelay $0x1  }
0x2d3: {  	v1 =	vld [tilespmem:s22+$0xFFFFFFE0];
	_ =	sdelay $0x2  }
0x2d4: {  	v0 =	vmul.f32 $8.000000000e+00, v0;
	_ =	sdelay $0x1  }
0x2d5: {  	v0 =	vadd.f32 v1, v0;
	_ =	sdelay $0x1  }
0x2d6: {  	[tilespmem:s8+$0xFFFFFFE0] =	vst v0  }
0x2d7: {  	v0 =	vld [tilespmem:s21+$0xFFFFFFF0];
	_ =	sdelay $0x1  }
0x2d8: {  	v1 =	vld [tilespmem:s22+$0xFFFFFFF0];
	_ =	sdelay $0x2  }
0x2d9: {  	v0 =	vmul.f32 $8.000000000e+00, v0;
	_ =	sdelay $0x1  }
0x2da: {  	v0 =	vadd.f32 v1, v0;
	_ =	sdelay $0x1  }
0x2db: {  	[tilespmem:s8+$0xFFFFFFF0] =	vst v0  }
0x2dc: {  	v0 =	vld [tilespmem:s21+$0x0];
	_ =	sdelay $0x1  }
0x2dd: {  	v1 =	vld [tilespmem:s22+$0x0];
	_ =	sdelay $0x2  }
0x2de: {  	v0 =	vmul.f32 $8.000000000e+00, v0;
	_ =	sdelay $0x1  }
0x2df: {  	v0 =	vadd.f32 v1, v0;
	_ =	sdelay $0x1  }
0x2e0: {  	[tilespmem:s8+$0x0] =	vst v0  }
0x2e1: {  	v0 =	vld [tilespmem:s21+$0x10]  }
0x2e2: {  	v1 =	vld [tilespmem:s22+$0x10];
	_ =	sdelay $0x3  }
0x2e3: {  	v0 =	vmul.f32 $8.000000000e+00, v0;
	_ =	sdelay $0x1  }
0x2e4: {  	v0 =	vadd.f32 v1, v0;
	_ =	sdelay $0x1  }
0x2e5: {  	[tilespmem:s8+$0x10] =	vst v0  }
0x2e6: {  	v0 =	vld [tilespmem:s21+$0x20]  }
0x2e7: {  	v1 =	vld [tilespmem:s22+$0x20];
	_ =	sdelay $0x3  }
0x2e8: {  	v0 =	vmul.f32 $8.000000000e+00, v0;
	_ =	sdelay $0x1  }
0x2e9: {  	v0 =	vadd.f32 v1, v0;
	_ =	sdelay $0x1  }
0x2ea: {  	[tilespmem:s8+$0x20] =	vst v0  }
0x2eb: {  	v0 =	vld [tilespmem:s21+$0x30]  }
0x2ec: {  	v1 =	vld [tilespmem:s22+$0x30];
	_ =	sdelay $0x3  }
0x2ed: {  	v0 =	vmul.f32 $8.000000000e+00, v0;
	_ =	sdelay $0x1  }
0x2ee: {  	v0 =	vadd.f32 v1, v0;
	_ =	sdelay $0x1  }
0x2ef: {  	[tilespmem:s8+$0x30] =	vst v0  }
0x2f0: {  	v0 =	vld [tilespmem:s21+$0x40]  }
0x2f1: {  	v1 =	vld [tilespmem:s22+$0x40];
	_ =	sdelay $0x3  }
0x2f2: {  	v0 =	vmul.f32 $8.000000000e+00, v0;
	_ =	sdelay $0x1  }
0x2f3: {  	v0 =	vadd.f32 v1, v0;
	_ =	sdelay $0x1  }
0x2f4: {  	[tilespmem:s8+$0x40] =	vst v0  }
0x2f5: {  	v0 =	vld [tilespmem:s21+$0x50]  }
0x2f6: {  	v1 =	vld [tilespmem:s22+$0x50];
	_ =	sdelay $0x3  }
0x2f7: {  	v0 =	vmul.f32 $8.000000000e+00, v0;
	_ =	sdelay $0x1  }
0x2f8: {  	v0 =	vadd.f32 v1, v0;
	_ =	sdelay $0x1  }
0x2f9: {  	[tilespmem:s8+$0x50] =	vst v0  }
0x2fa: {  	v0 =	vld [tilespmem:s21+$0x60]  }
0x2fb: {  	v1 =	vld [tilespmem:s22+$0x60];
	_ =	sdelay $0x3  }
0x2fc: {  	v0 =	vmul.f32 $8.000000000e+00, v0;
	_ =	sdelay $0x1  }
0x2fd: {  	v0 =	vadd.f32 v1, v0;
	_ =	sdelay $0x1  }
0x2fe: {  	[tilespmem:s8+$0x60] =	vst v0  }
0x2ff: {  	v0 =	vld [tilespmem:s21+$0x70]  }
0x300: {  	v1 =	vld [tilespmem:s22+$0x70];
	_ =	sdelay $0x2  }
.Ltmp5:
0x301: {  	(pc) =	sbr.rel @p0 .LBB2_9-.Ltmp5, $3  }
0x302: {  	v0 =	vmul.f32 $8.000000000e+00, v0;
	_ =	sdelay $0x1  }
0x303: {  	v0 =	vadd.f32 v1, v0  }
0x304: {  	s8 =	sadd.s32 $0x100, s8  }
.Ltmp6:
0x305: {  	s4 =	sadd.s32 s6, s4;
	(pc) =	sbr.rel @p1 .LBB2_12-.Ltmp6, $3  }
0x306: {  	s4 =	smul.u32 $0x640, s4;
	_ =	sdelay $0x1  }
0x307: {  	[tilespmem:s23+$0x70] =	vst v0;
	s4 =	sadd.s32 s2, s4  }
0x308: {  	[hbm4b:s4+s3] =	stream.linear.scatter [tilespmem:s12], [sflag:$0x8], $0x3200, $0x38;
	[tilespmem:$0x1DB00] =	vst v63  }
0x309: {  	s4 =	smul.u32 $0xC80, s19;
	_ =	sdelay $0x1  }
.Ltmp7:
0x30a: {  	s4 =	sshra.s32 s4, $0x2;
	(pc) =	sbr.rel .LBB2_2-.Ltmp7, $4  }
0x30b: {  	s7 =	sadd.s32 $0x578, s4  }
0x30c: {  	[tilespmem:s24], [sflag:$0x4] =	stream.indirect.gather [hbm4b:s5+s11], $0x40, s7, s11, $0xb8;
	[tilespmem:$0x1DB00] =	vst v63  }
0x30d: {  	s19 =	sadd.s32 $0x1, s19;
	s4 =	sadd.s32 $0x5D8, s4  }
0x30e: {  	[tilespmem:s26], [sflag:$0x4] =	stream.indirect.gather [hbm4b:s5+s13], $0x40, s4, s13, $0xb8;
	[tilespmem:$0x1DB00] =	vst v63  }
.LBB2_13:
0x30f: {  	_ =	sfence.sel $0x180000  }
0x310: {  	[bflag:$0x0] =	sbarrier.arrive $0xFFFF  }
0x311: {  	_ =	strace $0x90000047  }
0x312: {  	s0 =	stileid.u32;
	[bflag:$0x2] =	sbarrier.arrive $0xFFFF  }
0x313: {  	p0 =	sne.s32 s0, $0x0;
	s0 =	rddreg [dreg:$0x2]  }
0x314: {  	s0 =	sadd.s32 @!p0 $0x100000, s0  }
0x315: {  	[sflag:s0] =	ssyncadd.tile.s32 @!p0 $0x1;
	_ =	shalt  }
.Lfunc_end2:
_tile_overlayer_lowered:
.L_overlay_start_2:
0x316: {  	(tag) =	ssettag $0x2  }
0x317: {  	s0 =	rddreg [dreg:$0x0];
	s2 =	stileid.u32  }
0x318: {  	s1 =	rddreg [dreg:$0x1];
	p0 =	sne.s32 s2, $0x0  }
0x319: {  	s3 =	rddreg [dreg:$0x2];
	[bflag:$0x3] =	sbarrier.arrive $0xFFFF;
	s2 =	simm.s32 @!p0 $0x1C09  }
0x31a: {  	[timem:s3], [sflag:s2] =	dma.local @!p0 [hbm:s0], s1  }
0x31b: {  	s0 =	simm.s32 @!p0 $0x9  }
0x31c: {  	_ =	swait.ge @!p0 [sflag:s0], s1  }
0x31d: {  	s1 =	ssub.s32 @!p0 $0x0, s1;
	[sflag:s0] =	ssyncset.done @!p0 $0x0  }
0x31e: {  	[sflag:s0] =	ssyncadd.s32 @!p0 s1  }
0x31f: {  	[bflag:$0x3] =	sbarrier.arrive $0xFFFF  }
0x320: {  	_ =	shalt  }

// kernel: sparse-core-data-format-call.cloned.1.call-start
scs
called_computation_lowered:
.L_overlay_start_0:
0x0: {  	s2 =	sld [smem:$0x3FD9]  }
0x1: {  	s3 =	sld [smem:$0x3FFE];
	_ =	sdelay $0x1  }
0x2: {  	s1 =	srdreg.scid  }
0x3: {  	s0 =	sand.u32 $0x1, s1  }
0x4: {  	s18 =	sshll.u32 s0, $0xA;
	s2 =	sadd.s32 s3, s2  }
0x5: {  	s2 =	sadd.s32 s2, s18  }
0x6: {  	[smem:$0x3FC5] =	sst s2  }
0x7: {  	_ = 	snop  }
0x8: {  	s2 =	sld [smem:$0x3FD0];
	(tm) =	ssettm $0x1  }
0x9: {  	s19 =	sld [smem:$0x3FFB];
	_ =	sdelay $0x3  }
0xa: {  	_ =	strace s19  }
0xb: {  	s3 =	sld [smem:$0x3FFC];
	_ =	sdelay $0x3  }
0xc: {  	_ =	strace s3  }
0xd: {  	s3 =	sld [smem:$0x3FFD];
	_ =	sdelay $0x3  }
0xe: {  	_ =	strace s3  }
0xf: {  	_ =	strace $0x8FFFFFFF  }
0x10: {  	s20 =	sld [smem:$0x3FDB];
	_ =	sdelay $0x1  }
0x11: {  	s4 =	simm.s32 $_scs_section_size  }
0x12: {  	s5 =	simm.s32 $_size__tile_overlayer_lowered;
	s6 =	simm.s32 $_tile_overlayer_lowered  }
0x13: {  	s23 =	simm.s32 $0x1BFF;
	s22 =	sshll.u32 s6, $0x1;
	s3 =	sadd.s32 s4, s20  }
0x14: {  	s7 =	simm.s32 $0x0;
	s21 =	sshll.u32 s5, $0x1;
	s5 =	sadd.s32 s22, s3  }
0x15: {  	[timem:s7], [sflag:s23] =	dma.local [hbm:s5], s21  }
0x16: {  	_ =	swait.ge [sflag:s23], s21  }
0x17: {  	s4 =	ssub.s32 $0x0, s21;
	[sflag:s23] =	ssyncset.done $0x0  }
0x18: {  	[sflag:s23] =	ssyncadd.s32 s4;
	_ =	sdelay $0x1  }
0x19: {  	s24 =	simm.s32 $0x1B8B  }
0x1a: {  	_ =	swait.ge [sflag:s24], $0x1  }
0x1b: {  	[sflag:s24] =	ssyncset.done $0x0  }
0x1c: {  	s26 =	simm.s32 $0x1B8E;
	s25 =	sld [smem:$0x3FFE];
	[sflag:s24] =	ssyncadd.s32 $0xFFFFFFFF  }
0x1d: {  	s27 =	simm.s32 $execute0_lowered;
	[smem:$0x3FD2] =	sst s26  }
0x1e: {  	s5 =	sshll.u32 s27, $0x1;
	_ =	strace $0x80000049;
	[dreg:$0x1] =	wrdreg $0xFFFFFFFF  }
0x1f: {  	s28 =	simm.s32 $_size_execute0_lowered;
	s3 =	sadd.s32 s3, s5;
	[dreg:$0x0] =	wrdreg $0x0  }
0x20: {  	s5 =	sshll.u32 s28, $0x1;
	[dreg:$0x2] =	wrdreg s3  }
0x21: {  	[dreg:$0x3] =	wrdreg s5  }
0x22: {  	[dreg:$0x4] =	wrdreg $0xC0  }
0x23: {  	_ =	task [dreg:s7], $0x5FFFF  }
0x24: {  	[dreg:$0x1] =	wrdreg $0xFFFFFFFF  }
0x25: {  	[dreg:$0x0] =	wrdreg $0x60  }
0x26: {  	[dreg:$0x2] =	wrdreg s25  }
0x27: {  	[dreg:$0x3] =	wrdreg s2  }
0x28: {  	[dreg:$0x4] =	wrdreg $0x9  }
0x29: {  	_ =	task.clear_ibuf [dreg:s7], $0x5FFFF;
	_ =	strace $0x90000049  }
0x2a: {  	s29 =	simm.s32 $0x9;
	_ =	strace $0x8000004B  }
0x2b: {  	_ =	swait.ge [sflag:s29], $0x1  }
0x2c: {  	[sflag:s29] =	ssyncadd.s32 $0xFFFFFFFF  }
0x2d: {  	_ =	strace $0x9000004B  }
0x2e: {  	_ =	sfence  }
0x2f: {  	s30 =	sld [smem:$0x0];
	_ =	sdelay $0x2  }
0x30: {  	s31 =	sshll.u32 s1, $0xD;
	s1 =	sshrl.u32 s1, $0x2  }
0x31: {  	s3 =	sand.u32 $0x4000, s31;
	s1 =	sadd.s32 s1, s30  }
0x32: {  	s0 =	sor.u32 s3, s0;
	s1 =	sshll.u32 s1, $0x11  }
0x33: {  	s0 =	sor.u32 s1, s0  }
0x34: {  	s0 =	sadd.s32 $0x8F2B, s0  }
0x35: {  	[sflag:s0] =	ssyncadd.remote.s32 $0x1  }
0x36: {  	_ =	sfence.sel $0xFFFF  }
0x37: {  	[dreg:$0x0] =	wrdreg $0xFFFFFFFF;
	(pc) =	sbr.abs _section_cstart, $3  }
0x38: {  	[dreg:$0x1] =	wrdreg $0xFFFFFFFF  }
0x39: {  	_ =	task.clear_ibuf [dreg:s7], $0x2FFFF;
	_ =	strace $0x9FFFFFFF  }
0x3a: {  	(tm) =	ssettm $0x7FFFFFFF  }
0x3b: {  	_ =	shalt  }
tec
execute0_lowered:
.L_overlay_start_1:
0x0: {  	(tag) =	ssettag $0x1  }
0x1: {  	s0 =	stileid.u32;
	s6 =	rddreg [dreg:$0x0]  }
0x2: {  	s2 =	rddreg [dreg:$0x1];
	s5 =	srdreg.scid  }
0x3: {  	s31 =	simm.s32 $0x2;
	s13 =	simm.s32 $0x0;
	s1 =	sshll.u32 s0, $0x7  }
0x4: {  	s14 =	simm.s32 $0x0;
	s12 =	simm.s32 $0x0;
	s3 =	sand.u32 $0x380, s1  }
0x5: {  	s5 =	sshll.u32 s5, $0x4;
	s6 =	sadd.s32 $0xC00, s6;
	s4 =	ssub.s32 $0x400, s3  }
0x6: {  	s1 =	rddreg [dreg:$0x2];
	_ =	strace $0x8000004A;
	s7 =	sand.u32 $0x380, s4  }
0x7: {  	s5 =	sand.u32 $0x10, s5;
	p0 =	sne.s32 s7, $0x0;
	s7 =	simm.s32 $0x1  }
.Ltmp0:
0x8: {  	s8 =	sshrl.u32 s4, $0xA;
	s7 =	simm.s32 @!p0 $0x0;
	(pc) =	sbr.rel .LBB1_1-.Ltmp0, $4  }
0x9: {  	s9 =	sor.u32 s0, s5;
	s4 =	simm.s32 $0x1;
	s30 =	sadd.s32 s7, s8  }
0xa: {  	s11 =	smov.u32 s3;
	[sflag:s4] =	ssyncpa.u1 $0x0;
	s5 =	smul.u32 $0x32, s30  }
0xb: {  	[sflag:s31] =	ssyncpa.u1 $0x0;
	p0 =	por $0x0, $0x0;
	s7 =	sshrl.u32 s9, $0x3  }
0xc: {  	s9 =	simm.s32 $0x2000;
	s10 =	smov.u32 s7;
	s8 =	sor.u32 $0x1, s5  }
.LBB1_4:
0xd: {  	s17 =	sand.u32 $0x1F80, s14;
	s13 =	sshll.u32 s13, $0xD  }
0xe: {  	[tilespmem:s16+$0x810 ss:$0x81] =	vst.msk $0xffff, v2;
	s18 =	sshrl.u32 s14, $0x3;
	s31 =	sand.u32 $0x7, s14;
	s17 =	sadd.s32 s2, s17  }
0xf: {  	[tilespmem:s16+$0x1020 ss:$0x81] =	vst.msk $0xffff, v0;
	s18 =	sand.u32 $0xF, s18;
	s14 =	sshll.u32 s31, $0x12;
	s13 =	sadd.s32 s13, s17  }
0x10: {  	[tilespmem:s16+$0x0 ss:$0x81] =	vst.msk $0xffff, v1;
	s14 =	sor.u32 $0x400, s14;
	s13 =	sadd.s32 s18, s13  }
0x11: {  	[hbm4b:s13+s14] =	stream.strided.scatter [tilespmem:s15], [sflag:$0x2], $0x2000, s9, s14, $0x20;
	[tilespmem:$0x8080] =	vst v63  }
.LBB1_5:
0x12: {  	s15 =	sadd.s32 $0x4, s10  }
0x13: {  	s13 =	sadd.s32 $0x400, s11;
	s17 =	smov.u32 s11;
	p2 =	sgt.s32 s15, $0xC7  }
0x14: {  	s17 =	smov.u32 @p2 s13  }
0x15: {  	s15 =	smov.u32 @p2 s7;
	p2 =	sgt.s32 s17, $0x3FF  }
0x16: {  	s17 =	smov.u32 @p2 s3;
	p2 =	sne.s32 s12, s8  }
.Ltmp1:
0x17: {  	p1 =	slt.u32 s12, $0x2;
	(pc) =	sbr.rel @!p2 .LBB1_6-.Ltmp1, $4  }
0x18: {  	s16 =	simm.s32 @!p1 $0x2  }
0x19: {  	s14 =	smov.u32 s11;
	p0 =	por !p0, !p0;
	_ =	swait.ge @!p1 [sflag:s16], $0x2000  }
0x1a: {  	s13 =	smov.u32 s10;
	[sflag:s16] =	ssyncset.done @!p1 $0x0;
	s10 =	smov.u32 s15  }
0x1b: {  	s12 =	sadd.s32 $0x1, s12;
	[sflag:s16] =	ssyncadd.s32 @!p1 $0xFFFFE000;
	s11 =	smov.u32 s17  }
.LBB1_1:
0x1c: {  	p1 =	sge.u32 s12, s5  }
0x1d: {  	s15 =	sand.u32 @!p1 $0x1FFFFFF, s10  }
0x1e: {  	s16 =	smulhi.u32 @!p1 $0x147AE15, s15;
	_ =	sdelay $0x1  }
0x1f: {  	s16 =	smul.u32 @!p1 $0xC8, s16  }
0x20: {  	s17 =	sxor.u32 @!p1 $0xFFFFFFFF, s12;
	s18 =	smul.u32 @!p1 $0xC80, s11  }
0x21: {  	s31 =	sadd.s32 $0xFFFFFFFF, s12;
	s17 =	sshll.u32 @!p1 s17, $0xD;
	s15 =	ssub.s32 @!p1 s15, s16  }
0x22: {  	s16 =	sand.u32 @!p1 $0x2000, s17;
	s17 =	sadd.s32 @!p1 s6, s18;
	s15 =	sshll.u32 @!p1 s15, $0x4  }
0x23: {  	s18 =	simm.s32 @!p1 $0x6400;
	s15 =	sadd.s32 @!p1 s15, s17;
	s17 =	simm.s32 @!p1 $0x40  }
0x24: {  	[tilespmem:s16], [sflag:$0x1] =	stream.strided.gather @!p1 [hbm4b:s15+s17], $0x2000, s18, s17, $0x38;
	[tilespmem:$0x8080] =	vst v63  }
0x25: {  	p1 =	sge.u32 s31, s5  }
.Ltmp2:
0x26: {  	_ = 	snop;
	(pc) =	sbr.rel @p1 .LBB1_5-.Ltmp2, $1  }
0x27: {  	_ =	sdelay $0x3  }
0x28: {  	s15 =	simm.s32 $0x1  }
0x29: {  	_ =	swait.ge [sflag:s4], $0x2000;
	s15 =	simm.s32 @!p0 $0x0  }
0x2a: {  	[sflag:s4] =	ssyncset.done $0x0;
	s16 =	sshll.u32 s15, $0xD  }
0x2b: {  	[sflag:s4] =	ssyncadd.s32 $0xFFFFE000;
	s19 =	sor.u32 $0x20, s16  }
0x2c: {  	s15 =	smul.u32 $0x8100, s15;
	v3 =	vld [tilespmem:s19+$0x10]  }
0x2d: {  	s30 =	sand.u32 $0x1, s12;
	v2 =	vld [tilespmem:s19+$0xFFFFFFF0]  }
0x2e: {  	s16 =	smul.u32 $0x8100, s30;
	s15 =	sshrl.u32 s15, $0x2;
	v0 =	vld [tilespmem:s19+$0x0]  }
0x2f: {  	v1 =	vld [tilespmem:s19+$0xFFFFFFE0];
	s17 =	sor.u32 $0x4000, s15  }
0x30: {  	s31 =	sshrl.u32 s16, $0x2;
	s16 =	sadd.s32 $0x0, s17  }
0x31: {  	s18 =	simm.s32 $0x4;
	s19 =	sadd.s32 $0x40, s19;
	s15 =	sor.u32 $0x4000, s31;
	[tilespmem:s16+$0x1830 ss:$0x81] =	vst.msk $0xffff, v3  }
.LBB1_3:
0x32: {  	v3 =	vld [tilespmem:s19+$0x10];
	p1 =	sne.s32 s18, $0x1FC;
	[tilespmem:s16+$0x810 ss:$0x81] =	vst.msk $0xffff, v2;
	s20 =	smov.u32 s18;
	s18 =	sadd.s32 $0x4, s18  }
.Ltmp3:
0x33: {  	v2 =	vld [tilespmem:s19+$0xFFFFFFF0];
	[tilespmem:s16+$0x1020 ss:$0x81] =	vst.msk $0xffff, v0;
	(pc) =	sbr.rel @p1 .LBB1_3-.Ltmp3, $4  }
0x34: {  	v0 =	vld [tilespmem:s19+$0x0];
	[tilespmem:s16+$0x0 ss:$0x81] =	vst.msk $0xffff, v1  }
0x35: {  	s16 =	sshra.s32 s20, $0x2;
	v1 =	vld [tilespmem:s19+$0xFFFFFFE0]  }
0x36: {  	s16 =	sadd.s32 s16, s17  }
0x37: {  	s19 =	sadd.s32 $0x40, s19;
	[tilespmem:s16+$0x1830 ss:$0x81] =	vst.msk $0xffff, v3  }
.Ltmp4:
0x38: {  	_ = 	snop;
	(pc) =	sbr.rel .LBB1_4-.Ltmp4, $1  }
0x39: {  	_ =	sdelay $0x3  }
.LBB1_6:
0x3a: {  	_ =	sfence.sel $0x180000  }
0x3b: {  	s2 =	simm.s32 $0x1;
	[bflag:$0x0] =	sbarrier.arrive $0xFFFF  }
0x3c: {  	s31 =	simm.s32 $0x2;
	[sflag:s2] =	ssyncpa.u1 $0x1  }
0x3d: {  	[sflag:s31] =	ssyncpa.u1 $0x1  }
0x3e: {  	p0 =	sne.s32 s0, $0x0;
	_ =	strace $0x9000004A  }
0x3f: {  	s0 =	sadd.s32 @!p0 $0x100000, s1;
	[bflag:$0x2] =	sbarrier.arrive $0xFFFF  }
0x40: {  	[sflag:s0] =	ssyncadd.tile.s32 @!p0 $0x1;
	_ =	shalt  }
.Lfunc_end1:
_tile_overlayer_lowered:
.L_overlay_start_2:
0x41: {  	(tag) =	ssettag $0x2  }
0x42: {  	s0 =	rddreg [dreg:$0x0];
	s2 =	stileid.u32  }
0x43: {  	s1 =	rddreg [dreg:$0x1];
	p0 =	sne.s32 s2, $0x0  }
0x44: {  	s3 =	rddreg [dreg:$0x2];
	[bflag:$0x3] =	sbarrier.arrive $0xFFFF;
	s2 =	simm.s32 @!p0 $0x1C01  }
0x45: {  	[timem:s3], [sflag:s2] =	dma.local @!p0 [hbm:s0], s1  }
0x46: {  	s0 =	simm.s32 @!p0 $0x1  }
0x47: {  	_ =	swait.ge @!p0 [sflag:s0], s1  }
0x48: {  	s1 =	ssub.s32 @!p0 $0x0, s1;
	[sflag:s0] =	ssyncset.done @!p0 $0x0  }
0x49: {  	[sflag:s0] =	ssyncadd.s32 @!p0 s1  }
0x4a: {  	[bflag:$0x3] =	sbarrier.arrive $0xFFFF  }
0x4b: {  	_ =	shalt  }

</sc_bundles>
